<compile_context>
chip_gen: v7x
topology: tpu7x:2x2x1
jax: 0.10.2.dev20260603
libtpu: 0.0.44.dev20260713+nightly
codegen_flags: <defaults>
</compile_context>

<pallas_src>
import functools

import jax
import jax.numpy as jnp
from jax import lax
from jax.experimental import pallas as pl
from jax.experimental.pallas import tpu as pltpu
from jax.experimental.pallas import tpu_sc as plsc

_NC = 2
_NS = 16
_NW = _NC * _NS
_LANES = 16


def _row_segments(L):
    segs = []
    off = 0
    while off < L:
        n = min(128, L - off)
        segs.append((off, n))
        off += n
    return segs


def _pool_sums(x, table, B, L, E):
    R = B // _NW
    CB = 4
    NCHUNK = R // CB
    EG = E // _LANES
    U = 4
    segs = _row_segments(L)
    assert NCHUNK % 2 == 0 and L % U == 0

    mesh = plsc.VectorSubcoreMesh(core_axis_name="c", subcore_axis_name="s")

    @functools.partial(
        pl.kernel,
        out_type=jax.ShapeDtypeStruct((B, E), jnp.float32),
        mesh=mesh,
        compiler_params=pltpu.CompilerParams(use_tc_tiling_on_sc=False),
        scratch_types=[
            pltpu.VMEM((R, L), jnp.int32),
            pltpu.VMEM((CB * L, E), jnp.float32),
            pltpu.VMEM((CB * L, E), jnp.float32),
            pltpu.VMEM((R, E), jnp.float32),
            pltpu.SemaphoreType.DMA,
            pltpu.SemaphoreType.DMA,
        ],
    )
    def pool(x_hbm, tab_hbm, out_hbm, idx_v, rows_a, rows_b, acc_v, sem_a, sem_b):
        w = lax.axis_index("s") * _NC + lax.axis_index("c")
        row0 = w * R

        def copies(c, buf, sem):
            out = []
            for b in range(CB):
                for (o, n) in segs:
                    src = tab_hbm.at[idx_v.at[c * CB + b, pl.ds(o, n)]]
                    dst = buf.at[pl.ds(b * L + o, n)]
                    out.append(pltpu.make_async_copy(src, dst, sem))
            return out

        def fire(c, buf, sem):
            for d in copies(c, buf, sem):
                d.start()

        def drain(c, buf, sem):
            for d in copies(c, buf, sem):
                d.wait()

        def compute(c, buf):
            for b in range(CB):
                base = b * L

                def body(j, accs, base=base):
                    r = base + j * U
                    out = list(accs)
                    for g in range(EG):
                        s = pl.ds(g * _LANES, _LANES)
                        out[2 * g] = out[2 * g] + buf[r, s] + buf[r + 1, s]
                        out[2 * g + 1] = out[2 * g + 1] + buf[r + 2, s] + buf[r + 3, s]
                    return tuple(out)

                accs = lax.fori_loop(
                    0, L // U, body,
                    tuple(jnp.zeros((_LANES,), jnp.float32) for _ in range(2 * EG)))
                row = c * CB + b
                for g in range(EG):
                    acc_v[row, pl.ds(g * _LANES, _LANES)] = accs[2 * g] + accs[2 * g + 1]

        pltpu.sync_copy(x_hbm.at[pl.ds(row0, R)], idx_v)
        fire(0, rows_a, sem_a)

        @pl.loop(0, NCHUNK - 2, step=2)
        def _pair(c0):
            fire(c0 + 1, rows_b, sem_b)
            drain(c0, rows_a, sem_a)
            compute(c0, rows_a)
            fire(c0 + 2, rows_a, sem_a)
            drain(c0 + 1, rows_b, sem_b)
            compute(c0 + 1, rows_b)

        c0 = NCHUNK - 2
        fire(c0 + 1, rows_b, sem_b)
        drain(c0, rows_a, sem_a)
        compute(c0, rows_a)
        drain(c0 + 1, rows_b, sem_b)
        compute(c0 + 1, rows_b)

        pltpu.sync_copy(acc_v, out_hbm.at[pl.ds(row0, R)])

    return pool(x, table)


def _mlp(pooled, w1t, b1r, w2t, b2r, inv_l):
    B = pooled.shape[0]
    OUT = w2t.shape[1]

    def body(s_ref, w1_ref, b1_ref, w2_ref, b2_ref, o_ref):
        h = s_ref[...] * inv_l
        h = jnp.dot(h, w1_ref[...], preferred_element_type=jnp.float32) + b1_ref[...]
        h = jnp.maximum(h, 0.0)
        o = jnp.dot(h, w2_ref[...], preferred_element_type=jnp.float32) + b2_ref[...]
        o_ref[...] = 1.0 / (1.0 + jnp.exp(-o))

    return pl.pallas_call(
        body,
        out_shape=jax.ShapeDtypeStruct((B, OUT), jnp.float32),
    )(pooled, w1t, b1r, w2t, b2r)


def kernel(x, table, W1, b1, W2, b2):
    B, L = x.shape
    _, E = table.shape
    HID = W1.shape[0]
    OUT = W2.shape[0]
    assert B % _NW == 0 and L % 8 == 0 and E % _LANES == 0

    pooled = _pool_sums(x.astype(jnp.int32), table, B, L, E)
    return _mlp(
        pooled,
        W1.T,
        b1.reshape(1, HID),
        W2.T,
        b2.reshape(1, OUT),
        1.0 / L,
    )

# --- scband reference (transcript-rebuilt; emitter-appended) ---
"""Pipeline reference for scband-trainable-sentiment-analysis-model-71949292143367 (READ-ONLY COPY).

The authoritative reference and input builder live on the scoring server;
editing this copy changes nothing except your own understanding.
"""

import jax, jax.numpy as jnp
import numpy as np

VOCAB = 1000000
EMBED = 32
HIDDEN = 64
OUT = 1
B = 4096
L = 200

def setup_inputs(seed: int = 0) -> dict:
    key = jax.random.key(seed)
    k_x, k_emb, k_w1, k_b1, k_w2, k_b2 = jax.random.split(key, 6)
    x = jax.random.randint(k_x, (B, L), 0, VOCAB, dtype=jnp.int64) if jax.config.jax_enable_x64 else jax.random.randint(k_x, (B, L), 0, VOCAB, dtype=jnp.int32)
    table = jax.random.normal(k_emb, (VOCAB, EMBED), dtype=jnp.float32)
    W1 = jax.random.normal(k_w1, (HIDDEN, EMBED), dtype=jnp.float32) * (1.0 / np.sqrt(EMBED))
    b1 = jax.random.normal(k_b1, (HIDDEN,), dtype=jnp.float32) * 0.01
    W2 = jax.random.normal(k_w2, (OUT, HIDDEN), dtype=jnp.float32) * (1.0 / np.sqrt(HIDDEN))
    b2 = jax.random.normal(k_b2, (OUT,), dtype=jnp.float32) * 0.01
    return {"x": x, "table": table, "W1": W1, "b1": b1, "W2": W2, "b2": b2}

def reference(x, table, W1, b1, W2, b2):
    rdim = 0 if x.ndim == 1 else 1
    emb = jnp.take(table, x, axis=0)          # [B, L, EMBED] embedding gather
    h = jnp.mean(emb, axis=rdim)               # [B, EMBED]
    h = h @ W1.T + b1                           # [B, HIDDEN]
    h = jax.nn.relu(h)
    h = h @ W2.T + b2                           # [B, OUT]
    return jax.nn.sigmoid(h)

if __name__ == "__main__":
    import jax
    _d = setup_inputs()
    print(jax.jit(kernel)(*tuple(_d.values())))

</pallas_src>

<mosaic_0001>
#map = affine_map<(d0, d1) -> (0, 0)>
module attributes {stable_mosaic.version = 14 : i64} {
  func.func @pool(%arg0: i32, %arg1: i32, %arg2: memref<4096x200xi32, #tpu.memory_space<hbm>>, %arg3: memref<1000000x32xf32, #tpu.memory_space<hbm>>, %arg4: memref<4096x32xf32, #tpu.memory_space<hbm>>, %arg5: memref<128x200xi32, #tpu.memory_space<vmem>>, %arg6: memref<800x32xf32, #tpu.memory_space<vmem>>, %arg7: memref<800x32xf32, #tpu.memory_space<vmem>>, %arg8: memref<128x32xf32, #tpu.memory_space<vmem>>, %arg9: memref<!tpu.dma_semaphore, #tpu.memory_space<semaphore_mem>>, %arg10: memref<!tpu.dma_semaphore, #tpu.memory_space<semaphore_mem>>) attributes {dimension_semantics = [#tpu.dimension_semantics<core_parallel>, #tpu.dimension_semantics<subcore_parallel>], iteration_bounds = array<i64: 2, 16>, scalar_prefetch = 0 : i64, scratch_operands = 6 : i64, tpu.core_type = #tpu.core_type<sc_vector_subcore>, window_params = [{transform_indices = #map}, {transform_indices = #map}, {transform_indices = #map}]} {
    %mul3A = arith.constant 2 : i32
    %mul3A_0 = arith.muli %arg1, %mul3A : i32
    %add3A = arith.addi %mul3A_0, %arg0 : i32
    %mul3A_1 = arith.constant 128 : i32
    %mul3A_2 = arith.muli %add3A, %mul3A_1 : i32
    "tpu.region"() ({
      %run_scoped3A = tpu.sem_alloc : memref<!tpu.dma_semaphore, #tpu.memory_space<semaphore_mem>>
      %dma_start3A_547 = arith.constant 0 : i32
      %dma_start3A_548 = tpu.memref_slice %arg2[%mul3A_2, %dma_start3A_547] : memref<4096x200xi32, #tpu.memory_space<hbm>> -> memref<128x200xi32, #tpu.memory_space<hbm>>
      %dma_start3A_549 = arith.constant 0 : i32
      %dma_start3A_550 = tpu.memref_slice %arg2[%mul3A_2, %dma_start3A_549] : memref<4096x200xi32, #tpu.memory_space<hbm>> -> memref<128x200xi32, #tpu.memory_space<hbm>>
      tpu.enqueue_dma source(%dma_start3A_550 : memref<128x200xi32, #tpu.memory_space<hbm>>) target(%arg5 : memref<128x200xi32, #tpu.memory_space<vmem>>) target_semaphore(%run_scoped3A : memref<!tpu.dma_semaphore, #tpu.memory_space<semaphore_mem>>)
      %dma_wait3A_551 = arith.constant 0 : i32
      %dma_wait3A_552 = tpu.memref_slice %arg2[%mul3A_2, %dma_wait3A_551] : memref<4096x200xi32, #tpu.memory_space<hbm>> -> memref<128x200xi32, #tpu.memory_space<hbm>>
      %dma_wait3A_553 = arith.constant 0 : i32
      %dma_wait3A_554 = tpu.memref_slice %arg2[%mul3A_2, %dma_wait3A_553] : memref<4096x200xi32, #tpu.memory_space<hbm>> -> memref<128x200xi32, #tpu.memory_space<hbm>>
      tpu.wait_dma2 semaphore(%run_scoped3A : memref<!tpu.dma_semaphore, #tpu.memory_space<semaphore_mem>>) src(%dma_wait3A_554 : memref<128x200xi32, #tpu.memory_space<hbm>>) dst(%arg5 : memref<128x200xi32, #tpu.memory_space<vmem>>)
      tpu.yield
    }) : () -> ()
    %dma_start3A = arith.constant 0 : i32
    %dma_start3A_3 = arith.constant 0 : i32
    %dma_start3A_4 = arith.constant 0 : i32
    %dma_start3A_5 = tpu.memref_slice %arg6[%dma_start3A_3, %dma_start3A_4] : memref<800x32xf32, #tpu.memory_space<vmem>> -> memref<128x32xf32, #tpu.memory_space<vmem>>
    %dma_start3A_6 = arith.constant 0 : i32
    %dma_start3A_7 = tpu.memref_slice %arg5[%dma_start3A, %dma_start3A_6] : memref<128x200xi32, #tpu.memory_space<vmem>> -> memref<1x128xi32, #tpu.memory_space<vmem>>
    %dma_start3A_8 = tpu.memref_squeeze %dma_start3A_7 : memref<1x128xi32, #tpu.memory_space<vmem>> -> memref<128xi32, #tpu.memory_space<vmem>>
    %dma_start3A_9 = arith.constant 0 : i32
    %dma_start3A_10 = arith.constant 0 : i32
    %dma_start3A_11 = tpu.memref_slice %arg3[%dma_start3A_9, %dma_start3A_10] : memref<1000000x32xf32, #tpu.memory_space<hbm>> -> memref<1000000x32xf32, #tpu.memory_space<hbm>>
    tpu.enqueue_indirect_dma source(%dma_start3A_11 : memref<1000000x32xf32, #tpu.memory_space<hbm>>) target(%dma_start3A_5 : memref<128x32xf32, #tpu.memory_space<vmem>>) offsets(%dma_start3A_8 : memref<128xi32, #tpu.memory_space<vmem>>) semaphore(%arg9 : memref<!tpu.dma_semaphore, #tpu.memory_space<semaphore_mem>>)
    %dma_start3A_12 = arith.constant 0 : i32
    %dma_start3A_13 = arith.constant 128 : i32
    %dma_start3A_14 = arith.constant 0 : i32
    %dma_start3A_15 = tpu.memref_slice %arg6[%dma_start3A_13, %dma_start3A_14] : memref<800x32xf32, #tpu.memory_space<vmem>> -> memref<72x32xf32, #tpu.memory_space<vmem>>
    %dma_start3A_16 = arith.constant 128 : i32
    %dma_start3A_17 = tpu.memref_slice %arg5[%dma_start3A_12, %dma_start3A_16] : memref<128x200xi32, #tpu.memory_space<vmem>> -> memref<1x72xi32, #tpu.memory_space<vmem>>
    %dma_start3A_18 = tpu.memref_squeeze %dma_start3A_17 : memref<1x72xi32, #tpu.memory_space<vmem>> -> memref<72xi32, #tpu.memory_space<vmem>>
    %dma_start3A_19 = arith.constant 0 : i32
    %dma_start3A_20 = arith.constant 0 : i32
    %dma_start3A_21 = tpu.memref_slice %arg3[%dma_start3A_19, %dma_start3A_20] : memref<1000000x32xf32, #tpu.memory_space<hbm>> -> memref<1000000x32xf32, #tpu.memory_space<hbm>>
    tpu.enqueue_indirect_dma source(%dma_start3A_21 : memref<1000000x32xf32, #tpu.memory_space<hbm>>) target(%dma_start3A_15 : memref<72x32xf32, #tpu.memory_space<vmem>>) offsets(%dma_start3A_18 : memref<72xi32, #tpu.memory_space<vmem>>) semaphore(%arg9 : memref<!tpu.dma_semaphore, #tpu.memory_space<semaphore_mem>>)
    %dma_start3A_22 = arith.constant 1 : i32
    %dma_start3A_23 = arith.constant 200 : i32
    %dma_start3A_24 = arith.constant 0 : i32
    %dma_start3A_25 = tpu.memref_slice %arg6[%dma_start3A_23, %dma_start3A_24] : memref<800x32xf32, #tpu.memory_space<vmem>> -> memref<128x32xf32, #tpu.memory_space<vmem>>
    %dma_start3A_26 = arith.constant 0 : i32
    %dma_start3A_27 = tpu.memref_slice %arg5[%dma_start3A_22, %dma_start3A_26] : memref<128x200xi32, #tpu.memory_space<vmem>> -> memref<1x128xi32, #tpu.memory_space<vmem>>
    %dma_start3A_28 = tpu.memref_squeeze %dma_start3A_27 : memref<1x128xi32, #tpu.memory_space<vmem>> -> memref<128xi32, #tpu.memory_space<vmem>>
    %dma_start3A_29 = arith.constant 0 : i32
    %dma_start3A_30 = arith.constant 0 : i32
    %dma_start3A_31 = tpu.memref_slice %arg3[%dma_start3A_29, %dma_start3A_30] : memref<1000000x32xf32, #tpu.memory_space<hbm>> -> memref<1000000x32xf32, #tpu.memory_space<hbm>>
    tpu.enqueue_indirect_dma source(%dma_start3A_31 : memref<1000000x32xf32, #tpu.memory_space<hbm>>) target(%dma_start3A_25 : memref<128x32xf32, #tpu.memory_space<vmem>>) offsets(%dma_start3A_28 : memref<128xi32, #tpu.memory_space<vmem>>) semaphore(%arg9 : memref<!tpu.dma_semaphore, #tpu.memory_space<semaphore_mem>>)
    %dma_start3A_32 = arith.constant 1 : i32
    %dma_start3A_33 = arith.constant 328 : i32
    %dma_start3A_34 = arith.constant 0 : i32
    %dma_start3A_35 = tpu.memref_slice %arg6[%dma_start3A_33, %dma_start3A_34] : memref<800x32xf32, #tpu.memory_space<vmem>> -> memref<72x32xf32, #tpu.memory_space<vmem>>
    %dma_start3A_36 = arith.constant 128 : i32
    %dma_start3A_37 = tpu.memref_slice %arg5[%dma_start3A_32, %dma_start3A_36] : memref<128x200xi32, #tpu.memory_space<vmem>> -> memref<1x72xi32, #tpu.memory_space<vmem>>
    %dma_start3A_38 = tpu.memref_squeeze %dma_start3A_37 : memref<1x72xi32, #tpu.memory_space<vmem>> -> memref<72xi32, #tpu.memory_space<vmem>>
    %dma_start3A_39 = arith.constant 0 : i32
    %dma_start3A_40 = arith.constant 0 : i32
    %dma_start3A_41 = tpu.memref_slice %arg3[%dma_start3A_39, %dma_start3A_40] : memref<1000000x32xf32, #tpu.memory_space<hbm>> -> memref<1000000x32xf32, #tpu.memory_space<hbm>>
    tpu.enqueue_indirect_dma source(%dma_start3A_41 : memref<1000000x32xf32, #tpu.memory_space<hbm>>) target(%dma_start3A_35 : memref<72x32xf32, #tpu.memory_space<vmem>>) offsets(%dma_start3A_38 : memref<72xi32, #tpu.memory_space<vmem>>) semaphore(%arg9 : memref<!tpu.dma_semaphore, #tpu.memory_space<semaphore_mem>>)
    %dma_start3A_42 = arith.constant 2 : i32
    %dma_start3A_43 = arith.constant 400 : i32
    %dma_start3A_44 = arith.constant 0 : i32
    %dma_start3A_45 = tpu.memref_slice %arg6[%dma_start3A_43, %dma_start3A_44] : memref<800x32xf32, #tpu.memory_space<vmem>> -> memref<128x32xf32, #tpu.memory_space<vmem>>
    %dma_start3A_46 = arith.constant 0 : i32
    %dma_start3A_47 = tpu.memref_slice %arg5[%dma_start3A_42, %dma_start3A_46] : memref<128x200xi32, #tpu.memory_space<vmem>> -> memref<1x128xi32, #tpu.memory_space<vmem>>
    %dma_start3A_48 = tpu.memref_squeeze %dma_start3A_47 : memref<1x128xi32, #tpu.memory_space<vmem>> -> memref<128xi32, #tpu.memory_space<vmem>>
    %dma_start3A_49 = arith.constant 0 : i32
    %dma_start3A_50 = arith.constant 0 : i32
    %dma_start3A_51 = tpu.memref_slice %arg3[%dma_start3A_49, %dma_start3A_50] : memref<1000000x32xf32, #tpu.memory_space<hbm>> -> memref<1000000x32xf32, #tpu.memory_space<hbm>>
    tpu.enqueue_indirect_dma source(%dma_start3A_51 : memref<1000000x32xf32, #tpu.memory_space<hbm>>) target(%dma_start3A_45 : memref<128x32xf32, #tpu.memory_space<vmem>>) offsets(%dma_start3A_48 : memref<128xi32, #tpu.memory_space<vmem>>) semaphore(%arg9 : memref<!tpu.dma_semaphore, #tpu.memory_space<semaphore_mem>>)
    %dma_start3A_52 = arith.constant 2 : i32
    %dma_start3A_53 = arith.constant 528 : i32
    %dma_start3A_54 = arith.constant 0 : i32
    %dma_start3A_55 = tpu.memref_slice %arg6[%dma_start3A_53, %dma_start3A_54] : memref<800x32xf32, #tpu.memory_space<vmem>> -> memref<72x32xf32, #tpu.memory_space<vmem>>
    %dma_start3A_56 = arith.constant 128 : i32
    %dma_start3A_57 = tpu.memref_slice %arg5[%dma_start3A_52, %dma_start3A_56] : memref<128x200xi32, #tpu.memory_space<vmem>> -> memref<1x72xi32, #tpu.memory_space<vmem>>
    %dma_start3A_58 = tpu.memref_squeeze %dma_start3A_57 : memref<1x72xi32, #tpu.memory_space<vmem>> -> memref<72xi32, #tpu.memory_space<vmem>>
    %dma_start3A_59 = arith.constant 0 : i32
    %dma_start3A_60 = arith.constant 0 : i32
    %dma_start3A_61 = tpu.memref_slice %arg3[%dma_start3A_59, %dma_start3A_60] : memref<1000000x32xf32, #tpu.memory_space<hbm>> -> memref<1000000x32xf32, #tpu.memory_space<hbm>>
    tpu.enqueue_indirect_dma source(%dma_start3A_61 : memref<1000000x32xf32, #tpu.memory_space<hbm>>) target(%dma_start3A_55 : memref<72x32xf32, #tpu.memory_space<vmem>>) offsets(%dma_start3A_58 : memref<72xi32, #tpu.memory_space<vmem>>) semaphore(%arg9 : memref<!tpu.dma_semaphore, #tpu.memory_space<semaphore_mem>>)
    %dma_start3A_62 = arith.constant 3 : i32
    %dma_start3A_63 = arith.constant 600 : i32
    %dma_start3A_64 = arith.constant 0 : i32
    %dma_start3A_65 = tpu.memref_slice %arg6[%dma_start3A_63, %dma_start3A_64] : memref<800x32xf32, #tpu.memory_space<vmem>> -> memref<128x32xf32, #tpu.memory_space<vmem>>
    %dma_start3A_66 = arith.constant 0 : i32
    %dma_start3A_67 = tpu.memref_slice %arg5[%dma_start3A_62, %dma_start3A_66] : memref<128x200xi32, #tpu.memory_space<vmem>> -> memref<1x128xi32, #tpu.memory_space<vmem>>
    %dma_start3A_68 = tpu.memref_squeeze %dma_start3A_67 : memref<1x128xi32, #tpu.memory_space<vmem>> -> memref<128xi32, #tpu.memory_space<vmem>>
    %dma_start3A_69 = arith.constant 0 : i32
    %dma_start3A_70 = arith.constant 0 : i32
    %dma_start3A_71 = tpu.memref_slice %arg3[%dma_start3A_69, %dma_start3A_70] : memref<1000000x32xf32, #tpu.memory_space<hbm>> -> memref<1000000x32xf32, #tpu.memory_space<hbm>>
    tpu.enqueue_indirect_dma source(%dma_start3A_71 : memref<1000000x32xf32, #tpu.memory_space<hbm>>) target(%dma_start3A_65 : memref<128x32xf32, #tpu.memory_space<vmem>>) offsets(%dma_start3A_68 : memref<128xi32, #tpu.memory_space<vmem>>) semaphore(%arg9 : memref<!tpu.dma_semaphore, #tpu.memory_space<semaphore_mem>>)
    %dma_start3A_72 = arith.constant 3 : i32
    %dma_start3A_73 = arith.constant 728 : i32
    %dma_start3A_74 = arith.constant 0 : i32
    %dma_start3A_75 = tpu.memref_slice %arg6[%dma_start3A_73, %dma_start3A_74] : memref<800x32xf32, #tpu.memory_space<vmem>> -> memref<72x32xf32, #tpu.memory_space<vmem>>
    %dma_start3A_76 = arith.constant 128 : i32
    %dma_start3A_77 = tpu.memref_slice %arg5[%dma_start3A_72, %dma_start3A_76] : memref<128x200xi32, #tpu.memory_space<vmem>> -> memref<1x72xi32, #tpu.memory_space<vmem>>
    %dma_start3A_78 = tpu.memref_squeeze %dma_start3A_77 : memref<1x72xi32, #tpu.memory_space<vmem>> -> memref<72xi32, #tpu.memory_space<vmem>>
    %dma_start3A_79 = arith.constant 0 : i32
    %dma_start3A_80 = arith.constant 0 : i32
    %dma_start3A_81 = tpu.memref_slice %arg3[%dma_start3A_79, %dma_start3A_80] : memref<1000000x32xf32, #tpu.memory_space<hbm>> -> memref<1000000x32xf32, #tpu.memory_space<hbm>>
    tpu.enqueue_indirect_dma source(%dma_start3A_81 : memref<1000000x32xf32, #tpu.memory_space<hbm>>) target(%dma_start3A_75 : memref<72x32xf32, #tpu.memory_space<vmem>>) offsets(%dma_start3A_78 : memref<72xi32, #tpu.memory_space<vmem>>) semaphore(%arg9 : memref<!tpu.dma_semaphore, #tpu.memory_space<semaphore_mem>>)
    %scan3A = arith.constant 0 : i32
    %scan3A_82 = arith.constant 15 : i32
    %scan3A_83 = arith.addi %scan3A, %scan3A_82 : i32
    %scan3A_84 = arith.constant 1 : i32
    scf.for %scan3A_547 = %scan3A to %scan3A_83 step %scan3A_84  : i32 {
      %mul3A_548 = arith.constant 2 : i32
      %mul3A_549 = arith.muli %scan3A_547, %mul3A_548 : i32
      %add3A_550 = arith.constant 0 : i32
      %add3A_551 = arith.addi %add3A_550, %mul3A_549 : i32
      %add3A_552 = arith.constant 1 : i32
      %add3A_553 = arith.addi %add3A_551, %add3A_552 : i32
      %mul3A_554 = arith.constant 4 : i32
      %mul3A_555 = arith.muli %add3A_553, %mul3A_554 : i32
      %add3A_556 = arith.constant 0 : i32
      %add3A_557 = arith.addi %mul3A_555, %add3A_556 : i32
      %mul3A_558 = arith.constant 4 : i32
      %mul3A_559 = arith.muli %add3A_553, %mul3A_558 : i32
      %add3A_560 = arith.constant 0 : i32
      %add3A_561 = arith.addi %mul3A_559, %add3A_560 : i32
      %mul3A_562 = arith.constant 4 : i32
      %mul3A_563 = arith.muli %add3A_553, %mul3A_562 : i32
      %add3A_564 = arith.constant 1 : i32
      %add3A_565 = arith.addi %mul3A_563, %add3A_564 : i32
      %mul3A_566 = arith.constant 4 : i32
      %mul3A_567 = arith.muli %add3A_553, %mul3A_566 : i32
      %add3A_568 = arith.constant 1 : i32
      %add3A_569 = arith.addi %mul3A_567, %add3A_568 : i32
      %mul3A_570 = arith.constant 4 : i32
      %mul3A_571 = arith.muli %add3A_553, %mul3A_570 : i32
      %add3A_572 = arith.constant 2 : i32
      %add3A_573 = arith.addi %mul3A_571, %add3A_572 : i32
      %mul3A_574 = arith.constant 4 : i32
      %mul3A_575 = arith.muli %add3A_553, %mul3A_574 : i32
      %add3A_576 = arith.constant 2 : i32
      %add3A_577 = arith.addi %mul3A_575, %add3A_576 : i32
      %mul3A_578 = arith.constant 4 : i32
      %mul3A_579 = arith.muli %add3A_553, %mul3A_578 : i32
      %add3A_580 = arith.constant 3 : i32
      %add3A_581 = arith.addi %mul3A_579, %add3A_580 : i32
      %mul3A_582 = arith.constant 4 : i32
      %mul3A_583 = arith.muli %add3A_553, %mul3A_582 : i32
      %add3A_584 = arith.constant 3 : i32
      %add3A_585 = arith.addi %mul3A_583, %add3A_584 : i32
      %dma_start3A_586 = arith.constant 0 : i32
      %dma_start3A_587 = arith.constant 0 : i32
      %dma_start3A_588 = tpu.memref_slice %arg7[%dma_start3A_586, %dma_start3A_587] : memref<800x32xf32, #tpu.memory_space<vmem>> -> memref<128x32xf32, #tpu.memory_space<vmem>>
      %dma_start3A_589 = arith.constant 0 : i32
      %dma_start3A_590 = tpu.memref_slice %arg5[%add3A_557, %dma_start3A_589] : memref<128x200xi32, #tpu.memory_space<vmem>> -> memref<1x128xi32, #tpu.memory_space<vmem>>
      %dma_start3A_591 = tpu.memref_squeeze %dma_start3A_590 : memref<1x128xi32, #tpu.memory_space<vmem>> -> memref<128xi32, #tpu.memory_space<vmem>>
      %dma_start3A_592 = arith.constant 0 : i32
      %dma_start3A_593 = arith.constant 0 : i32
      %dma_start3A_594 = tpu.memref_slice %arg3[%dma_start3A_592, %dma_start3A_593] : memref<1000000x32xf32, #tpu.memory_space<hbm>> -> memref<1000000x32xf32, #tpu.memory_space<hbm>>
      tpu.enqueue_indirect_dma source(%dma_start3A_594 : memref<1000000x32xf32, #tpu.memory_space<hbm>>) target(%dma_start3A_588 : memref<128x32xf32, #tpu.memory_space<vmem>>) offsets(%dma_start3A_591 : memref<128xi32, #tpu.memory_space<vmem>>) semaphore(%arg10 : memref<!tpu.dma_semaphore, #tpu.memory_space<semaphore_mem>>)
      %dma_start3A_595 = arith.constant 128 : i32
      %dma_start3A_596 = arith.constant 0 : i32
      %dma_start3A_597 = tpu.memref_slice %arg7[%dma_start3A_595, %dma_start3A_596] : memref<800x32xf32, #tpu.memory_space<vmem>> -> memref<72x32xf32, #tpu.memory_space<vmem>>
      %dma_start3A_598 = arith.constant 128 : i32
      %dma_start3A_599 = tpu.memref_slice %arg5[%add3A_561, %dma_start3A_598] : memref<128x200xi32, #tpu.memory_space<vmem>> -> memref<1x72xi32, #tpu.memory_space<vmem>>
      %dma_start3A_600 = tpu.memref_squeeze %dma_start3A_599 : memref<1x72xi32, #tpu.memory_space<vmem>> -> memref<72xi32, #tpu.memory_space<vmem>>
      %dma_start3A_601 = arith.constant 0 : i32
      %dma_start3A_602 = arith.constant 0 : i32
      %dma_start3A_603 = tpu.memref_slice %arg3[%dma_start3A_601, %dma_start3A_602] : memref<1000000x32xf32, #tpu.memory_space<hbm>> -> memref<1000000x32xf32, #tpu.memory_space<hbm>>
      tpu.enqueue_indirect_dma source(%dma_start3A_603 : memref<1000000x32xf32, #tpu.memory_space<hbm>>) target(%dma_start3A_597 : memref<72x32xf32, #tpu.memory_space<vmem>>) offsets(%dma_start3A_600 : memref<72xi32, #tpu.memory_space<vmem>>) semaphore(%arg10 : memref<!tpu.dma_semaphore, #tpu.memory_space<semaphore_mem>>)
      %dma_start3A_604 = arith.constant 200 : i32
      %dma_start3A_605 = arith.constant 0 : i32
      %dma_start3A_606 = tpu.memref_slice %arg7[%dma_start3A_604, %dma_start3A_605] : memref<800x32xf32, #tpu.memory_space<vmem>> -> memref<128x32xf32, #tpu.memory_space<vmem>>
      %dma_start3A_607 = arith.constant 0 : i32
      %dma_start3A_608 = tpu.memref_slice %arg5[%add3A_565, %dma_start3A_607] : memref<128x200xi32, #tpu.memory_space<vmem>> -> memref<1x128xi32, #tpu.memory_space<vmem>>
      %dma_start3A_609 = tpu.memref_squeeze %dma_start3A_608 : memref<1x128xi32, #tpu.memory_space<vmem>> -> memref<128xi32, #tpu.memory_space<vmem>>
      %dma_start3A_610 = arith.constant 0 : i32
      %dma_start3A_611 = arith.constant 0 : i32
      %dma_start3A_612 = tpu.memref_slice %arg3[%dma_start3A_610, %dma_start3A_611] : memref<1000000x32xf32, #tpu.memory_space<hbm>> -> memref<1000000x32xf32, #tpu.memory_space<hbm>>
      tpu.enqueue_indirect_dma source(%dma_start3A_612 : memref<1000000x32xf32, #tpu.memory_space<hbm>>) target(%dma_start3A_606 : memref<128x32xf32, #tpu.memory_space<vmem>>) offsets(%dma_start3A_609 : memref<128xi32, #tpu.memory_space<vmem>>) semaphore(%arg10 : memref<!tpu.dma_semaphore, #tpu.memory_space<semaphore_mem>>)
      %dma_start3A_613 = arith.constant 328 : i32
      %dma_start3A_614 = arith.constant 0 : i32
      %dma_start3A_615 = tpu.memref_slice %arg7[%dma_start3A_613, %dma_start3A_614] : memref<800x32xf32, #tpu.memory_space<vmem>> -> memref<72x32xf32, #tpu.memory_space<vmem>>
      %dma_start3A_616 = arith.constant 128 : i32
      %dma_start3A_617 = tpu.memref_slice %arg5[%add3A_569, %dma_start3A_616] : memref<128x200xi32, #tpu.memory_space<vmem>> -> memref<1x72xi32, #tpu.memory_space<vmem>>
      %dma_start3A_618 = tpu.memref_squeeze %dma_start3A_617 : memref<1x72xi32, #tpu.memory_space<vmem>> -> memref<72xi32, #tpu.memory_space<vmem>>
      %dma_start3A_619 = arith.constant 0 : i32
      %dma_start3A_620 = arith.constant 0 : i32
      %dma_start3A_621 = tpu.memref_slice %arg3[%dma_start3A_619, %dma_start3A_620] : memref<1000000x32xf32, #tpu.memory_space<hbm>> -> memref<1000000x32xf32, #tpu.memory_space<hbm>>
      tpu.enqueue_indirect_dma source(%dma_start3A_621 : memref<1000000x32xf32, #tpu.memory_space<hbm>>) target(%dma_start3A_615 : memref<72x32xf32, #tpu.memory_space<vmem>>) offsets(%dma_start3A_618 : memref<72xi32, #tpu.memory_space<vmem>>) semaphore(%arg10 : memref<!tpu.dma_semaphore, #tpu.memory_space<semaphore_mem>>)
      %dma_start3A_622 = arith.constant 400 : i32
      %dma_start3A_623 = arith.constant 0 : i32
      %dma_start3A_624 = tpu.memref_slice %arg7[%dma_start3A_622, %dma_start3A_623] : memref<800x32xf32, #tpu.memory_space<vmem>> -> memref<128x32xf32, #tpu.memory_space<vmem>>
      %dma_start3A_625 = arith.constant 0 : i32
      %dma_start3A_626 = tpu.memref_slice %arg5[%add3A_573, %dma_start3A_625] : memref<128x200xi32, #tpu.memory_space<vmem>> -> memref<1x128xi32, #tpu.memory_space<vmem>>
      %dma_start3A_627 = tpu.memref_squeeze %dma_start3A_626 : memref<1x128xi32, #tpu.memory_space<vmem>> -> memref<128xi32, #tpu.memory_space<vmem>>
      %dma_start3A_628 = arith.constant 0 : i32
      %dma_start3A_629 = arith.constant 0 : i32
      %dma_start3A_630 = tpu.memref_slice %arg3[%dma_start3A_628, %dma_start3A_629] : memref<1000000x32xf32, #tpu.memory_space<hbm>> -> memref<1000000x32xf32, #tpu.memory_space<hbm>>
      tpu.enqueue_indirect_dma source(%dma_start3A_630 : memref<1000000x32xf32, #tpu.memory_space<hbm>>) target(%dma_start3A_624 : memref<128x32xf32, #tpu.memory_space<vmem>>) offsets(%dma_start3A_627 : memref<128xi32, #tpu.memory_space<vmem>>) semaphore(%arg10 : memref<!tpu.dma_semaphore, #tpu.memory_space<semaphore_mem>>)
      %dma_start3A_631 = arith.constant 528 : i32
      %dma_start3A_632 = arith.constant 0 : i32
      %dma_start3A_633 = tpu.memref_slice %arg7[%dma_start3A_631, %dma_start3A_632] : memref<800x32xf32, #tpu.memory_space<vmem>> -> memref<72x32xf32, #tpu.memory_space<vmem>>
      %dma_start3A_634 = arith.constant 128 : i32
      %dma_start3A_635 = tpu.memref_slice %arg5[%add3A_577, %dma_start3A_634] : memref<128x200xi32, #tpu.memory_space<vmem>> -> memref<1x72xi32, #tpu.memory_space<vmem>>
      %dma_start3A_636 = tpu.memref_squeeze %dma_start3A_635 : memref<1x72xi32, #tpu.memory_space<vmem>> -> memref<72xi32, #tpu.memory_space<vmem>>
      %dma_start3A_637 = arith.constant 0 : i32
      %dma_start3A_638 = arith.constant 0 : i32
      %dma_start3A_639 = tpu.memref_slice %arg3[%dma_start3A_637, %dma_start3A_638] : memref<1000000x32xf32, #tpu.memory_space<hbm>> -> memref<1000000x32xf32, #tpu.memory_space<hbm>>
      tpu.enqueue_indirect_dma source(%dma_start3A_639 : memref<1000000x32xf32, #tpu.memory_space<hbm>>) target(%dma_start3A_633 : memref<72x32xf32, #tpu.memory_space<vmem>>) offsets(%dma_start3A_636 : memref<72xi32, #tpu.memory_space<vmem>>) semaphore(%arg10 : memref<!tpu.dma_semaphore, #tpu.memory_space<semaphore_mem>>)
      %dma_start3A_640 = arith.constant 600 : i32
      %dma_start3A_641 = arith.constant 0 : i32
      %dma_start3A_642 = tpu.memref_slice %arg7[%dma_start3A_640, %dma_start3A_641] : memref<800x32xf32, #tpu.memory_space<vmem>> -> memref<128x32xf32, #tpu.memory_space<vmem>>
      %dma_start3A_643 = arith.constant 0 : i32
      %dma_start3A_644 = tpu.memref_slice %arg5[%add3A_581, %dma_start3A_643] : memref<128x200xi32, #tpu.memory_space<vmem>> -> memref<1x128xi32, #tpu.memory_space<vmem>>
      %dma_start3A_645 = tpu.memref_squeeze %dma_start3A_644 : memref<1x128xi32, #tpu.memory_space<vmem>> -> memref<128xi32, #tpu.memory_space<vmem>>
      %dma_start3A_646 = arith.constant 0 : i32
      %dma_start3A_647 = arith.constant 0 : i32
      %dma_start3A_648 = tpu.memref_slice %arg3[%dma_start3A_646, %dma_start3A_647] : memref<1000000x32xf32, #tpu.memory_space<hbm>> -> memref<1000000x32xf32, #tpu.memory_space<hbm>>
      tpu.enqueue_indirect_dma source(%dma_start3A_648 : memref<1000000x32xf32, #tpu.memory_space<hbm>>) target(%dma_start3A_642 : memref<128x32xf32, #tpu.memory_space<vmem>>) offsets(%dma_start3A_645 : memref<128xi32, #tpu.memory_space<vmem>>) semaphore(%arg10 : memref<!tpu.dma_semaphore, #tpu.memory_space<semaphore_mem>>)
      %dma_start3A_649 = arith.constant 728 : i32
      %dma_start3A_650 = arith.constant 0 : i32
      %dma_start3A_651 = tpu.memref_slice %arg7[%dma_start3A_649, %dma_start3A_650] : memref<800x32xf32, #tpu.memory_space<vmem>> -> memref<72x32xf32, #tpu.memory_space<vmem>>
      %dma_start3A_652 = arith.constant 128 : i32
      %dma_start3A_653 = tpu.memref_slice %arg5[%add3A_585, %dma_start3A_652] : memref<128x200xi32, #tpu.memory_space<vmem>> -> memref<1x72xi32, #tpu.memory_space<vmem>>
      %dma_start3A_654 = tpu.memref_squeeze %dma_start3A_653 : memref<1x72xi32, #tpu.memory_space<vmem>> -> memref<72xi32, #tpu.memory_space<vmem>>
      %dma_start3A_655 = arith.constant 0 : i32
      %dma_start3A_656 = arith.constant 0 : i32
      %dma_start3A_657 = tpu.memref_slice %arg3[%dma_start3A_655, %dma_start3A_656] : memref<1000000x32xf32, #tpu.memory_space<hbm>> -> memref<1000000x32xf32, #tpu.memory_space<hbm>>
      tpu.enqueue_indirect_dma source(%dma_start3A_657 : memref<1000000x32xf32, #tpu.memory_space<hbm>>) target(%dma_start3A_651 : memref<72x32xf32, #tpu.memory_space<vmem>>) offsets(%dma_start3A_654 : memref<72xi32, #tpu.memory_space<vmem>>) semaphore(%arg10 : memref<!tpu.dma_semaphore, #tpu.memory_space<semaphore_mem>>)
      %mul3A_658 = arith.constant 4 : i32
      %mul3A_659 = arith.muli %add3A_551, %mul3A_658 : i32
      %add3A_660 = arith.constant 0 : i32
      %add3A_661 = arith.addi %mul3A_659, %add3A_660 : i32
      %mul3A_662 = arith.constant 4 : i32
      %mul3A_663 = arith.muli %add3A_551, %mul3A_662 : i32
      %add3A_664 = arith.constant 0 : i32
      %add3A_665 = arith.addi %mul3A_663, %add3A_664 : i32
      %mul3A_666 = arith.constant 4 : i32
      %mul3A_667 = arith.muli %add3A_551, %mul3A_666 : i32
      %add3A_668 = arith.constant 1 : i32
      %add3A_669 = arith.addi %mul3A_667, %add3A_668 : i32
      %mul3A_670 = arith.constant 4 : i32
      %mul3A_671 = arith.muli %add3A_551, %mul3A_670 : i32
      %add3A_672 = arith.constant 1 : i32
      %add3A_673 = arith.addi %mul3A_671, %add3A_672 : i32
      %mul3A_674 = arith.constant 4 : i32
      %mul3A_675 = arith.muli %add3A_551, %mul3A_674 : i32
      %add3A_676 = arith.constant 2 : i32
      %add3A_677 = arith.addi %mul3A_675, %add3A_676 : i32
      %mul3A_678 = arith.constant 4 : i32
      %mul3A_679 = arith.muli %add3A_551, %mul3A_678 : i32
      %add3A_680 = arith.constant 2 : i32
      %add3A_681 = arith.addi %mul3A_679, %add3A_680 : i32
      %mul3A_682 = arith.constant 4 : i32
      %mul3A_683 = arith.muli %add3A_551, %mul3A_682 : i32
      %add3A_684 = arith.constant 3 : i32
      %add3A_685 = arith.addi %mul3A_683, %add3A_684 : i32
      %mul3A_686 = arith.constant 4 : i32
      %mul3A_687 = arith.muli %add3A_551, %mul3A_686 : i32
      %add3A_688 = arith.constant 3 : i32
      %add3A_689 = arith.addi %mul3A_687, %add3A_688 : i32
      %dma_wait3A_690 = arith.constant 0 : i32
      %dma_wait3A_691 = arith.constant 0 : i32
      %dma_wait3A_692 = tpu.memref_slice %arg6[%dma_wait3A_690, %dma_wait3A_691] : memref<800x32xf32, #tpu.memory_space<vmem>> -> memref<128x32xf32, #tpu.memory_space<vmem>>
      %dma_wait3A_693 = arith.constant 0 : i32
      %dma_wait3A_694 = tpu.memref_slice %arg5[%add3A_661, %dma_wait3A_693] : memref<128x200xi32, #tpu.memory_space<vmem>> -> memref<1x128xi32, #tpu.memory_space<vmem>>
      %dma_wait3A_695 = tpu.memref_squeeze %dma_wait3A_694 : memref<1x128xi32, #tpu.memory_space<vmem>> -> memref<128xi32, #tpu.memory_space<vmem>>
      %dma_wait3A_696 = arith.constant 0 : i32
      %dma_wait3A_697 = arith.constant 0 : i32
      %dma_wait3A_698 = tpu.memref_slice %arg3[%dma_wait3A_696, %dma_wait3A_697] : memref<1000000x32xf32, #tpu.memory_space<hbm>> -> memref<1000000x32xf32, #tpu.memory_space<hbm>>
      tpu.wait_indirect_dma semaphore(%arg9 : memref<!tpu.dma_semaphore, #tpu.memory_space<semaphore_mem>>) src(%dma_wait3A_698 : memref<1000000x32xf32, #tpu.memory_space<hbm>>) dst(%dma_wait3A_692 : memref<128x32xf32, #tpu.memory_space<vmem>>)
      %dma_wait3A_699 = arith.constant 128 : i32
      %dma_wait3A_700 = arith.constant 0 : i32
      %dma_wait3A_701 = tpu.memref_slice %arg6[%dma_wait3A_699, %dma_wait3A_700] : memref<800x32xf32, #tpu.memory_space<vmem>> -> memref<72x32xf32, #tpu.memory_space<vmem>>
      %dma_wait3A_702 = arith.constant 128 : i32
      %dma_wait3A_703 = tpu.memref_slice %arg5[%add3A_665, %dma_wait3A_702] : memref<128x200xi32, #tpu.memory_space<vmem>> -> memref<1x72xi32, #tpu.memory_space<vmem>>
      %dma_wait3A_704 = tpu.memref_squeeze %dma_wait3A_703 : memref<1x72xi32, #tpu.memory_space<vmem>> -> memref<72xi32, #tpu.memory_space<vmem>>
      %dma_wait3A_705 = arith.constant 0 : i32
      %dma_wait3A_706 = arith.constant 0 : i32
      %dma_wait3A_707 = tpu.memref_slice %arg3[%dma_wait3A_705, %dma_wait3A_706] : memref<1000000x32xf32, #tpu.memory_space<hbm>> -> memref<1000000x32xf32, #tpu.memory_space<hbm>>
      tpu.wait_indirect_dma semaphore(%arg9 : memref<!tpu.dma_semaphore, #tpu.memory_space<semaphore_mem>>) src(%dma_wait3A_707 : memref<1000000x32xf32, #tpu.memory_space<hbm>>) dst(%dma_wait3A_701 : memref<72x32xf32, #tpu.memory_space<vmem>>)
      %dma_wait3A_708 = arith.constant 200 : i32
      %dma_wait3A_709 = arith.constant 0 : i32
      %dma_wait3A_710 = tpu.memref_slice %arg6[%dma_wait3A_708, %dma_wait3A_709] : memref<800x32xf32, #tpu.memory_space<vmem>> -> memref<128x32xf32, #tpu.memory_space<vmem>>
      %dma_wait3A_711 = arith.constant 0 : i32
      %dma_wait3A_712 = tpu.memref_slice %arg5[%add3A_669, %dma_wait3A_711] : memref<128x200xi32, #tpu.memory_space<vmem>> -> memref<1x128xi32, #tpu.memory_space<vmem>>
      %dma_wait3A_713 = tpu.memref_squeeze %dma_wait3A_712 : memref<1x128xi32, #tpu.memory_space<vmem>> -> memref<128xi32, #tpu.memory_space<vmem>>
      %dma_wait3A_714 = arith.constant 0 : i32
      %dma_wait3A_715 = arith.constant 0 : i32
      %dma_wait3A_716 = tpu.memref_slice %arg3[%dma_wait3A_714, %dma_wait3A_715] : memref<1000000x32xf32, #tpu.memory_space<hbm>> -> memref<1000000x32xf32, #tpu.memory_space<hbm>>
      tpu.wait_indirect_dma semaphore(%arg9 : memref<!tpu.dma_semaphore, #tpu.memory_space<semaphore_mem>>) src(%dma_wait3A_716 : memref<1000000x32xf32, #tpu.memory_space<hbm>>) dst(%dma_wait3A_710 : memref<128x32xf32, #tpu.memory_space<vmem>>)
      %dma_wait3A_717 = arith.constant 328 : i32
      %dma_wait3A_718 = arith.constant 0 : i32
      %dma_wait3A_719 = tpu.memref_slice %arg6[%dma_wait3A_717, %dma_wait3A_718] : memref<800x32xf32, #tpu.memory_space<vmem>> -> memref<72x32xf32, #tpu.memory_space<vmem>>
      %dma_wait3A_720 = arith.constant 128 : i32
      %dma_wait3A_721 = tpu.memref_slice %arg5[%add3A_673, %dma_wait3A_720] : memref<128x200xi32, #tpu.memory_space<vmem>> -> memref<1x72xi32, #tpu.memory_space<vmem>>
      %dma_wait3A_722 = tpu.memref_squeeze %dma_wait3A_721 : memref<1x72xi32, #tpu.memory_space<vmem>> -> memref<72xi32, #tpu.memory_space<vmem>>
      %dma_wait3A_723 = arith.constant 0 : i32
      %dma_wait3A_724 = arith.constant 0 : i32
      %dma_wait3A_725 = tpu.memref_slice %arg3[%dma_wait3A_723, %dma_wait3A_724] : memref<1000000x32xf32, #tpu.memory_space<hbm>> -> memref<1000000x32xf32, #tpu.memory_space<hbm>>
      tpu.wait_indirect_dma semaphore(%arg9 : memref<!tpu.dma_semaphore, #tpu.memory_space<semaphore_mem>>) src(%dma_wait3A_725 : memref<1000000x32xf32, #tpu.memory_space<hbm>>) dst(%dma_wait3A_719 : memref<72x32xf32, #tpu.memory_space<vmem>>)
      %dma_wait3A_726 = arith.constant 400 : i32
      %dma_wait3A_727 = arith.constant 0 : i32
      %dma_wait3A_728 = tpu.memref_slice %arg6[%dma_wait3A_726, %dma_wait3A_727] : memref<800x32xf32, #tpu.memory_space<vmem>> -> memref<128x32xf32, #tpu.memory_space<vmem>>
      %dma_wait3A_729 = arith.constant 0 : i32
      %dma_wait3A_730 = tpu.memref_slice %arg5[%add3A_677, %dma_wait3A_729] : memref<128x200xi32, #tpu.memory_space<vmem>> -> memref<1x128xi32, #tpu.memory_space<vmem>>
      %dma_wait3A_731 = tpu.memref_squeeze %dma_wait3A_730 : memref<1x128xi32, #tpu.memory_space<vmem>> -> memref<128xi32, #tpu.memory_space<vmem>>
      %dma_wait3A_732 = arith.constant 0 : i32
      %dma_wait3A_733 = arith.constant 0 : i32
      %dma_wait3A_734 = tpu.memref_slice %arg3[%dma_wait3A_732, %dma_wait3A_733] : memref<1000000x32xf32, #tpu.memory_space<hbm>> -> memref<1000000x32xf32, #tpu.memory_space<hbm>>
      tpu.wait_indirect_dma semaphore(%arg9 : memref<!tpu.dma_semaphore, #tpu.memory_space<semaphore_mem>>) src(%dma_wait3A_734 : memref<1000000x32xf32, #tpu.memory_space<hbm>>) dst(%dma_wait3A_728 : memref<128x32xf32, #tpu.memory_space<vmem>>)
      %dma_wait3A_735 = arith.constant 528 : i32
      %dma_wait3A_736 = arith.constant 0 : i32
      %dma_wait3A_737 = tpu.memref_slice %arg6[%dma_wait3A_735, %dma_wait3A_736] : memref<800x32xf32, #tpu.memory_space<vmem>> -> memref<72x32xf32, #tpu.memory_space<vmem>>
      %dma_wait3A_738 = arith.constant 128 : i32
      %dma_wait3A_739 = tpu.memref_slice %arg5[%add3A_681, %dma_wait3A_738] : memref<128x200xi32, #tpu.memory_space<vmem>> -> memref<1x72xi32, #tpu.memory_space<vmem>>
      %dma_wait3A_740 = tpu.memref_squeeze %dma_wait3A_739 : memref<1x72xi32, #tpu.memory_space<vmem>> -> memref<72xi32, #tpu.memory_space<vmem>>
      %dma_wait3A_741 = arith.constant 0 : i32
      %dma_wait3A_742 = arith.constant 0 : i32
      %dma_wait3A_743 = tpu.memref_slice %arg3[%dma_wait3A_741, %dma_wait3A_742] : memref<1000000x32xf32, #tpu.memory_space<hbm>> -> memref<1000000x32xf32, #tpu.memory_space<hbm>>
      tpu.wait_indirect_dma semaphore(%arg9 : memref<!tpu.dma_semaphore, #tpu.memory_space<semaphore_mem>>) src(%dma_wait3A_743 : memref<1000000x32xf32, #tpu.memory_space<hbm>>) dst(%dma_wait3A_737 : memref<72x32xf32, #tpu.memory_space<vmem>>)
      %dma_wait3A_744 = arith.constant 600 : i32
      %dma_wait3A_745 = arith.constant 0 : i32
      %dma_wait3A_746 = tpu.memref_slice %arg6[%dma_wait3A_744, %dma_wait3A_745] : memref<800x32xf32, #tpu.memory_space<vmem>> -> memref<128x32xf32, #tpu.memory_space<vmem>>
      %dma_wait3A_747 = arith.constant 0 : i32
      %dma_wait3A_748 = tpu.memref_slice %arg5[%add3A_685, %dma_wait3A_747] : memref<128x200xi32, #tpu.memory_space<vmem>> -> memref<1x128xi32, #tpu.memory_space<vmem>>
      %dma_wait3A_749 = tpu.memref_squeeze %dma_wait3A_748 : memref<1x128xi32, #tpu.memory_space<vmem>> -> memref<128xi32, #tpu.memory_space<vmem>>
      %dma_wait3A_750 = arith.constant 0 : i32
      %dma_wait3A_751 = arith.constant 0 : i32
      %dma_wait3A_752 = tpu.memref_slice %arg3[%dma_wait3A_750, %dma_wait3A_751] : memref<1000000x32xf32, #tpu.memory_space<hbm>> -> memref<1000000x32xf32, #tpu.memory_space<hbm>>
      tpu.wait_indirect_dma semaphore(%arg9 : memref<!tpu.dma_semaphore, #tpu.memory_space<semaphore_mem>>) src(%dma_wait3A_752 : memref<1000000x32xf32, #tpu.memory_space<hbm>>) dst(%dma_wait3A_746 : memref<128x32xf32, #tpu.memory_space<vmem>>)
      %dma_wait3A_753 = arith.constant 728 : i32
      %dma_wait3A_754 = arith.constant 0 : i32
      %dma_wait3A_755 = tpu.memref_slice %arg6[%dma_wait3A_753, %dma_wait3A_754] : memref<800x32xf32, #tpu.memory_space<vmem>> -> memref<72x32xf32, #tpu.memory_space<vmem>>
      %dma_wait3A_756 = arith.constant 128 : i32
      %dma_wait3A_757 = tpu.memref_slice %arg5[%add3A_689, %dma_wait3A_756] : memref<128x200xi32, #tpu.memory_space<vmem>> -> memref<1x72xi32, #tpu.memory_space<vmem>>
      %dma_wait3A_758 = tpu.memref_squeeze %dma_wait3A_757 : memref<1x72xi32, #tpu.memory_space<vmem>> -> memref<72xi32, #tpu.memory_space<vmem>>
      %dma_wait3A_759 = arith.constant 0 : i32
      %dma_wait3A_760 = arith.constant 0 : i32
      %dma_wait3A_761 = tpu.memref_slice %arg3[%dma_wait3A_759, %dma_wait3A_760] : memref<1000000x32xf32, #tpu.memory_space<hbm>> -> memref<1000000x32xf32, #tpu.memory_space<hbm>>
      tpu.wait_indirect_dma semaphore(%arg9 : memref<!tpu.dma_semaphore, #tpu.memory_space<semaphore_mem>>) src(%dma_wait3A_761 : memref<1000000x32xf32, #tpu.memory_space<hbm>>) dst(%dma_wait3A_755 : memref<72x32xf32, #tpu.memory_space<vmem>>)
      %broadcast_in_dim3A_762 = arith.constant 0.000000e+00 : f32
      %broadcast_in_dim3A_763 = vector.broadcast %broadcast_in_dim3A_762 : f32 to vector<16xf32>
      %broadcast_in_dim3A_764 = arith.constant 0.000000e+00 : f32
      %broadcast_in_dim3A_765 = vector.broadcast %broadcast_in_dim3A_764 : f32 to vector<16xf32>
      %broadcast_in_dim3A_766 = arith.constant 0.000000e+00 : f32
      %broadcast_in_dim3A_767 = vector.broadcast %broadcast_in_dim3A_766 : f32 to vector<16xf32>
      %broadcast_in_dim3A_768 = arith.constant 0.000000e+00 : f32
      %broadcast_in_dim3A_769 = vector.broadcast %broadcast_in_dim3A_768 : f32 to vector<16xf32>
      %scan3A_770 = arith.constant 0 : i32
      %scan3A_771 = arith.constant 50 : i32
      %scan3A_772 = arith.addi %scan3A_770, %scan3A_771 : i32
      %scan3A_773 = arith.constant 1 : i32
      %scan3A_774:4 = scf.for %scan3A_1216 = %scan3A_770 to %scan3A_772 step %scan3A_773 iter_args(%scan3A_1217 = %broadcast_in_dim3A_763, %scan3A_1218 = %broadcast_in_dim3A_765, %scan3A_1219 = %broadcast_in_dim3A_767, %scan3A_1220 = %broadcast_in_dim3A_769) -> (vector<16xf32>, vector<16xf32>, vector<16xf32>, vector<16xf32>)  : i32 {
        %mul3A_1221 = arith.constant 4 : i32
        %mul3A_1222 = arith.muli %scan3A_1216, %mul3A_1221 : i32
        %add3A_1223 = arith.constant 0 : i32
        %add3A_1224 = arith.addi %add3A_1223, %mul3A_1222 : i32
        %get3A = arith.index_cast %add3A_1224 : i32 to index
        %get3A_1225 = arith.constant 0 : index
        %get3A_1226 = tpu.vector_load %arg6[%get3A, %get3A_1225] {strides = array<i32>} : memref<800x32xf32, #tpu.memory_space<vmem>>, vector<1x16xf32>,
        %get3A_1227 = vector.shape_cast %get3A_1226 : vector<1x16xf32> to vector<16xf32>
        %add3A_1228 = arith.addf %scan3A_1217, %get3A_1227 : vector<16xf32>
        %add3A_1229 = arith.constant 1 : i32
        %add3A_1230 = arith.addi %add3A_1224, %add3A_1229 : i32
        %get3A_1231 = arith.index_cast %add3A_1230 : i32 to index
        %get3A_1232 = arith.constant 0 : index
        %get3A_1233 = tpu.vector_load %arg6[%get3A_1231, %get3A_1232] {strides = array<i32>} : memref<800x32xf32, #tpu.memory_space<vmem>>, vector<1x16xf32>,
        %get3A_1234 = vector.shape_cast %get3A_1233 : vector<1x16xf32> to vector<16xf32>
        %add3A_1235 = arith.addf %add3A_1228, %get3A_1234 : vector<16xf32>
        %add3A_1236 = arith.constant 2 : i32
        %add3A_1237 = arith.addi %add3A_1224, %add3A_1236 : i32
        %get3A_1238 = arith.index_cast %add3A_1237 : i32 to index
        %get3A_1239 = arith.constant 0 : index
        %get3A_1240 = tpu.vector_load %arg6[%get3A_1238, %get3A_1239] {strides = array<i32>} : memref<800x32xf32, #tpu.memory_space<vmem>>, vector<1x16xf32>,
        %get3A_1241 = vector.shape_cast %get3A_1240 : vector<1x16xf32> to vector<16xf32>
        %add3A_1242 = arith.addf %scan3A_1218, %get3A_1241 : vector<16xf32>
        %add3A_1243 = arith.constant 3 : i32
        %add3A_1244 = arith.addi %add3A_1224, %add3A_1243 : i32
        %get3A_1245 = arith.index_cast %add3A_1244 : i32 to index
        %get3A_1246 = arith.constant 0 : index
        %get3A_1247 = tpu.vector_load %arg6[%get3A_1245, %get3A_1246] {strides = array<i32>} : memref<800x32xf32, #tpu.memory_space<vmem>>, vector<1x16xf32>,
        %get3A_1248 = vector.shape_cast %get3A_1247 : vector<1x16xf32> to vector<16xf32>
        %add3A_1249 = arith.addf %add3A_1242, %get3A_1248 : vector<16xf32>
        %get3A_1250 = arith.index_cast %add3A_1224 : i32 to index
        %get3A_1251 = arith.constant 16 : index
        %get3A_1252 = tpu.vector_load %arg6[%get3A_1250, %get3A_1251] {strides = array<i32>} : memref<800x32xf32, #tpu.memory_space<vmem>>, vector<1x16xf32>,
        %get3A_1253 = vector.shape_cast %get3A_1252 : vector<1x16xf32> to vector<16xf32>
        %add3A_1254 = arith.addf %scan3A_1219, %get3A_1253 : vector<16xf32>
        %add3A_1255 = arith.constant 1 : i32
        %add3A_1256 = arith.addi %add3A_1224, %add3A_1255 : i32
        %get3A_1257 = arith.index_cast %add3A_1256 : i32 to index
        %get3A_1258 = arith.constant 16 : index
        %get3A_1259 = tpu.vector_load %arg6[%get3A_1257, %get3A_1258] {strides = array<i32>} : memref<800x32xf32, #tpu.memory_space<vmem>>, vector<1x16xf32>,
        %get3A_1260 = vector.shape_cast %get3A_1259 : vector<1x16xf32> to vector<16xf32>
        %add3A_1261 = arith.addf %add3A_1254, %get3A_1260 : vector<16xf32>
        %add3A_1262 = arith.constant 2 : i32
        %add3A_1263 = arith.addi %add3A_1224, %add3A_1262 : i32
        %get3A_1264 = arith.index_cast %add3A_1263 : i32 to index
        %get3A_1265 = arith.constant 16 : index
        %get3A_1266 = tpu.vector_load %arg6[%get3A_1264, %get3A_1265] {strides = array<i32>} : memref<800x32xf32, #tpu.memory_space<vmem>>, vector<1x16xf32>,
        %get3A_1267 = vector.shape_cast %get3A_1266 : vector<1x16xf32> to vector<16xf32>
        %add3A_1268 = arith.addf %scan3A_1220, %get3A_1267 : vector<16xf32>
        %add3A_1269 = arith.constant 3 : i32
        %add3A_1270 = arith.addi %add3A_1224, %add3A_1269 : i32
        %get3A_1271 = arith.index_cast %add3A_1270 : i32 to index
        %get3A_1272 = arith.constant 16 : index
        %get3A_1273 = tpu.vector_load %arg6[%get3A_1271, %get3A_1272] {strides = array<i32>} : memref<800x32xf32, #tpu.memory_space<vmem>>, vector<1x16xf32>,
        %get3A_1274 = vector.shape_cast %get3A_1273 : vector<1x16xf32> to vector<16xf32>
        %add3A_1275 = arith.addf %add3A_1268, %get3A_1274 : vector<16xf32>
        scf.yield %add3A_1235, %add3A_1249, %add3A_1261, %add3A_1275 : vector<16xf32>, vector<16xf32>, vector<16xf32>, vector<16xf32>
      }
      %scan3A_775 = arith.constant 50 : i32
      %mul3A_776 = arith.constant 4 : i32
      %mul3A_777 = arith.muli %add3A_551, %mul3A_776 : i32
      %add3A_778 = arith.constant 0 : i32
      %add3A_779 = arith.addi %mul3A_777, %add3A_778 : i32
      %add3A_780 = arith.addf %scan3A_774#0, %scan3A_774#1 : vector<16xf32>
      %swap3A_781 = arith.index_cast %add3A_779 : i32 to index
      %swap3A_782 = arith.constant 0 : index
      %swap3A_783 = tpu.vector_load %arg8[%swap3A_781, %swap3A_782] {strides = array<i32>} : memref<128x32xf32, #tpu.memory_space<vmem>>, vector<1x16xf32>,
      %swap3A_784 = vector.shape_cast %swap3A_783 : vector<1x16xf32> to vector<16xf32>
      %swap3A_785 = vector.shape_cast %add3A_780 : vector<16xf32> to vector<1x16xf32>
      tpu.vector_store %arg8[%swap3A_781, %swap3A_782], %swap3A_785 {strides = array<i32>} : memref<128x32xf32, #tpu.memory_space<vmem>>, vector<1x16xf32>,
      %add3A_786 = arith.addf %scan3A_774#2, %scan3A_774#3 : vector<16xf32>
      %swap3A_787 = arith.index_cast %add3A_779 : i32 to index
      %swap3A_788 = arith.constant 16 : index
      %swap3A_789 = tpu.vector_load %arg8[%swap3A_787, %swap3A_788] {strides = array<i32>} : memref<128x32xf32, #tpu.memory_space<vmem>>, vector<1x16xf32>,
      %swap3A_790 = vector.shape_cast %swap3A_789 : vector<1x16xf32> to vector<16xf32>
      %swap3A_791 = vector.shape_cast %add3A_786 : vector<16xf32> to vector<1x16xf32>
      tpu.vector_store %arg8[%swap3A_787, %swap3A_788], %swap3A_791 {strides = array<i32>} : memref<128x32xf32, #tpu.memory_space<vmem>>, vector<1x16xf32>,
      %broadcast_in_dim3A_792 = arith.constant 0.000000e+00 : f32
      %broadcast_in_dim3A_793 = vector.broadcast %broadcast_in_dim3A_792 : f32 to vector<16xf32>
      %broadcast_in_dim3A_794 = arith.constant 0.000000e+00 : f32
      %broadcast_in_dim3A_795 = vector.broadcast %broadcast_in_dim3A_794 : f32 to vector<16xf32>
      %broadcast_in_dim3A_796 = arith.constant 0.000000e+00 : f32
      %broadcast_in_dim3A_797 = vector.broadcast %broadcast_in_dim3A_796 : f32 to vector<16xf32>
      %broadcast_in_dim3A_798 = arith.constant 0.000000e+00 : f32
      %broadcast_in_dim3A_799 = vector.broadcast %broadcast_in_dim3A_798 : f32 to vector<16xf32>
      %scan3A_800 = arith.constant 0 : i32
      %scan3A_801 = arith.constant 50 : i32
      %scan3A_802 = arith.addi %scan3A_800, %scan3A_801 : i32
      %scan3A_803 = arith.constant 1 : i32
      %scan3A_804:4 = scf.for %scan3A_1216 = %scan3A_800 to %scan3A_802 step %scan3A_803 iter_args(%scan3A_1217 = %broadcast_in_dim3A_793, %scan3A_1218 = %broadcast_in_dim3A_795, %scan3A_1219 = %broadcast_in_dim3A_797, %scan3A_1220 = %broadcast_in_dim3A_799) -> (vector<16xf32>, vector<16xf32>, vector<16xf32>, vector<16xf32>)  : i32 {
        %mul3A_1221 = arith.constant 4 : i32
        %mul3A_1222 = arith.muli %scan3A_1216, %mul3A_1221 : i32
        %add3A_1223 = arith.constant 200 : i32
        %add3A_1224 = arith.addi %add3A_1223, %mul3A_1222 : i32
        %get3A = arith.index_cast %add3A_1224 : i32 to index
        %get3A_1225 = arith.constant 0 : index
        %get3A_1226 = tpu.vector_load %arg6[%get3A, %get3A_1225] {strides = array<i32>} : memref<800x32xf32, #tpu.memory_space<vmem>>, vector<1x16xf32>,
        %get3A_1227 = vector.shape_cast %get3A_1226 : vector<1x16xf32> to vector<16xf32>
        %add3A_1228 = arith.addf %scan3A_1217, %get3A_1227 : vector<16xf32>
        %add3A_1229 = arith.constant 1 : i32
        %add3A_1230 = arith.addi %add3A_1224, %add3A_1229 : i32
        %get3A_1231 = arith.index_cast %add3A_1230 : i32 to index
        %get3A_1232 = arith.constant 0 : index
        %get3A_1233 = tpu.vector_load %arg6[%get3A_1231, %get3A_1232] {strides = array<i32>} : memref<800x32xf32, #tpu.memory_space<vmem>>, vector<1x16xf32>,
        %get3A_1234 = vector.shape_cast %get3A_1233 : vector<1x16xf32> to vector<16xf32>
        %add3A_1235 = arith.addf %add3A_1228, %get3A_1234 : vector<16xf32>
        %add3A_1236 = arith.constant 2 : i32
        %add3A_1237 = arith.addi %add3A_1224, %add3A_1236 : i32
        %get3A_1238 = arith.index_cast %add3A_1237 : i32 to index
        %get3A_1239 = arith.constant 0 : index
        %get3A_1240 = tpu.vector_load %arg6[%get3A_1238, %get3A_1239] {strides = array<i32>} : memref<800x32xf32, #tpu.memory_space<vmem>>, vector<1x16xf32>,
        %get3A_1241 = vector.shape_cast %get3A_1240 : vector<1x16xf32> to vector<16xf32>
        %add3A_1242 = arith.addf %scan3A_1218, %get3A_1241 : vector<16xf32>
        %add3A_1243 = arith.constant 3 : i32
        %add3A_1244 = arith.addi %add3A_1224, %add3A_1243 : i32
        %get3A_1245 = arith.index_cast %add3A_1244 : i32 to index
        %get3A_1246 = arith.constant 0 : index
        %get3A_1247 = tpu.vector_load %arg6[%get3A_1245, %get3A_1246] {strides = array<i32>} : memref<800x32xf32, #tpu.memory_space<vmem>>, vector<1x16xf32>,
        %get3A_1248 = vector.shape_cast %get3A_1247 : vector<1x16xf32> to vector<16xf32>
        %add3A_1249 = arith.addf %add3A_1242, %get3A_1248 : vector<16xf32>
        %get3A_1250 = arith.index_cast %add3A_1224 : i32 to index
        %get3A_1251 = arith.constant 16 : index
        %get3A_1252 = tpu.vector_load %arg6[%get3A_1250, %get3A_1251] {strides = array<i32>} : memref<800x32xf32, #tpu.memory_space<vmem>>, vector<1x16xf32>,
        %get3A_1253 = vector.shape_cast %get3A_1252 : vector<1x16xf32> to vector<16xf32>
        %add3A_1254 = arith.addf %scan3A_1219, %get3A_1253 : vector<16xf32>
        %add3A_1255 = arith.constant 1 : i32
        %add3A_1256 = arith.addi %add3A_1224, %add3A_1255 : i32
        %get3A_1257 = arith.index_cast %add3A_1256 : i32 to index
        %get3A_1258 = arith.constant 16 : index
        %get3A_1259 = tpu.vector_load %arg6[%get3A_1257, %get3A_1258] {strides = array<i32>} : memref<800x32xf32, #tpu.memory_space<vmem>>, vector<1x16xf32>,
        %get3A_1260 = vector.shape_cast %get3A_1259 : vector<1x16xf32> to vector<16xf32>
        %add3A_1261 = arith.addf %add3A_1254, %get3A_1260 : vector<16xf32>
        %add3A_1262 = arith.constant 2 : i32
        %add3A_1263 = arith.addi %add3A_1224, %add3A_1262 : i32
        %get3A_1264 = arith.index_cast %add3A_1263 : i32 to index
        %get3A_1265 = arith.constant 16 : index
        %get3A_1266 = tpu.vector_load %arg6[%get3A_1264, %get3A_1265] {strides = array<i32>} : memref<800x32xf32, #tpu.memory_space<vmem>>, vector<1x16xf32>,
        %get3A_1267 = vector.shape_cast %get3A_1266 : vector<1x16xf32> to vector<16xf32>
        %add3A_1268 = arith.addf %scan3A_1220, %get3A_1267 : vector<16xf32>
        %add3A_1269 = arith.constant 3 : i32
        %add3A_1270 = arith.addi %add3A_1224, %add3A_1269 : i32
        %get3A_1271 = arith.index_cast %add3A_1270 : i32 to index
        %get3A_1272 = arith.constant 16 : index
        %get3A_1273 = tpu.vector_load %arg6[%get3A_1271, %get3A_1272] {strides = array<i32>} : memref<800x32xf32, #tpu.memory_space<vmem>>, vector<1x16xf32>,
        %get3A_1274 = vector.shape_cast %get3A_1273 : vector<1x16xf32> to vector<16xf32>
        %add3A_1275 = arith.addf %add3A_1268, %get3A_1274 : vector<16xf32>
        scf.yield %add3A_1235, %add3A_1249, %add3A_1261, %add3A_1275 : vector<16xf32>, vector<16xf32>, vector<16xf32>, vector<16xf32>
      }
      %scan3A_805 = arith.constant 50 : i32
      %mul3A_806 = arith.constant 4 : i32
      %mul3A_807 = arith.muli %add3A_551, %mul3A_806 : i32
      %add3A_808 = arith.constant 1 : i32
      %add3A_809 = arith.addi %mul3A_807, %add3A_808 : i32
      %add3A_810 = arith.addf %scan3A_804#0, %scan3A_804#1 : vector<16xf32>
      %swap3A_811 = arith.index_cast %add3A_809 : i32 to index
      %swap3A_812 = arith.constant 0 : index
      %swap3A_813 = tpu.vector_load %arg8[%swap3A_811, %swap3A_812] {strides = array<i32>} : memref<128x32xf32, #tpu.memory_space<vmem>>, vector<1x16xf32>,
      %swap3A_814 = vector.shape_cast %swap3A_813 : vector<1x16xf32> to vector<16xf32>
      %swap3A_815 = vector.shape_cast %add3A_810 : vector<16xf32> to vector<1x16xf32>
      tpu.vector_store %arg8[%swap3A_811, %swap3A_812], %swap3A_815 {strides = array<i32>} : memref<128x32xf32, #tpu.memory_space<vmem>>, vector<1x16xf32>,
      %add3A_816 = arith.addf %scan3A_804#2, %scan3A_804#3 : vector<16xf32>
      %swap3A_817 = arith.index_cast %add3A_809 : i32 to index
      %swap3A_818 = arith.constant 16 : index
      %swap3A_819 = tpu.vector_load %arg8[%swap3A_817, %swap3A_818] {strides = array<i32>} : memref<128x32xf32, #tpu.memory_space<vmem>>, vector<1x16xf32>,
      %swap3A_820 = vector.shape_cast %swap3A_819 : vector<1x16xf32> to vector<16xf32>
      %swap3A_821 = vector.shape_cast %add3A_816 : vector<16xf32> to vector<1x16xf32>
      tpu.vector_store %arg8[%swap3A_817, %swap3A_818], %swap3A_821 {strides = array<i32>} : memref<128x32xf32, #tpu.memory_space<vmem>>, vector<1x16xf32>,
      %broadcast_in_dim3A_822 = arith.constant 0.000000e+00 : f32
      %broadcast_in_dim3A_823 = vector.broadcast %broadcast_in_dim3A_822 : f32 to vector<16xf32>
      %broadcast_in_dim3A_824 = arith.constant 0.000000e+00 : f32
      %broadcast_in_dim3A_825 = vector.broadcast %broadcast_in_dim3A_824 : f32 to vector<16xf32>
      %broadcast_in_dim3A_826 = arith.constant 0.000000e+00 : f32
      %broadcast_in_dim3A_827 = vector.broadcast %broadcast_in_dim3A_826 : f32 to vector<16xf32>
      %broadcast_in_dim3A_828 = arith.constant 0.000000e+00 : f32
      %broadcast_in_dim3A_829 = vector.broadcast %broadcast_in_dim3A_828 : f32 to vector<16xf32>
      %scan3A_830 = arith.constant 0 : i32
      %scan3A_831 = arith.constant 50 : i32
      %scan3A_832 = arith.addi %scan3A_830, %scan3A_831 : i32
      %scan3A_833 = arith.constant 1 : i32
      %scan3A_834:4 = scf.for %scan3A_1216 = %scan3A_830 to %scan3A_832 step %scan3A_833 iter_args(%scan3A_1217 = %broadcast_in_dim3A_823, %scan3A_1218 = %broadcast_in_dim3A_825, %scan3A_1219 = %broadcast_in_dim3A_827, %scan3A_1220 = %broadcast_in_dim3A_829) -> (vector<16xf32>, vector<16xf32>, vector<16xf32>, vector<16xf32>)  : i32 {
        %mul3A_1221 = arith.constant 4 : i32
        %mul3A_1222 = arith.muli %scan3A_1216, %mul3A_1221 : i32
        %add3A_1223 = arith.constant 400 : i32
        %add3A_1224 = arith.addi %add3A_1223, %mul3A_1222 : i32
        %get3A = arith.index_cast %add3A_1224 : i32 to index
        %get3A_1225 = arith.constant 0 : index
        %get3A_1226 = tpu.vector_load %arg6[%get3A, %get3A_1225] {strides = array<i32>} : memref<800x32xf32, #tpu.memory_space<vmem>>, vector<1x16xf32>,
        %get3A_1227 = vector.shape_cast %get3A_1226 : vector<1x16xf32> to vector<16xf32>
        %add3A_1228 = arith.addf %scan3A_1217, %get3A_1227 : vector<16xf32>
        %add3A_1229 = arith.constant 1 : i32
        %add3A_1230 = arith.addi %add3A_1224, %add3A_1229 : i32
        %get3A_1231 = arith.index_cast %add3A_1230 : i32 to index
        %get3A_1232 = arith.constant 0 : index
        %get3A_1233 = tpu.vector_load %arg6[%get3A_1231, %get3A_1232] {strides = array<i32>} : memref<800x32xf32, #tpu.memory_space<vmem>>, vector<1x16xf32>,
        %get3A_1234 = vector.shape_cast %get3A_1233 : vector<1x16xf32> to vector<16xf32>
        %add3A_1235 = arith.addf %add3A_1228, %get3A_1234 : vector<16xf32>
        %add3A_1236 = arith.constant 2 : i32
        %add3A_1237 = arith.addi %add3A_1224, %add3A_1236 : i32
        %get3A_1238 = arith.index_cast %add3A_1237 : i32 to index
        %get3A_1239 = arith.constant 0 : index
        %get3A_1240 = tpu.vector_load %arg6[%get3A_1238, %get3A_1239] {strides = array<i32>} : memref<800x32xf32, #tpu.memory_space<vmem>>, vector<1x16xf32>,
        %get3A_1241 = vector.shape_cast %get3A_1240 : vector<1x16xf32> to vector<16xf32>
        %add3A_1242 = arith.addf %scan3A_1218, %get3A_1241 : vector<16xf32>
        %add3A_1243 = arith.constant 3 : i32
        %add3A_1244 = arith.addi %add3A_1224, %add3A_1243 : i32
        %get3A_1245 = arith.index_cast %add3A_1244 : i32 to index
        %get3A_1246 = arith.constant 0 : index
        %get3A_1247 = tpu.vector_load %arg6[%get3A_1245, %get3A_1246] {strides = array<i32>} : memref<800x32xf32, #tpu.memory_space<vmem>>, vector<1x16xf32>,
        %get3A_1248 = vector.shape_cast %get3A_1247 : vector<1x16xf32> to vector<16xf32>
        %add3A_1249 = arith.addf %add3A_1242, %get3A_1248 : vector<16xf32>
        %get3A_1250 = arith.index_cast %add3A_1224 : i32 to index
        %get3A_1251 = arith.constant 16 : index
        %get3A_1252 = tpu.vector_load %arg6[%get3A_1250, %get3A_1251] {strides = array<i32>} : memref<800x32xf32, #tpu.memory_space<vmem>>, vector<1x16xf32>,
        %get3A_1253 = vector.shape_cast %get3A_1252 : vector<1x16xf32> to vector<16xf32>
        %add3A_1254 = arith.addf %scan3A_1219, %get3A_1253 : vector<16xf32>
        %add3A_1255 = arith.constant 1 : i32
        %add3A_1256 = arith.addi %add3A_1224, %add3A_1255 : i32
        %get3A_1257 = arith.index_cast %add3A_1256 : i32 to index
        %get3A_1258 = arith.constant 16 : index
        %get3A_1259 = tpu.vector_load %arg6[%get3A_1257, %get3A_1258] {strides = array<i32>} : memref<800x32xf32, #tpu.memory_space<vmem>>, vector<1x16xf32>,
        %get3A_1260 = vector.shape_cast %get3A_1259 : vector<1x16xf32> to vector<16xf32>
        %add3A_1261 = arith.addf %add3A_1254, %get3A_1260 : vector<16xf32>
        %add3A_1262 = arith.constant 2 : i32
        %add3A_1263 = arith.addi %add3A_1224, %add3A_1262 : i32
        %get3A_1264 = arith.index_cast %add3A_1263 : i32 to index
        %get3A_1265 = arith.constant 16 : index
        %get3A_1266 = tpu.vector_load %arg6[%get3A_1264, %get3A_1265] {strides = array<i32>} : memref<800x32xf32, #tpu.memory_space<vmem>>, vector<1x16xf32>,
        %get3A_1267 = vector.shape_cast %get3A_1266 : vector<1x16xf32> to vector<16xf32>
        %add3A_1268 = arith.addf %scan3A_1220, %get3A_1267 : vector<16xf32>
        %add3A_1269 = arith.constant 3 : i32
        %add3A_1270 = arith.addi %add3A_1224, %add3A_1269 : i32
        %get3A_1271 = arith.index_cast %add3A_1270 : i32 to index
        %get3A_1272 = arith.constant 16 : index
        %get3A_1273 = tpu.vector_load %arg6[%get3A_1271, %get3A_1272] {strides = array<i32>} : memref<800x32xf32, #tpu.memory_space<vmem>>, vector<1x16xf32>,
        %get3A_1274 = vector.shape_cast %get3A_1273 : vector<1x16xf32> to vector<16xf32>
        %add3A_1275 = arith.addf %add3A_1268, %get3A_1274 : vector<16xf32>
        scf.yield %add3A_1235, %add3A_1249, %add3A_1261, %add3A_1275 : vector<16xf32>, vector<16xf32>, vector<16xf32>, vector<16xf32>
      }
      %scan3A_835 = arith.constant 50 : i32
      %mul3A_836 = arith.constant 4 : i32
      %mul3A_837 = arith.muli %add3A_551, %mul3A_836 : i32
      %add3A_838 = arith.constant 2 : i32
      %add3A_839 = arith.addi %mul3A_837, %add3A_838 : i32
      %add3A_840 = arith.addf %scan3A_834#0, %scan3A_834#1 : vector<16xf32>
      %swap3A_841 = arith.index_cast %add3A_839 : i32 to index
      %swap3A_842 = arith.constant 0 : index
      %swap3A_843 = tpu.vector_load %arg8[%swap3A_841, %swap3A_842] {strides = array<i32>} : memref<128x32xf32, #tpu.memory_space<vmem>>, vector<1x16xf32>,
      %swap3A_844 = vector.shape_cast %swap3A_843 : vector<1x16xf32> to vector<16xf32>
      %swap3A_845 = vector.shape_cast %add3A_840 : vector<16xf32> to vector<1x16xf32>
      tpu.vector_store %arg8[%swap3A_841, %swap3A_842], %swap3A_845 {strides = array<i32>} : memref<128x32xf32, #tpu.memory_space<vmem>>, vector<1x16xf32>,
      %add3A_846 = arith.addf %scan3A_834#2, %scan3A_834#3 : vector<16xf32>
      %swap3A_847 = arith.index_cast %add3A_839 : i32 to index
      %swap3A_848 = arith.constant 16 : index
      %swap3A_849 = tpu.vector_load %arg8[%swap3A_847, %swap3A_848] {strides = array<i32>} : memref<128x32xf32, #tpu.memory_space<vmem>>, vector<1x16xf32>,
      %swap3A_850 = vector.shape_cast %swap3A_849 : vector<1x16xf32> to vector<16xf32>
      %swap3A_851 = vector.shape_cast %add3A_846 : vector<16xf32> to vector<1x16xf32>
      tpu.vector_store %arg8[%swap3A_847, %swap3A_848], %swap3A_851 {strides = array<i32>} : memref<128x32xf32, #tpu.memory_space<vmem>>, vector<1x16xf32>,
      %broadcast_in_dim3A_852 = arith.constant 0.000000e+00 : f32
      %broadcast_in_dim3A_853 = vector.broadcast %broadcast_in_dim3A_852 : f32 to vector<16xf32>
      %broadcast_in_dim3A_854 = arith.constant 0.000000e+00 : f32
      %broadcast_in_dim3A_855 = vector.broadcast %broadcast_in_dim3A_854 : f32 to vector<16xf32>
      %broadcast_in_dim3A_856 = arith.constant 0.000000e+00 : f32
      %broadcast_in_dim3A_857 = vector.broadcast %broadcast_in_dim3A_856 : f32 to vector<16xf32>
      %broadcast_in_dim3A_858 = arith.constant 0.000000e+00 : f32
      %broadcast_in_dim3A_859 = vector.broadcast %broadcast_in_dim3A_858 : f32 to vector<16xf32>
      %scan3A_860 = arith.constant 0 : i32
      %scan3A_861 = arith.constant 50 : i32
      %scan3A_862 = arith.addi %scan3A_860, %scan3A_861 : i32
      %scan3A_863 = arith.constant 1 : i32
      %scan3A_864:4 = scf.for %scan3A_1216 = %scan3A_860 to %scan3A_862 step %scan3A_863 iter_args(%scan3A_1217 = %broadcast_in_dim3A_853, %scan3A_1218 = %broadcast_in_dim3A_855, %scan3A_1219 = %broadcast_in_dim3A_857, %scan3A_1220 = %broadcast_in_dim3A_859) -> (vector<16xf32>, vector<16xf32>, vector<16xf32>, vector<16xf32>)  : i32 {
        %mul3A_1221 = arith.constant 4 : i32
        %mul3A_1222 = arith.muli %scan3A_1216, %mul3A_1221 : i32
        %add3A_1223 = arith.constant 600 : i32
        %add3A_1224 = arith.addi %add3A_1223, %mul3A_1222 : i32
        %get3A = arith.index_cast %add3A_1224 : i32 to index
        %get3A_1225 = arith.constant 0 : index
        %get3A_1226 = tpu.vector_load %arg6[%get3A, %get3A_1225] {strides = array<i32>} : memref<800x32xf32, #tpu.memory_space<vmem>>, vector<1x16xf32>,
        %get3A_1227 = vector.shape_cast %get3A_1226 : vector<1x16xf32> to vector<16xf32>
        %add3A_1228 = arith.addf %scan3A_1217, %get3A_1227 : vector<16xf32>
        %add3A_1229 = arith.constant 1 : i32
        %add3A_1230 = arith.addi %add3A_1224, %add3A_1229 : i32
        %get3A_1231 = arith.index_cast %add3A_1230 : i32 to index
        %get3A_1232 = arith.constant 0 : index
        %get3A_1233 = tpu.vector_load %arg6[%get3A_1231, %get3A_1232] {strides = array<i32>} : memref<800x32xf32, #tpu.memory_space<vmem>>, vector<1x16xf32>,
        %get3A_1234 = vector.shape_cast %get3A_1233 : vector<1x16xf32> to vector<16xf32>
        %add3A_1235 = arith.addf %add3A_1228, %get3A_1234 : vector<16xf32>
        %add3A_1236 = arith.constant 2 : i32
        %add3A_1237 = arith.addi %add3A_1224, %add3A_1236 : i32
        %get3A_1238 = arith.index_cast %add3A_1237 : i32 to index
        %get3A_1239 = arith.constant 0 : index
        %get3A_1240 = tpu.vector_load %arg6[%get3A_1238, %get3A_1239] {strides = array<i32>} : memref<800x32xf32, #tpu.memory_space<vmem>>, vector<1x16xf32>,
        %get3A_1241 = vector.shape_cast %get3A_1240 : vector<1x16xf32> to vector<16xf32>
        %add3A_1242 = arith.addf %scan3A_1218, %get3A_1241 : vector<16xf32>
        %add3A_1243 = arith.constant 3 : i32
        %add3A_1244 = arith.addi %add3A_1224, %add3A_1243 : i32
        %get3A_1245 = arith.index_cast %add3A_1244 : i32 to index
        %get3A_1246 = arith.constant 0 : index
        %get3A_1247 = tpu.vector_load %arg6[%get3A_1245, %get3A_1246] {strides = array<i32>} : memref<800x32xf32, #tpu.memory_space<vmem>>, vector<1x16xf32>,
        %get3A_1248 = vector.shape_cast %get3A_1247 : vector<1x16xf32> to vector<16xf32>
        %add3A_1249 = arith.addf %add3A_1242, %get3A_1248 : vector<16xf32>
        %get3A_1250 = arith.index_cast %add3A_1224 : i32 to index
        %get3A_1251 = arith.constant 16 : index
        %get3A_1252 = tpu.vector_load %arg6[%get3A_1250, %get3A_1251] {strides = array<i32>} : memref<800x32xf32, #tpu.memory_space<vmem>>, vector<1x16xf32>,
        %get3A_1253 = vector.shape_cast %get3A_1252 : vector<1x16xf32> to vector<16xf32>
        %add3A_1254 = arith.addf %scan3A_1219, %get3A_1253 : vector<16xf32>
        %add3A_1255 = arith.constant 1 : i32
        %add3A_1256 = arith.addi %add3A_1224, %add3A_1255 : i32
        %get3A_1257 = arith.index_cast %add3A_1256 : i32 to index
        %get3A_1258 = arith.constant 16 : index
        %get3A_1259 = tpu.vector_load %arg6[%get3A_1257, %get3A_1258] {strides = array<i32>} : memref<800x32xf32, #tpu.memory_space<vmem>>, vector<1x16xf32>,
        %get3A_1260 = vector.shape_cast %get3A_1259 : vector<1x16xf32> to vector<16xf32>
        %add3A_1261 = arith.addf %add3A_1254, %get3A_1260 : vector<16xf32>
        %add3A_1262 = arith.constant 2 : i32
        %add3A_1263 = arith.addi %add3A_1224, %add3A_1262 : i32
        %get3A_1264 = arith.index_cast %add3A_1263 : i32 to index
        %get3A_1265 = arith.constant 16 : index
        %get3A_1266 = tpu.vector_load %arg6[%get3A_1264, %get3A_1265] {strides = array<i32>} : memref<800x32xf32, #tpu.memory_space<vmem>>, vector<1x16xf32>,
        %get3A_1267 = vector.shape_cast %get3A_1266 : vector<1x16xf32> to vector<16xf32>
        %add3A_1268 = arith.addf %scan3A_1220, %get3A_1267 : vector<16xf32>
        %add3A_1269 = arith.constant 3 : i32
        %add3A_1270 = arith.addi %add3A_1224, %add3A_1269 : i32
        %get3A_1271 = arith.index_cast %add3A_1270 : i32 to index
        %get3A_1272 = arith.constant 16 : index
        %get3A_1273 = tpu.vector_load %arg6[%get3A_1271, %get3A_1272] {strides = array<i32>} : memref<800x32xf32, #tpu.memory_space<vmem>>, vector<1x16xf32>,
        %get3A_1274 = vector.shape_cast %get3A_1273 : vector<1x16xf32> to vector<16xf32>
        %add3A_1275 = arith.addf %add3A_1268, %get3A_1274 : vector<16xf32>
        scf.yield %add3A_1235, %add3A_1249, %add3A_1261, %add3A_1275 : vector<16xf32>, vector<16xf32>, vector<16xf32>, vector<16xf32>
      }
      %scan3A_865 = arith.constant 50 : i32
      %mul3A_866 = arith.constant 4 : i32
      %mul3A_867 = arith.muli %add3A_551, %mul3A_866 : i32
      %add3A_868 = arith.constant 3 : i32
      %add3A_869 = arith.addi %mul3A_867, %add3A_868 : i32
      %add3A_870 = arith.addf %scan3A_864#0, %scan3A_864#1 : vector<16xf32>
      %swap3A_871 = arith.index_cast %add3A_869 : i32 to index
      %swap3A_872 = arith.constant 0 : index
      %swap3A_873 = tpu.vector_load %arg8[%swap3A_871, %swap3A_872] {strides = array<i32>} : memref<128x32xf32, #tpu.memory_space<vmem>>, vector<1x16xf32>,
      %swap3A_874 = vector.shape_cast %swap3A_873 : vector<1x16xf32> to vector<16xf32>
      %swap3A_875 = vector.shape_cast %add3A_870 : vector<16xf32> to vector<1x16xf32>
      tpu.vector_store %arg8[%swap3A_871, %swap3A_872], %swap3A_875 {strides = array<i32>} : memref<128x32xf32, #tpu.memory_space<vmem>>, vector<1x16xf32>,
      %add3A_876 = arith.addf %scan3A_864#2, %scan3A_864#3 : vector<16xf32>
      %swap3A_877 = arith.index_cast %add3A_869 : i32 to index
      %swap3A_878 = arith.constant 16 : index
      %swap3A_879 = tpu.vector_load %arg8[%swap3A_877, %swap3A_878] {strides = array<i32>} : memref<128x32xf32, #tpu.memory_space<vmem>>, vector<1x16xf32>,
      %swap3A_880 = vector.shape_cast %swap3A_879 : vector<1x16xf32> to vector<16xf32>
      %swap3A_881 = vector.shape_cast %add3A_876 : vector<16xf32> to vector<1x16xf32>
      tpu.vector_store %arg8[%swap3A_877, %swap3A_878], %swap3A_881 {strides = array<i32>} : memref<128x32xf32, #tpu.memory_space<vmem>>, vector<1x16xf32>,
      %add3A_882 = arith.constant 2 : i32
      %add3A_883 = arith.addi %add3A_551, %add3A_882 : i32
      %mul3A_884 = arith.constant 4 : i32
      %mul3A_885 = arith.muli %add3A_883, %mul3A_884 : i32
      %add3A_886 = arith.constant 0 : i32
      %add3A_887 = arith.addi %mul3A_885, %add3A_886 : i32
      %mul3A_888 = arith.constant 4 : i32
      %mul3A_889 = arith.muli %add3A_883, %mul3A_888 : i32
      %add3A_890 = arith.constant 0 : i32
      %add3A_891 = arith.addi %mul3A_889, %add3A_890 : i32
      %mul3A_892 = arith.constant 4 : i32
      %mul3A_893 = arith.muli %add3A_883, %mul3A_892 : i32
      %add3A_894 = arith.constant 1 : i32
      %add3A_895 = arith.addi %mul3A_893, %add3A_894 : i32
      %mul3A_896 = arith.constant 4 : i32
      %mul3A_897 = arith.muli %add3A_883, %mul3A_896 : i32
      %add3A_898 = arith.constant 1 : i32
      %add3A_899 = arith.addi %mul3A_897, %add3A_898 : i32
      %mul3A_900 = arith.constant 4 : i32
      %mul3A_901 = arith.muli %add3A_883, %mul3A_900 : i32
      %add3A_902 = arith.constant 2 : i32
      %add3A_903 = arith.addi %mul3A_901, %add3A_902 : i32
      %mul3A_904 = arith.constant 4 : i32
      %mul3A_905 = arith.muli %add3A_883, %mul3A_904 : i32
      %add3A_906 = arith.constant 2 : i32
      %add3A_907 = arith.addi %mul3A_905, %add3A_906 : i32
      %mul3A_908 = arith.constant 4 : i32
      %mul3A_909 = arith.muli %add3A_883, %mul3A_908 : i32
      %add3A_910 = arith.constant 3 : i32
      %add3A_911 = arith.addi %mul3A_909, %add3A_910 : i32
      %mul3A_912 = arith.constant 4 : i32
      %mul3A_913 = arith.muli %add3A_883, %mul3A_912 : i32
      %add3A_914 = arith.constant 3 : i32
      %add3A_915 = arith.addi %mul3A_913, %add3A_914 : i32
      %dma_start3A_916 = arith.constant 0 : i32
      %dma_start3A_917 = arith.constant 0 : i32
      %dma_start3A_918 = tpu.memref_slice %arg6[%dma_start3A_916, %dma_start3A_917] : memref<800x32xf32, #tpu.memory_space<vmem>> -> memref<128x32xf32, #tpu.memory_space<vmem>>
      %dma_start3A_919 = arith.constant 0 : i32
      %dma_start3A_920 = tpu.memref_slice %arg5[%add3A_887, %dma_start3A_919] : memref<128x200xi32, #tpu.memory_space<vmem>> -> memref<1x128xi32, #tpu.memory_space<vmem>>
      %dma_start3A_921 = tpu.memref_squeeze %dma_start3A_920 : memref<1x128xi32, #tpu.memory_space<vmem>> -> memref<128xi32, #tpu.memory_space<vmem>>
      %dma_start3A_922 = arith.constant 0 : i32
      %dma_start3A_923 = arith.constant 0 : i32
      %dma_start3A_924 = tpu.memref_slice %arg3[%dma_start3A_922, %dma_start3A_923] : memref<1000000x32xf32, #tpu.memory_space<hbm>> -> memref<1000000x32xf32, #tpu.memory_space<hbm>>
      tpu.enqueue_indirect_dma source(%dma_start3A_924 : memref<1000000x32xf32, #tpu.memory_space<hbm>>) target(%dma_start3A_918 : memref<128x32xf32, #tpu.memory_space<vmem>>) offsets(%dma_start3A_921 : memref<128xi32, #tpu.memory_space<vmem>>) semaphore(%arg9 : memref<!tpu.dma_semaphore, #tpu.memory_space<semaphore_mem>>)
      %dma_start3A_925 = arith.constant 128 : i32
      %dma_start3A_926 = arith.constant 0 : i32
      %dma_start3A_927 = tpu.memref_slice %arg6[%dma_start3A_925, %dma_start3A_926] : memref<800x32xf32, #tpu.memory_space<vmem>> -> memref<72x32xf32, #tpu.memory_space<vmem>>
      %dma_start3A_928 = arith.constant 128 : i32
      %dma_start3A_929 = tpu.memref_slice %arg5[%add3A_891, %dma_start3A_928] : memref<128x200xi32, #tpu.memory_space<vmem>> -> memref<1x72xi32, #tpu.memory_space<vmem>>
      %dma_start3A_930 = tpu.memref_squeeze %dma_start3A_929 : memref<1x72xi32, #tpu.memory_space<vmem>> -> memref<72xi32, #tpu.memory_space<vmem>>
      %dma_start3A_931 = arith.constant 0 : i32
      %dma_start3A_932 = arith.constant 0 : i32
      %dma_start3A_933 = tpu.memref_slice %arg3[%dma_start3A_931, %dma_start3A_932] : memref<1000000x32xf32, #tpu.memory_space<hbm>> -> memref<1000000x32xf32, #tpu.memory_space<hbm>>
      tpu.enqueue_indirect_dma source(%dma_start3A_933 : memref<1000000x32xf32, #tpu.memory_space<hbm>>) target(%dma_start3A_927 : memref<72x32xf32, #tpu.memory_space<vmem>>) offsets(%dma_start3A_930 : memref<72xi32, #tpu.memory_space<vmem>>) semaphore(%arg9 : memref<!tpu.dma_semaphore, #tpu.memory_space<semaphore_mem>>)
      %dma_start3A_934 = arith.constant 200 : i32
      %dma_start3A_935 = arith.constant 0 : i32
      %dma_start3A_936 = tpu.memref_slice %arg6[%dma_start3A_934, %dma_start3A_935] : memref<800x32xf32, #tpu.memory_space<vmem>> -> memref<128x32xf32, #tpu.memory_space<vmem>>
      %dma_start3A_937 = arith.constant 0 : i32
      %dma_start3A_938 = tpu.memref_slice %arg5[%add3A_895, %dma_start3A_937] : memref<128x200xi32, #tpu.memory_space<vmem>> -> memref<1x128xi32, #tpu.memory_space<vmem>>
      %dma_start3A_939 = tpu.memref_squeeze %dma_start3A_938 : memref<1x128xi32, #tpu.memory_space<vmem>> -> memref<128xi32, #tpu.memory_space<vmem>>
      %dma_start3A_940 = arith.constant 0 : i32
      %dma_start3A_941 = arith.constant 0 : i32
      %dma_start3A_942 = tpu.memref_slice %arg3[%dma_start3A_940, %dma_start3A_941] : memref<1000000x32xf32, #tpu.memory_space<hbm>> -> memref<1000000x32xf32, #tpu.memory_space<hbm>>
      tpu.enqueue_indirect_dma source(%dma_start3A_942 : memref<1000000x32xf32, #tpu.memory_space<hbm>>) target(%dma_start3A_936 : memref<128x32xf32, #tpu.memory_space<vmem>>) offsets(%dma_start3A_939 : memref<128xi32, #tpu.memory_space<vmem>>) semaphore(%arg9 : memref<!tpu.dma_semaphore, #tpu.memory_space<semaphore_mem>>)
      %dma_start3A_943 = arith.constant 328 : i32
      %dma_start3A_944 = arith.constant 0 : i32
      %dma_start3A_945 = tpu.memref_slice %arg6[%dma_start3A_943, %dma_start3A_944] : memref<800x32xf32, #tpu.memory_space<vmem>> -> memref<72x32xf32, #tpu.memory_space<vmem>>
      %dma_start3A_946 = arith.constant 128 : i32
      %dma_start3A_947 = tpu.memref_slice %arg5[%add3A_899, %dma_start3A_946] : memref<128x200xi32, #tpu.memory_space<vmem>> -> memref<1x72xi32, #tpu.memory_space<vmem>>
      %dma_start3A_948 = tpu.memref_squeeze %dma_start3A_947 : memref<1x72xi32, #tpu.memory_space<vmem>> -> memref<72xi32, #tpu.memory_space<vmem>>
      %dma_start3A_949 = arith.constant 0 : i32
      %dma_start3A_950 = arith.constant 0 : i32
      %dma_start3A_951 = tpu.memref_slice %arg3[%dma_start3A_949, %dma_start3A_950] : memref<1000000x32xf32, #tpu.memory_space<hbm>> -> memref<1000000x32xf32, #tpu.memory_space<hbm>>
      tpu.enqueue_indirect_dma source(%dma_start3A_951 : memref<1000000x32xf32, #tpu.memory_space<hbm>>) target(%dma_start3A_945 : memref<72x32xf32, #tpu.memory_space<vmem>>) offsets(%dma_start3A_948 : memref<72xi32, #tpu.memory_space<vmem>>) semaphore(%arg9 : memref<!tpu.dma_semaphore, #tpu.memory_space<semaphore_mem>>)
      %dma_start3A_952 = arith.constant 400 : i32
      %dma_start3A_953 = arith.constant 0 : i32
      %dma_start3A_954 = tpu.memref_slice %arg6[%dma_start3A_952, %dma_start3A_953] : memref<800x32xf32, #tpu.memory_space<vmem>> -> memref<128x32xf32, #tpu.memory_space<vmem>>
      %dma_start3A_955 = arith.constant 0 : i32
      %dma_start3A_956 = tpu.memref_slice %arg5[%add3A_903, %dma_start3A_955] : memref<128x200xi32, #tpu.memory_space<vmem>> -> memref<1x128xi32, #tpu.memory_space<vmem>>
      %dma_start3A_957 = tpu.memref_squeeze %dma_start3A_956 : memref<1x128xi32, #tpu.memory_space<vmem>> -> memref<128xi32, #tpu.memory_space<vmem>>
      %dma_start3A_958 = arith.constant 0 : i32
      %dma_start3A_959 = arith.constant 0 : i32
      %dma_start3A_960 = tpu.memref_slice %arg3[%dma_start3A_958, %dma_start3A_959] : memref<1000000x32xf32, #tpu.memory_space<hbm>> -> memref<1000000x32xf32, #tpu.memory_space<hbm>>
      tpu.enqueue_indirect_dma source(%dma_start3A_960 : memref<1000000x32xf32, #tpu.memory_space<hbm>>) target(%dma_start3A_954 : memref<128x32xf32, #tpu.memory_space<vmem>>) offsets(%dma_start3A_957 : memref<128xi32, #tpu.memory_space<vmem>>) semaphore(%arg9 : memref<!tpu.dma_semaphore, #tpu.memory_space<semaphore_mem>>)
      %dma_start3A_961 = arith.constant 528 : i32
      %dma_start3A_962 = arith.constant 0 : i32
      %dma_start3A_963 = tpu.memref_slice %arg6[%dma_start3A_961, %dma_start3A_962] : memref<800x32xf32, #tpu.memory_space<vmem>> -> memref<72x32xf32, #tpu.memory_space<vmem>>
      %dma_start3A_964 = arith.constant 128 : i32
      %dma_start3A_965 = tpu.memref_slice %arg5[%add3A_907, %dma_start3A_964] : memref<128x200xi32, #tpu.memory_space<vmem>> -> memref<1x72xi32, #tpu.memory_space<vmem>>
      %dma_start3A_966 = tpu.memref_squeeze %dma_start3A_965 : memref<1x72xi32, #tpu.memory_space<vmem>> -> memref<72xi32, #tpu.memory_space<vmem>>
      %dma_start3A_967 = arith.constant 0 : i32
      %dma_start3A_968 = arith.constant 0 : i32
      %dma_start3A_969 = tpu.memref_slice %arg3[%dma_start3A_967, %dma_start3A_968] : memref<1000000x32xf32, #tpu.memory_space<hbm>> -> memref<1000000x32xf32, #tpu.memory_space<hbm>>
      tpu.enqueue_indirect_dma source(%dma_start3A_969 : memref<1000000x32xf32, #tpu.memory_space<hbm>>) target(%dma_start3A_963 : memref<72x32xf32, #tpu.memory_space<vmem>>) offsets(%dma_start3A_966 : memref<72xi32, #tpu.memory_space<vmem>>) semaphore(%arg9 : memref<!tpu.dma_semaphore, #tpu.memory_space<semaphore_mem>>)
      %dma_start3A_970 = arith.constant 600 : i32
      %dma_start3A_971 = arith.constant 0 : i32
      %dma_start3A_972 = tpu.memref_slice %arg6[%dma_start3A_970, %dma_start3A_971] : memref<800x32xf32, #tpu.memory_space<vmem>> -> memref<128x32xf32, #tpu.memory_space<vmem>>
      %dma_start3A_973 = arith.constant 0 : i32
      %dma_start3A_974 = tpu.memref_slice %arg5[%add3A_911, %dma_start3A_973] : memref<128x200xi32, #tpu.memory_space<vmem>> -> memref<1x128xi32, #tpu.memory_space<vmem>>
      %dma_start3A_975 = tpu.memref_squeeze %dma_start3A_974 : memref<1x128xi32, #tpu.memory_space<vmem>> -> memref<128xi32, #tpu.memory_space<vmem>>
      %dma_start3A_976 = arith.constant 0 : i32
      %dma_start3A_977 = arith.constant 0 : i32
      %dma_start3A_978 = tpu.memref_slice %arg3[%dma_start3A_976, %dma_start3A_977] : memref<1000000x32xf32, #tpu.memory_space<hbm>> -> memref<1000000x32xf32, #tpu.memory_space<hbm>>
      tpu.enqueue_indirect_dma source(%dma_start3A_978 : memref<1000000x32xf32, #tpu.memory_space<hbm>>) target(%dma_start3A_972 : memref<128x32xf32, #tpu.memory_space<vmem>>) offsets(%dma_start3A_975 : memref<128xi32, #tpu.memory_space<vmem>>) semaphore(%arg9 : memref<!tpu.dma_semaphore, #tpu.memory_space<semaphore_mem>>)
      %dma_start3A_979 = arith.constant 728 : i32
      %dma_start3A_980 = arith.constant 0 : i32
      %dma_start3A_981 = tpu.memref_slice %arg6[%dma_start3A_979, %dma_start3A_980] : memref<800x32xf32, #tpu.memory_space<vmem>> -> memref<72x32xf32, #tpu.memory_space<vmem>>
      %dma_start3A_982 = arith.constant 128 : i32
      %dma_start3A_983 = tpu.memref_slice %arg5[%add3A_915, %dma_start3A_982] : memref<128x200xi32, #tpu.memory_space<vmem>> -> memref<1x72xi32, #tpu.memory_space<vmem>>
      %dma_start3A_984 = tpu.memref_squeeze %dma_start3A_983 : memref<1x72xi32, #tpu.memory_space<vmem>> -> memref<72xi32, #tpu.memory_space<vmem>>
      %dma_start3A_985 = arith.constant 0 : i32
      %dma_start3A_986 = arith.constant 0 : i32
      %dma_start3A_987 = tpu.memref_slice %arg3[%dma_start3A_985, %dma_start3A_986] : memref<1000000x32xf32, #tpu.memory_space<hbm>> -> memref<1000000x32xf32, #tpu.memory_space<hbm>>
      tpu.enqueue_indirect_dma source(%dma_start3A_987 : memref<1000000x32xf32, #tpu.memory_space<hbm>>) target(%dma_start3A_981 : memref<72x32xf32, #tpu.memory_space<vmem>>) offsets(%dma_start3A_984 : memref<72xi32, #tpu.memory_space<vmem>>) semaphore(%arg9 : memref<!tpu.dma_semaphore, #tpu.memory_space<semaphore_mem>>)
      %add3A_988 = arith.constant 1 : i32
      %add3A_989 = arith.addi %add3A_551, %add3A_988 : i32
      %mul3A_990 = arith.constant 4 : i32
      %mul3A_991 = arith.muli %add3A_989, %mul3A_990 : i32
      %add3A_992 = arith.constant 0 : i32
      %add3A_993 = arith.addi %mul3A_991, %add3A_992 : i32
      %mul3A_994 = arith.constant 4 : i32
      %mul3A_995 = arith.muli %add3A_989, %mul3A_994 : i32
      %add3A_996 = arith.constant 0 : i32
      %add3A_997 = arith.addi %mul3A_995, %add3A_996 : i32
      %mul3A_998 = arith.constant 4 : i32
      %mul3A_999 = arith.muli %add3A_989, %mul3A_998 : i32
      %add3A_1000 = arith.constant 1 : i32
      %add3A_1001 = arith.addi %mul3A_999, %add3A_1000 : i32
      %mul3A_1002 = arith.constant 4 : i32
      %mul3A_1003 = arith.muli %add3A_989, %mul3A_1002 : i32
      %add3A_1004 = arith.constant 1 : i32
      %add3A_1005 = arith.addi %mul3A_1003, %add3A_1004 : i32
      %mul3A_1006 = arith.constant 4 : i32
      %mul3A_1007 = arith.muli %add3A_989, %mul3A_1006 : i32
      %add3A_1008 = arith.constant 2 : i32
      %add3A_1009 = arith.addi %mul3A_1007, %add3A_1008 : i32
      %mul3A_1010 = arith.constant 4 : i32
      %mul3A_1011 = arith.muli %add3A_989, %mul3A_1010 : i32
      %add3A_1012 = arith.constant 2 : i32
      %add3A_1013 = arith.addi %mul3A_1011, %add3A_1012 : i32
      %mul3A_1014 = arith.constant 4 : i32
      %mul3A_1015 = arith.muli %add3A_989, %mul3A_1014 : i32
      %add3A_1016 = arith.constant 3 : i32
      %add3A_1017 = arith.addi %mul3A_1015, %add3A_1016 : i32
      %mul3A_1018 = arith.constant 4 : i32
      %mul3A_1019 = arith.muli %add3A_989, %mul3A_1018 : i32
      %add3A_1020 = arith.constant 3 : i32
      %add3A_1021 = arith.addi %mul3A_1019, %add3A_1020 : i32
      %dma_wait3A_1022 = arith.constant 0 : i32
      %dma_wait3A_1023 = arith.constant 0 : i32
      %dma_wait3A_1024 = tpu.memref_slice %arg7[%dma_wait3A_1022, %dma_wait3A_1023] : memref<800x32xf32, #tpu.memory_space<vmem>> -> memref<128x32xf32, #tpu.memory_space<vmem>>
      %dma_wait3A_1025 = arith.constant 0 : i32
      %dma_wait3A_1026 = tpu.memref_slice %arg5[%add3A_993, %dma_wait3A_1025] : memref<128x200xi32, #tpu.memory_space<vmem>> -> memref<1x128xi32, #tpu.memory_space<vmem>>
      %dma_wait3A_1027 = tpu.memref_squeeze %dma_wait3A_1026 : memref<1x128xi32, #tpu.memory_space<vmem>> -> memref<128xi32, #tpu.memory_space<vmem>>
      %dma_wait3A_1028 = arith.constant 0 : i32
      %dma_wait3A_1029 = arith.constant 0 : i32
      %dma_wait3A_1030 = tpu.memref_slice %arg3[%dma_wait3A_1028, %dma_wait3A_1029] : memref<1000000x32xf32, #tpu.memory_space<hbm>> -> memref<1000000x32xf32, #tpu.memory_space<hbm>>
      tpu.wait_indirect_dma semaphore(%arg10 : memref<!tpu.dma_semaphore, #tpu.memory_space<semaphore_mem>>) src(%dma_wait3A_1030 : memref<1000000x32xf32, #tpu.memory_space<hbm>>) dst(%dma_wait3A_1024 : memref<128x32xf32, #tpu.memory_space<vmem>>)
      %dma_wait3A_1031 = arith.constant 128 : i32
      %dma_wait3A_1032 = arith.constant 0 : i32
      %dma_wait3A_1033 = tpu.memref_slice %arg7[%dma_wait3A_1031, %dma_wait3A_1032] : memref<800x32xf32, #tpu.memory_space<vmem>> -> memref<72x32xf32, #tpu.memory_space<vmem>>
      %dma_wait3A_1034 = arith.constant 128 : i32
      %dma_wait3A_1035 = tpu.memref_slice %arg5[%add3A_997, %dma_wait3A_1034] : memref<128x200xi32, #tpu.memory_space<vmem>> -> memref<1x72xi32, #tpu.memory_space<vmem>>
      %dma_wait3A_1036 = tpu.memref_squeeze %dma_wait3A_1035 : memref<1x72xi32, #tpu.memory_space<vmem>> -> memref<72xi32, #tpu.memory_space<vmem>>
      %dma_wait3A_1037 = arith.constant 0 : i32
      %dma_wait3A_1038 = arith.constant 0 : i32
      %dma_wait3A_1039 = tpu.memref_slice %arg3[%dma_wait3A_1037, %dma_wait3A_1038] : memref<1000000x32xf32, #tpu.memory_space<hbm>> -> memref<1000000x32xf32, #tpu.memory_space<hbm>>
      tpu.wait_indirect_dma semaphore(%arg10 : memref<!tpu.dma_semaphore, #tpu.memory_space<semaphore_mem>>) src(%dma_wait3A_1039 : memref<1000000x32xf32, #tpu.memory_space<hbm>>) dst(%dma_wait3A_1033 : memref<72x32xf32, #tpu.memory_space<vmem>>)
      %dma_wait3A_1040 = arith.constant 200 : i32
      %dma_wait3A_1041 = arith.constant 0 : i32
      %dma_wait3A_1042 = tpu.memref_slice %arg7[%dma_wait3A_1040, %dma_wait3A_1041] : memref<800x32xf32, #tpu.memory_space<vmem>> -> memref<128x32xf32, #tpu.memory_space<vmem>>
      %dma_wait3A_1043 = arith.constant 0 : i32
      %dma_wait3A_1044 = tpu.memref_slice %arg5[%add3A_1001, %dma_wait3A_1043] : memref<128x200xi32, #tpu.memory_space<vmem>> -> memref<1x128xi32, #tpu.memory_space<vmem>>
      %dma_wait3A_1045 = tpu.memref_squeeze %dma_wait3A_1044 : memref<1x128xi32, #tpu.memory_space<vmem>> -> memref<128xi32, #tpu.memory_space<vmem>>
      %dma_wait3A_1046 = arith.constant 0 : i32
      %dma_wait3A_1047 = arith.constant 0 : i32
      %dma_wait3A_1048 = tpu.memref_slice %arg3[%dma_wait3A_1046, %dma_wait3A_1047] : memref<1000000x32xf32, #tpu.memory_space<hbm>> -> memref<1000000x32xf32, #tpu.memory_space<hbm>>
      tpu.wait_indirect_dma semaphore(%arg10 : memref<!tpu.dma_semaphore, #tpu.memory_space<semaphore_mem>>) src(%dma_wait3A_1048 : memref<1000000x32xf32, #tpu.memory_space<hbm>>) dst(%dma_wait3A_1042 : memref<128x32xf32, #tpu.memory_space<vmem>>)
      %dma_wait3A_1049 = arith.constant 328 : i32
      %dma_wait3A_1050 = arith.constant 0 : i32
      %dma_wait3A_1051 = tpu.memref_slice %arg7[%dma_wait3A_1049, %dma_wait3A_1050] : memref<800x32xf32, #tpu.memory_space<vmem>> -> memref<72x32xf32, #tpu.memory_space<vmem>>
      %dma_wait3A_1052 = arith.constant 128 : i32
      %dma_wait3A_1053 = tpu.memref_slice %arg5[%add3A_1005, %dma_wait3A_1052] : memref<128x200xi32, #tpu.memory_space<vmem>> -> memref<1x72xi32, #tpu.memory_space<vmem>>
      %dma_wait3A_1054 = tpu.memref_squeeze %dma_wait3A_1053 : memref<1x72xi32, #tpu.memory_space<vmem>> -> memref<72xi32, #tpu.memory_space<vmem>>
      %dma_wait3A_1055 = arith.constant 0 : i32
      %dma_wait3A_1056 = arith.constant 0 : i32
      %dma_wait3A_1057 = tpu.memref_slice %arg3[%dma_wait3A_1055, %dma_wait3A_1056] : memref<1000000x32xf32, #tpu.memory_space<hbm>> -> memref<1000000x32xf32, #tpu.memory_space<hbm>>
      tpu.wait_indirect_dma semaphore(%arg10 : memref<!tpu.dma_semaphore, #tpu.memory_space<semaphore_mem>>) src(%dma_wait3A_1057 : memref<1000000x32xf32, #tpu.memory_space<hbm>>) dst(%dma_wait3A_1051 : memref<72x32xf32, #tpu.memory_space<vmem>>)
      %dma_wait3A_1058 = arith.constant 400 : i32
      %dma_wait3A_1059 = arith.constant 0 : i32
      %dma_wait3A_1060 = tpu.memref_slice %arg7[%dma_wait3A_1058, %dma_wait3A_1059] : memref<800x32xf32, #tpu.memory_space<vmem>> -> memref<128x32xf32, #tpu.memory_space<vmem>>
      %dma_wait3A_1061 = arith.constant 0 : i32
      %dma_wait3A_1062 = tpu.memref_slice %arg5[%add3A_1009, %dma_wait3A_1061] : memref<128x200xi32, #tpu.memory_space<vmem>> -> memref<1x128xi32, #tpu.memory_space<vmem>>
      %dma_wait3A_1063 = tpu.memref_squeeze %dma_wait3A_1062 : memref<1x128xi32, #tpu.memory_space<vmem>> -> memref<128xi32, #tpu.memory_space<vmem>>
      %dma_wait3A_1064 = arith.constant 0 : i32
      %dma_wait3A_1065 = arith.constant 0 : i32
      %dma_wait3A_1066 = tpu.memref_slice %arg3[%dma_wait3A_1064, %dma_wait3A_1065] : memref<1000000x32xf32, #tpu.memory_space<hbm>> -> memref<1000000x32xf32, #tpu.memory_space<hbm>>
      tpu.wait_indirect_dma semaphore(%arg10 : memref<!tpu.dma_semaphore, #tpu.memory_space<semaphore_mem>>) src(%dma_wait3A_1066 : memref<1000000x32xf32, #tpu.memory_space<hbm>>) dst(%dma_wait3A_1060 : memref<128x32xf32, #tpu.memory_space<vmem>>)
      %dma_wait3A_1067 = arith.constant 528 : i32
      %dma_wait3A_1068 = arith.constant 0 : i32
      %dma_wait3A_1069 = tpu.memref_slice %arg7[%dma_wait3A_1067, %dma_wait3A_1068] : memref<800x32xf32, #tpu.memory_space<vmem>> -> memref<72x32xf32, #tpu.memory_space<vmem>>
      %dma_wait3A_1070 = arith.constant 128 : i32
      %dma_wait3A_1071 = tpu.memref_slice %arg5[%add3A_1013, %dma_wait3A_1070] : memref<128x200xi32, #tpu.memory_space<vmem>> -> memref<1x72xi32, #tpu.memory_space<vmem>>
      %dma_wait3A_1072 = tpu.memref_squeeze %dma_wait3A_1071 : memref<1x72xi32, #tpu.memory_space<vmem>> -> memref<72xi32, #tpu.memory_space<vmem>>
      %dma_wait3A_1073 = arith.constant 0 : i32
      %dma_wait3A_1074 = arith.constant 0 : i32
      %dma_wait3A_1075 = tpu.memref_slice %arg3[%dma_wait3A_1073, %dma_wait3A_1074] : memref<1000000x32xf32, #tpu.memory_space<hbm>> -> memref<1000000x32xf32, #tpu.memory_space<hbm>>
      tpu.wait_indirect_dma semaphore(%arg10 : memref<!tpu.dma_semaphore, #tpu.memory_space<semaphore_mem>>) src(%dma_wait3A_1075 : memref<1000000x32xf32, #tpu.memory_space<hbm>>) dst(%dma_wait3A_1069 : memref<72x32xf32, #tpu.memory_space<vmem>>)
      %dma_wait3A_1076 = arith.constant 600 : i32
      %dma_wait3A_1077 = arith.constant 0 : i32
      %dma_wait3A_1078 = tpu.memref_slice %arg7[%dma_wait3A_1076, %dma_wait3A_1077] : memref<800x32xf32, #tpu.memory_space<vmem>> -> memref<128x32xf32, #tpu.memory_space<vmem>>
      %dma_wait3A_1079 = arith.constant 0 : i32
      %dma_wait3A_1080 = tpu.memref_slice %arg5[%add3A_1017, %dma_wait3A_1079] : memref<128x200xi32, #tpu.memory_space<vmem>> -> memref<1x128xi32, #tpu.memory_space<vmem>>
      %dma_wait3A_1081 = tpu.memref_squeeze %dma_wait3A_1080 : memref<1x128xi32, #tpu.memory_space<vmem>> -> memref<128xi32, #tpu.memory_space<vmem>>
      %dma_wait3A_1082 = arith.constant 0 : i32
      %dma_wait3A_1083 = arith.constant 0 : i32
      %dma_wait3A_1084 = tpu.memref_slice %arg3[%dma_wait3A_1082, %dma_wait3A_1083] : memref<1000000x32xf32, #tpu.memory_space<hbm>> -> memref<1000000x32xf32, #tpu.memory_space<hbm>>
      tpu.wait_indirect_dma semaphore(%arg10 : memref<!tpu.dma_semaphore, #tpu.memory_space<semaphore_mem>>) src(%dma_wait3A_1084 : memref<1000000x32xf32, #tpu.memory_space<hbm>>) dst(%dma_wait3A_1078 : memref<128x32xf32, #tpu.memory_space<vmem>>)
      %dma_wait3A_1085 = arith.constant 728 : i32
      %dma_wait3A_1086 = arith.constant 0 : i32
      %dma_wait3A_1087 = tpu.memref_slice %arg7[%dma_wait3A_1085, %dma_wait3A_1086] : memref<800x32xf32, #tpu.memory_space<vmem>> -> memref<72x32xf32, #tpu.memory_space<vmem>>
      %dma_wait3A_1088 = arith.constant 128 : i32
      %dma_wait3A_1089 = tpu.memref_slice %arg5[%add3A_1021, %dma_wait3A_1088] : memref<128x200xi32, #tpu.memory_space<vmem>> -> memref<1x72xi32, #tpu.memory_space<vmem>>
      %dma_wait3A_1090 = tpu.memref_squeeze %dma_wait3A_1089 : memref<1x72xi32, #tpu.memory_space<vmem>> -> memref<72xi32, #tpu.memory_space<vmem>>
      %dma_wait3A_1091 = arith.constant 0 : i32
      %dma_wait3A_1092 = arith.constant 0 : i32
      %dma_wait3A_1093 = tpu.memref_slice %arg3[%dma_wait3A_1091, %dma_wait3A_1092] : memref<1000000x32xf32, #tpu.memory_space<hbm>> -> memref<1000000x32xf32, #tpu.memory_space<hbm>>
      tpu.wait_indirect_dma semaphore(%arg10 : memref<!tpu.dma_semaphore, #tpu.memory_space<semaphore_mem>>) src(%dma_wait3A_1093 : memref<1000000x32xf32, #tpu.memory_space<hbm>>) dst(%dma_wait3A_1087 : memref<72x32xf32, #tpu.memory_space<vmem>>)
      %add3A_1094 = arith.constant 1 : i32
      %add3A_1095 = arith.addi %add3A_551, %add3A_1094 : i32
      %broadcast_in_dim3A_1096 = arith.constant 0.000000e+00 : f32
      %broadcast_in_dim3A_1097 = vector.broadcast %broadcast_in_dim3A_1096 : f32 to vector<16xf32>
      %broadcast_in_dim3A_1098 = arith.constant 0.000000e+00 : f32
      %broadcast_in_dim3A_1099 = vector.broadcast %broadcast_in_dim3A_1098 : f32 to vector<16xf32>
      %broadcast_in_dim3A_1100 = arith.constant 0.000000e+00 : f32
      %broadcast_in_dim3A_1101 = vector.broadcast %broadcast_in_dim3A_1100 : f32 to vector<16xf32>
      %broadcast_in_dim3A_1102 = arith.constant 0.000000e+00 : f32
      %broadcast_in_dim3A_1103 = vector.broadcast %broadcast_in_dim3A_1102 : f32 to vector<16xf32>
      %scan3A_1104 = arith.constant 0 : i32
      %scan3A_1105 = arith.constant 50 : i32
      %scan3A_1106 = arith.addi %scan3A_1104, %scan3A_1105 : i32
      %scan3A_1107 = arith.constant 1 : i32
      %scan3A_1108:4 = scf.for %scan3A_1216 = %scan3A_1104 to %scan3A_1106 step %scan3A_1107 iter_args(%scan3A_1217 = %broadcast_in_dim3A_1097, %scan3A_1218 = %broadcast_in_dim3A_1099, %scan3A_1219 = %broadcast_in_dim3A_1101, %scan3A_1220 = %broadcast_in_dim3A_1103) -> (vector<16xf32>, vector<16xf32>, vector<16xf32>, vector<16xf32>)  : i32 {
        %mul3A_1221 = arith.constant 4 : i32
        %mul3A_1222 = arith.muli %scan3A_1216, %mul3A_1221 : i32
        %add3A_1223 = arith.constant 0 : i32
        %add3A_1224 = arith.addi %add3A_1223, %mul3A_1222 : i32
        %get3A = arith.index_cast %add3A_1224 : i32 to index
        %get3A_1225 = arith.constant 0 : index
        %get3A_1226 = tpu.vector_load %arg7[%get3A, %get3A_1225] {strides = array<i32>} : memref<800x32xf32, #tpu.memory_space<vmem>>, vector<1x16xf32>,
        %get3A_1227 = vector.shape_cast %get3A_1226 : vector<1x16xf32> to vector<16xf32>
        %add3A_1228 = arith.addf %scan3A_1217, %get3A_1227 : vector<16xf32>
        %add3A_1229 = arith.constant 1 : i32
        %add3A_1230 = arith.addi %add3A_1224, %add3A_1229 : i32
        %get3A_1231 = arith.index_cast %add3A_1230 : i32 to index
        %get3A_1232 = arith.constant 0 : index
        %get3A_1233 = tpu.vector_load %arg7[%get3A_1231, %get3A_1232] {strides = array<i32>} : memref<800x32xf32, #tpu.memory_space<vmem>>, vector<1x16xf32>,
        %get3A_1234 = vector.shape_cast %get3A_1233 : vector<1x16xf32> to vector<16xf32>
        %add3A_1235 = arith.addf %add3A_1228, %get3A_1234 : vector<16xf32>
        %add3A_1236 = arith.constant 2 : i32
        %add3A_1237 = arith.addi %add3A_1224, %add3A_1236 : i32
        %get3A_1238 = arith.index_cast %add3A_1237 : i32 to index
        %get3A_1239 = arith.constant 0 : index
        %get3A_1240 = tpu.vector_load %arg7[%get3A_1238, %get3A_1239] {strides = array<i32>} : memref<800x32xf32, #tpu.memory_space<vmem>>, vector<1x16xf32>,
        %get3A_1241 = vector.shape_cast %get3A_1240 : vector<1x16xf32> to vector<16xf32>
        %add3A_1242 = arith.addf %scan3A_1218, %get3A_1241 : vector<16xf32>
        %add3A_1243 = arith.constant 3 : i32
        %add3A_1244 = arith.addi %add3A_1224, %add3A_1243 : i32
        %get3A_1245 = arith.index_cast %add3A_1244 : i32 to index
        %get3A_1246 = arith.constant 0 : index
        %get3A_1247 = tpu.vector_load %arg7[%get3A_1245, %get3A_1246] {strides = array<i32>} : memref<800x32xf32, #tpu.memory_space<vmem>>, vector<1x16xf32>,
        %get3A_1248 = vector.shape_cast %get3A_1247 : vector<1x16xf32> to vector<16xf32>
        %add3A_1249 = arith.addf %add3A_1242, %get3A_1248 : vector<16xf32>
        %get3A_1250 = arith.index_cast %add3A_1224 : i32 to index
        %get3A_1251 = arith.constant 16 : index
        %get3A_1252 = tpu.vector_load %arg7[%get3A_1250, %get3A_1251] {strides = array<i32>} : memref<800x32xf32, #tpu.memory_space<vmem>>, vector<1x16xf32>,
        %get3A_1253 = vector.shape_cast %get3A_1252 : vector<1x16xf32> to vector<16xf32>
        %add3A_1254 = arith.addf %scan3A_1219, %get3A_1253 : vector<16xf32>
        %add3A_1255 = arith.constant 1 : i32
        %add3A_1256 = arith.addi %add3A_1224, %add3A_1255 : i32
        %get3A_1257 = arith.index_cast %add3A_1256 : i32 to index
        %get3A_1258 = arith.constant 16 : index
        %get3A_1259 = tpu.vector_load %arg7[%get3A_1257, %get3A_1258] {strides = array<i32>} : memref<800x32xf32, #tpu.memory_space<vmem>>, vector<1x16xf32>,
        %get3A_1260 = vector.shape_cast %get3A_1259 : vector<1x16xf32> to vector<16xf32>
        %add3A_1261 = arith.addf %add3A_1254, %get3A_1260 : vector<16xf32>
        %add3A_1262 = arith.constant 2 : i32
        %add3A_1263 = arith.addi %add3A_1224, %add3A_1262 : i32
        %get3A_1264 = arith.index_cast %add3A_1263 : i32 to index
        %get3A_1265 = arith.constant 16 : index
        %get3A_1266 = tpu.vector_load %arg7[%get3A_1264, %get3A_1265] {strides = array<i32>} : memref<800x32xf32, #tpu.memory_space<vmem>>, vector<1x16xf32>,
        %get3A_1267 = vector.shape_cast %get3A_1266 : vector<1x16xf32> to vector<16xf32>
        %add3A_1268 = arith.addf %scan3A_1220, %get3A_1267 : vector<16xf32>
        %add3A_1269 = arith.constant 3 : i32
        %add3A_1270 = arith.addi %add3A_1224, %add3A_1269 : i32
        %get3A_1271 = arith.index_cast %add3A_1270 : i32 to index
        %get3A_1272 = arith.constant 16 : index
        %get3A_1273 = tpu.vector_load %arg7[%get3A_1271, %get3A_1272] {strides = array<i32>} : memref<800x32xf32, #tpu.memory_space<vmem>>, vector<1x16xf32>,
        %get3A_1274 = vector.shape_cast %get3A_1273 : vector<1x16xf32> to vector<16xf32>
        %add3A_1275 = arith.addf %add3A_1268, %get3A_1274 : vector<16xf32>
        scf.yield %add3A_1235, %add3A_1249, %add3A_1261, %add3A_1275 : vector<16xf32>, vector<16xf32>, vector<16xf32>, vector<16xf32>
      }
      %scan3A_1109 = arith.constant 50 : i32
      %mul3A_1110 = arith.constant 4 : i32
      %mul3A_1111 = arith.muli %add3A_1095, %mul3A_1110 : i32
      %add3A_1112 = arith.constant 0 : i32
      %add3A_1113 = arith.addi %mul3A_1111, %add3A_1112 : i32
      %add3A_1114 = arith.addf %scan3A_1108#0, %scan3A_1108#1 : vector<16xf32>
      %swap3A_1115 = arith.index_cast %add3A_1113 : i32 to index
      %swap3A_1116 = arith.constant 0 : index
      %swap3A_1117 = tpu.vector_load %arg8[%swap3A_1115, %swap3A_1116] {strides = array<i32>} : memref<128x32xf32, #tpu.memory_space<vmem>>, vector<1x16xf32>,
      %swap3A_1118 = vector.shape_cast %swap3A_1117 : vector<1x16xf32> to vector<16xf32>
      %swap3A_1119 = vector.shape_cast %add3A_1114 : vector<16xf32> to vector<1x16xf32>
      tpu.vector_store %arg8[%swap3A_1115, %swap3A_1116], %swap3A_1119 {strides = array<i32>} : memref<128x32xf32, #tpu.memory_space<vmem>>, vector<1x16xf32>,
      %add3A_1120 = arith.addf %scan3A_1108#2, %scan3A_1108#3 : vector<16xf32>
      %swap3A_1121 = arith.index_cast %add3A_1113 : i32 to index
      %swap3A_1122 = arith.constant 16 : index
      %swap3A_1123 = tpu.vector_load %arg8[%swap3A_1121, %swap3A_1122] {strides = array<i32>} : memref<128x32xf32, #tpu.memory_space<vmem>>, vector<1x16xf32>,
      %swap3A_1124 = vector.shape_cast %swap3A_1123 : vector<1x16xf32> to vector<16xf32>
      %swap3A_1125 = vector.shape_cast %add3A_1120 : vector<16xf32> to vector<1x16xf32>
      tpu.vector_store %arg8[%swap3A_1121, %swap3A_1122], %swap3A_1125 {strides = array<i32>} : memref<128x32xf32, #tpu.memory_space<vmem>>, vector<1x16xf32>,
      %broadcast_in_dim3A_1126 = arith.constant 0.000000e+00 : f32
      %broadcast_in_dim3A_1127 = vector.broadcast %broadcast_in_dim3A_1126 : f32 to vector<16xf32>
      %broadcast_in_dim3A_1128 = arith.constant 0.000000e+00 : f32
      %broadcast_in_dim3A_1129 = vector.broadcast %broadcast_in_dim3A_1128 : f32 to vector<16xf32>
      %broadcast_in_dim3A_1130 = arith.constant 0.000000e+00 : f32
      %broadcast_in_dim3A_1131 = vector.broadcast %broadcast_in_dim3A_1130 : f32 to vector<16xf32>
      %broadcast_in_dim3A_1132 = arith.constant 0.000000e+00 : f32
      %broadcast_in_dim3A_1133 = vector.broadcast %broadcast_in_dim3A_1132 : f32 to vector<16xf32>
      %scan3A_1134 = arith.constant 0 : i32
      %scan3A_1135 = arith.constant 50 : i32
      %scan3A_1136 = arith.addi %scan3A_1134, %scan3A_1135 : i32
      %scan3A_1137 = arith.constant 1 : i32
      %scan3A_1138:4 = scf.for %scan3A_1216 = %scan3A_1134 to %scan3A_1136 step %scan3A_1137 iter_args(%scan3A_1217 = %broadcast_in_dim3A_1127, %scan3A_1218 = %broadcast_in_dim3A_1129, %scan3A_1219 = %broadcast_in_dim3A_1131, %scan3A_1220 = %broadcast_in_dim3A_1133) -> (vector<16xf32>, vector<16xf32>, vector<16xf32>, vector<16xf32>)  : i32 {
        %mul3A_1221 = arith.constant 4 : i32
        %mul3A_1222 = arith.muli %scan3A_1216, %mul3A_1221 : i32
        %add3A_1223 = arith.constant 200 : i32
        %add3A_1224 = arith.addi %add3A_1223, %mul3A_1222 : i32
        %get3A = arith.index_cast %add3A_1224 : i32 to index
        %get3A_1225 = arith.constant 0 : index
        %get3A_1226 = tpu.vector_load %arg7[%get3A, %get3A_1225] {strides = array<i32>} : memref<800x32xf32, #tpu.memory_space<vmem>>, vector<1x16xf32>,
        %get3A_1227 = vector.shape_cast %get3A_1226 : vector<1x16xf32> to vector<16xf32>
        %add3A_1228 = arith.addf %scan3A_1217, %get3A_1227 : vector<16xf32>
        %add3A_1229 = arith.constant 1 : i32
        %add3A_1230 = arith.addi %add3A_1224, %add3A_1229 : i32
        %get3A_1231 = arith.index_cast %add3A_1230 : i32 to index
        %get3A_1232 = arith.constant 0 : index
        %get3A_1233 = tpu.vector_load %arg7[%get3A_1231, %get3A_1232] {strides = array<i32>} : memref<800x32xf32, #tpu.memory_space<vmem>>, vector<1x16xf32>,
        %get3A_1234 = vector.shape_cast %get3A_1233 : vector<1x16xf32> to vector<16xf32>
        %add3A_1235 = arith.addf %add3A_1228, %get3A_1234 : vector<16xf32>
        %add3A_1236 = arith.constant 2 : i32
        %add3A_1237 = arith.addi %add3A_1224, %add3A_1236 : i32
        %get3A_1238 = arith.index_cast %add3A_1237 : i32 to index
        %get3A_1239 = arith.constant 0 : index
        %get3A_1240 = tpu.vector_load %arg7[%get3A_1238, %get3A_1239] {strides = array<i32>} : memref<800x32xf32, #tpu.memory_space<vmem>>, vector<1x16xf32>,
        %get3A_1241 = vector.shape_cast %get3A_1240 : vector<1x16xf32> to vector<16xf32>
        %add3A_1242 = arith.addf %scan3A_1218, %get3A_1241 : vector<16xf32>
        %add3A_1243 = arith.constant 3 : i32
        %add3A_1244 = arith.addi %add3A_1224, %add3A_1243 : i32
        %get3A_1245 = arith.index_cast %add3A_1244 : i32 to index
        %get3A_1246 = arith.constant 0 : index
        %get3A_1247 = tpu.vector_load %arg7[%get3A_1245, %get3A_1246] {strides = array<i32>} : memref<800x32xf32, #tpu.memory_space<vmem>>, vector<1x16xf32>,
        %get3A_1248 = vector.shape_cast %get3A_1247 : vector<1x16xf32> to vector<16xf32>
        %add3A_1249 = arith.addf %add3A_1242, %get3A_1248 : vector<16xf32>
        %get3A_1250 = arith.index_cast %add3A_1224 : i32 to index
        %get3A_1251 = arith.constant 16 : index
        %get3A_1252 = tpu.vector_load %arg7[%get3A_1250, %get3A_1251] {strides = array<i32>} : memref<800x32xf32, #tpu.memory_space<vmem>>, vector<1x16xf32>,
        %get3A_1253 = vector.shape_cast %get3A_1252 : vector<1x16xf32> to vector<16xf32>
        %add3A_1254 = arith.addf %scan3A_1219, %get3A_1253 : vector<16xf32>
        %add3A_1255 = arith.constant 1 : i32
        %add3A_1256 = arith.addi %add3A_1224, %add3A_1255 : i32
        %get3A_1257 = arith.index_cast %add3A_1256 : i32 to index
        %get3A_1258 = arith.constant 16 : index
        %get3A_1259 = tpu.vector_load %arg7[%get3A_1257, %get3A_1258] {strides = array<i32>} : memref<800x32xf32, #tpu.memory_space<vmem>>, vector<1x16xf32>,
        %get3A_1260 = vector.shape_cast %get3A_1259 : vector<1x16xf32> to vector<16xf32>
        %add3A_1261 = arith.addf %add3A_1254, %get3A_1260 : vector<16xf32>
        %add3A_1262 = arith.constant 2 : i32
        %add3A_1263 = arith.addi %add3A_1224, %add3A_1262 : i32
        %get3A_1264 = arith.index_cast %add3A_1263 : i32 to index
        %get3A_1265 = arith.constant 16 : index
        %get3A_1266 = tpu.vector_load %arg7[%get3A_1264, %get3A_1265] {strides = array<i32>} : memref<800x32xf32, #tpu.memory_space<vmem>>, vector<1x16xf32>,
        %get3A_1267 = vector.shape_cast %get3A_1266 : vector<1x16xf32> to vector<16xf32>
        %add3A_1268 = arith.addf %scan3A_1220, %get3A_1267 : vector<16xf32>
        %add3A_1269 = arith.constant 3 : i32
        %add3A_1270 = arith.addi %add3A_1224, %add3A_1269 : i32
        %get3A_1271 = arith.index_cast %add3A_1270 : i32 to index
        %get3A_1272 = arith.constant 16 : index
        %get3A_1273 = tpu.vector_load %arg7[%get3A_1271, %get3A_1272] {strides = array<i32>} : memref<800x32xf32, #tpu.memory_space<vmem>>, vector<1x16xf32>,
        %get3A_1274 = vector.shape_cast %get3A_1273 : vector<1x16xf32> to vector<16xf32>
        %add3A_1275 = arith.addf %add3A_1268, %get3A_1274 : vector<16xf32>
        scf.yield %add3A_1235, %add3A_1249, %add3A_1261, %add3A_1275 : vector<16xf32>, vector<16xf32>, vector<16xf32>, vector<16xf32>
      }
      %scan3A_1139 = arith.constant 50 : i32
      %mul3A_1140 = arith.constant 4 : i32
      %mul3A_1141 = arith.muli %add3A_1095, %mul3A_1140 : i32
      %add3A_1142 = arith.constant 1 : i32
      %add3A_1143 = arith.addi %mul3A_1141, %add3A_1142 : i32
      %add3A_1144 = arith.addf %scan3A_1138#0, %scan3A_1138#1 : vector<16xf32>
      %swap3A_1145 = arith.index_cast %add3A_1143 : i32 to index
      %swap3A_1146 = arith.constant 0 : index
      %swap3A_1147 = tpu.vector_load %arg8[%swap3A_1145, %swap3A_1146] {strides = array<i32>} : memref<128x32xf32, #tpu.memory_space<vmem>>, vector<1x16xf32>,
      %swap3A_1148 = vector.shape_cast %swap3A_1147 : vector<1x16xf32> to vector<16xf32>
      %swap3A_1149 = vector.shape_cast %add3A_1144 : vector<16xf32> to vector<1x16xf32>
      tpu.vector_store %arg8[%swap3A_1145, %swap3A_1146], %swap3A_1149 {strides = array<i32>} : memref<128x32xf32, #tpu.memory_space<vmem>>, vector<1x16xf32>,
      %add3A_1150 = arith.addf %scan3A_1138#2, %scan3A_1138#3 : vector<16xf32>
      %swap3A_1151 = arith.index_cast %add3A_1143 : i32 to index
      %swap3A_1152 = arith.constant 16 : index
      %swap3A_1153 = tpu.vector_load %arg8[%swap3A_1151, %swap3A_1152] {strides = array<i32>} : memref<128x32xf32, #tpu.memory_space<vmem>>, vector<1x16xf32>,
      %swap3A_1154 = vector.shape_cast %swap3A_1153 : vector<1x16xf32> to vector<16xf32>
      %swap3A_1155 = vector.shape_cast %add3A_1150 : vector<16xf32> to vector<1x16xf32>
      tpu.vector_store %arg8[%swap3A_1151, %swap3A_1152], %swap3A_1155 {strides = array<i32>} : memref<128x32xf32, #tpu.memory_space<vmem>>, vector<1x16xf32>,
      %broadcast_in_dim3A_1156 = arith.constant 0.000000e+00 : f32
      %broadcast_in_dim3A_1157 = vector.broadcast %broadcast_in_dim3A_1156 : f32 to vector<16xf32>
      %broadcast_in_dim3A_1158 = arith.constant 0.000000e+00 : f32
      %broadcast_in_dim3A_1159 = vector.broadcast %broadcast_in_dim3A_1158 : f32 to vector<16xf32>
      %broadcast_in_dim3A_1160 = arith.constant 0.000000e+00 : f32
      %broadcast_in_dim3A_1161 = vector.broadcast %broadcast_in_dim3A_1160 : f32 to vector<16xf32>
      %broadcast_in_dim3A_1162 = arith.constant 0.000000e+00 : f32
      %broadcast_in_dim3A_1163 = vector.broadcast %broadcast_in_dim3A_1162 : f32 to vector<16xf32>
      %scan3A_1164 = arith.constant 0 : i32
      %scan3A_1165 = arith.constant 50 : i32
      %scan3A_1166 = arith.addi %scan3A_1164, %scan3A_1165 : i32
      %scan3A_1167 = arith.constant 1 : i32
      %scan3A_1168:4 = scf.for %scan3A_1216 = %scan3A_1164 to %scan3A_1166 step %scan3A_1167 iter_args(%scan3A_1217 = %broadcast_in_dim3A_1157, %scan3A_1218 = %broadcast_in_dim3A_1159, %scan3A_1219 = %broadcast_in_dim3A_1161, %scan3A_1220 = %broadcast_in_dim3A_1163) -> (vector<16xf32>, vector<16xf32>, vector<16xf32>, vector<16xf32>)  : i32 {
        %mul3A_1221 = arith.constant 4 : i32
        %mul3A_1222 = arith.muli %scan3A_1216, %mul3A_1221 : i32
        %add3A_1223 = arith.constant 400 : i32
        %add3A_1224 = arith.addi %add3A_1223, %mul3A_1222 : i32
        %get3A = arith.index_cast %add3A_1224 : i32 to index
        %get3A_1225 = arith.constant 0 : index
        %get3A_1226 = tpu.vector_load %arg7[%get3A, %get3A_1225] {strides = array<i32>} : memref<800x32xf32, #tpu.memory_space<vmem>>, vector<1x16xf32>,
        %get3A_1227 = vector.shape_cast %get3A_1226 : vector<1x16xf32> to vector<16xf32>
        %add3A_1228 = arith.addf %scan3A_1217, %get3A_1227 : vector<16xf32>
        %add3A_1229 = arith.constant 1 : i32
        %add3A_1230 = arith.addi %add3A_1224, %add3A_1229 : i32
        %get3A_1231 = arith.index_cast %add3A_1230 : i32 to index
        %get3A_1232 = arith.constant 0 : index
        %get3A_1233 = tpu.vector_load %arg7[%get3A_1231, %get3A_1232] {strides = array<i32>} : memref<800x32xf32, #tpu.memory_space<vmem>>, vector<1x16xf32>,
        %get3A_1234 = vector.shape_cast %get3A_1233 : vector<1x16xf32> to vector<16xf32>
        %add3A_1235 = arith.addf %add3A_1228, %get3A_1234 : vector<16xf32>
        %add3A_1236 = arith.constant 2 : i32
        %add3A_1237 = arith.addi %add3A_1224, %add3A_1236 : i32
        %get3A_1238 = arith.index_cast %add3A_1237 : i32 to index
        %get3A_1239 = arith.constant 0 : index
        %get3A_1240 = tpu.vector_load %arg7[%get3A_1238, %get3A_1239] {strides = array<i32>} : memref<800x32xf32, #tpu.memory_space<vmem>>, vector<1x16xf32>,
        %get3A_1241 = vector.shape_cast %get3A_1240 : vector<1x16xf32> to vector<16xf32>
        %add3A_1242 = arith.addf %scan3A_1218, %get3A_1241 : vector<16xf32>
        %add3A_1243 = arith.constant 3 : i32
        %add3A_1244 = arith.addi %add3A_1224, %add3A_1243 : i32
        %get3A_1245 = arith.index_cast %add3A_1244 : i32 to index
        %get3A_1246 = arith.constant 0 : index
        %get3A_1247 = tpu.vector_load %arg7[%get3A_1245, %get3A_1246] {strides = array<i32>} : memref<800x32xf32, #tpu.memory_space<vmem>>, vector<1x16xf32>,
        %get3A_1248 = vector.shape_cast %get3A_1247 : vector<1x16xf32> to vector<16xf32>
        %add3A_1249 = arith.addf %add3A_1242, %get3A_1248 : vector<16xf32>
        %get3A_1250 = arith.index_cast %add3A_1224 : i32 to index
        %get3A_1251 = arith.constant 16 : index
        %get3A_1252 = tpu.vector_load %arg7[%get3A_1250, %get3A_1251] {strides = array<i32>} : memref<800x32xf32, #tpu.memory_space<vmem>>, vector<1x16xf32>,
        %get3A_1253 = vector.shape_cast %get3A_1252 : vector<1x16xf32> to vector<16xf32>
        %add3A_1254 = arith.addf %scan3A_1219, %get3A_1253 : vector<16xf32>
        %add3A_1255 = arith.constant 1 : i32
        %add3A_1256 = arith.addi %add3A_1224, %add3A_1255 : i32
        %get3A_1257 = arith.index_cast %add3A_1256 : i32 to index
        %get3A_1258 = arith.constant 16 : index
        %get3A_1259 = tpu.vector_load %arg7[%get3A_1257, %get3A_1258] {strides = array<i32>} : memref<800x32xf32, #tpu.memory_space<vmem>>, vector<1x16xf32>,
        %get3A_1260 = vector.shape_cast %get3A_1259 : vector<1x16xf32> to vector<16xf32>
        %add3A_1261 = arith.addf %add3A_1254, %get3A_1260 : vector<16xf32>
        %add3A_1262 = arith.constant 2 : i32
        %add3A_1263 = arith.addi %add3A_1224, %add3A_1262 : i32
        %get3A_1264 = arith.index_cast %add3A_1263 : i32 to index
        %get3A_1265 = arith.constant 16 : index
        %get3A_1266 = tpu.vector_load %arg7[%get3A_1264, %get3A_1265] {strides = array<i32>} : memref<800x32xf32, #tpu.memory_space<vmem>>, vector<1x16xf32>,
        %get3A_1267 = vector.shape_cast %get3A_1266 : vector<1x16xf32> to vector<16xf32>
        %add3A_1268 = arith.addf %scan3A_1220, %get3A_1267 : vector<16xf32>
        %add3A_1269 = arith.constant 3 : i32
        %add3A_1270 = arith.addi %add3A_1224, %add3A_1269 : i32
        %get3A_1271 = arith.index_cast %add3A_1270 : i32 to index
        %get3A_1272 = arith.constant 16 : index
        %get3A_1273 = tpu.vector_load %arg7[%get3A_1271, %get3A_1272] {strides = array<i32>} : memref<800x32xf32, #tpu.memory_space<vmem>>, vector<1x16xf32>,
        %get3A_1274 = vector.shape_cast %get3A_1273 : vector<1x16xf32> to vector<16xf32>
        %add3A_1275 = arith.addf %add3A_1268, %get3A_1274 : vector<16xf32>
        scf.yield %add3A_1235, %add3A_1249, %add3A_1261, %add3A_1275 : vector<16xf32>, vector<16xf32>, vector<16xf32>, vector<16xf32>
      }
      %scan3A_1169 = arith.constant 50 : i32
      %mul3A_1170 = arith.constant 4 : i32
      %mul3A_1171 = arith.muli %add3A_1095, %mul3A_1170 : i32
      %add3A_1172 = arith.constant 2 : i32
      %add3A_1173 = arith.addi %mul3A_1171, %add3A_1172 : i32
      %add3A_1174 = arith.addf %scan3A_1168#0, %scan3A_1168#1 : vector<16xf32>
      %swap3A_1175 = arith.index_cast %add3A_1173 : i32 to index
      %swap3A_1176 = arith.constant 0 : index
      %swap3A_1177 = tpu.vector_load %arg8[%swap3A_1175, %swap3A_1176] {strides = array<i32>} : memref<128x32xf32, #tpu.memory_space<vmem>>, vector<1x16xf32>,
      %swap3A_1178 = vector.shape_cast %swap3A_1177 : vector<1x16xf32> to vector<16xf32>
      %swap3A_1179 = vector.shape_cast %add3A_1174 : vector<16xf32> to vector<1x16xf32>
      tpu.vector_store %arg8[%swap3A_1175, %swap3A_1176], %swap3A_1179 {strides = array<i32>} : memref<128x32xf32, #tpu.memory_space<vmem>>, vector<1x16xf32>,
      %add3A_1180 = arith.addf %scan3A_1168#2, %scan3A_1168#3 : vector<16xf32>
      %swap3A_1181 = arith.index_cast %add3A_1173 : i32 to index
      %swap3A_1182 = arith.constant 16 : index
      %swap3A_1183 = tpu.vector_load %arg8[%swap3A_1181, %swap3A_1182] {strides = array<i32>} : memref<128x32xf32, #tpu.memory_space<vmem>>, vector<1x16xf32>,
      %swap3A_1184 = vector.shape_cast %swap3A_1183 : vector<1x16xf32> to vector<16xf32>
      %swap3A_1185 = vector.shape_cast %add3A_1180 : vector<16xf32> to vector<1x16xf32>
      tpu.vector_store %arg8[%swap3A_1181, %swap3A_1182], %swap3A_1185 {strides = array<i32>} : memref<128x32xf32, #tpu.memory_space<vmem>>, vector<1x16xf32>,
      %broadcast_in_dim3A_1186 = arith.constant 0.000000e+00 : f32
      %broadcast_in_dim3A_1187 = vector.broadcast %broadcast_in_dim3A_1186 : f32 to vector<16xf32>
      %broadcast_in_dim3A_1188 = arith.constant 0.000000e+00 : f32
      %broadcast_in_dim3A_1189 = vector.broadcast %broadcast_in_dim3A_1188 : f32 to vector<16xf32>
      %broadcast_in_dim3A_1190 = arith.constant 0.000000e+00 : f32
      %broadcast_in_dim3A_1191 = vector.broadcast %broadcast_in_dim3A_1190 : f32 to vector<16xf32>
      %broadcast_in_dim3A_1192 = arith.constant 0.000000e+00 : f32
      %broadcast_in_dim3A_1193 = vector.broadcast %broadcast_in_dim3A_1192 : f32 to vector<16xf32>
      %scan3A_1194 = arith.constant 0 : i32
      %scan3A_1195 = arith.constant 50 : i32
      %scan3A_1196 = arith.addi %scan3A_1194, %scan3A_1195 : i32
      %scan3A_1197 = arith.constant 1 : i32
      %scan3A_1198:4 = scf.for %scan3A_1216 = %scan3A_1194 to %scan3A_1196 step %scan3A_1197 iter_args(%scan3A_1217 = %broadcast_in_dim3A_1187, %scan3A_1218 = %broadcast_in_dim3A_1189, %scan3A_1219 = %broadcast_in_dim3A_1191, %scan3A_1220 = %broadcast_in_dim3A_1193) -> (vector<16xf32>, vector<16xf32>, vector<16xf32>, vector<16xf32>)  : i32 {
        %mul3A_1221 = arith.constant 4 : i32
        %mul3A_1222 = arith.muli %scan3A_1216, %mul3A_1221 : i32
        %add3A_1223 = arith.constant 600 : i32
        %add3A_1224 = arith.addi %add3A_1223, %mul3A_1222 : i32
        %get3A = arith.index_cast %add3A_1224 : i32 to index
        %get3A_1225 = arith.constant 0 : index
        %get3A_1226 = tpu.vector_load %arg7[%get3A, %get3A_1225] {strides = array<i32>} : memref<800x32xf32, #tpu.memory_space<vmem>>, vector<1x16xf32>,
        %get3A_1227 = vector.shape_cast %get3A_1226 : vector<1x16xf32> to vector<16xf32>
        %add3A_1228 = arith.addf %scan3A_1217, %get3A_1227 : vector<16xf32>
        %add3A_1229 = arith.constant 1 : i32
        %add3A_1230 = arith.addi %add3A_1224, %add3A_1229 : i32
        %get3A_1231 = arith.index_cast %add3A_1230 : i32 to index
        %get3A_1232 = arith.constant 0 : index
        %get3A_1233 = tpu.vector_load %arg7[%get3A_1231, %get3A_1232] {strides = array<i32>} : memref<800x32xf32, #tpu.memory_space<vmem>>, vector<1x16xf32>,
        %get3A_1234 = vector.shape_cast %get3A_1233 : vector<1x16xf32> to vector<16xf32>
        %add3A_1235 = arith.addf %add3A_1228, %get3A_1234 : vector<16xf32>
        %add3A_1236 = arith.constant 2 : i32
        %add3A_1237 = arith.addi %add3A_1224, %add3A_1236 : i32
        %get3A_1238 = arith.index_cast %add3A_1237 : i32 to index
        %get3A_1239 = arith.constant 0 : index
        %get3A_1240 = tpu.vector_load %arg7[%get3A_1238, %get3A_1239] {strides = array<i32>} : memref<800x32xf32, #tpu.memory_space<vmem>>, vector<1x16xf32>,
        %get3A_1241 = vector.shape_cast %get3A_1240 : vector<1x16xf32> to vector<16xf32>
        %add3A_1242 = arith.addf %scan3A_1218, %get3A_1241 : vector<16xf32>
        %add3A_1243 = arith.constant 3 : i32
        %add3A_1244 = arith.addi %add3A_1224, %add3A_1243 : i32
        %get3A_1245 = arith.index_cast %add3A_1244 : i32 to index
        %get3A_1246 = arith.constant 0 : index
        %get3A_1247 = tpu.vector_load %arg7[%get3A_1245, %get3A_1246] {strides = array<i32>} : memref<800x32xf32, #tpu.memory_space<vmem>>, vector<1x16xf32>,
        %get3A_1248 = vector.shape_cast %get3A_1247 : vector<1x16xf32> to vector<16xf32>
        %add3A_1249 = arith.addf %add3A_1242, %get3A_1248 : vector<16xf32>
        %get3A_1250 = arith.index_cast %add3A_1224 : i32 to index
        %get3A_1251 = arith.constant 16 : index
        %get3A_1252 = tpu.vector_load %arg7[%get3A_1250, %get3A_1251] {strides = array<i32>} : memref<800x32xf32, #tpu.memory_space<vmem>>, vector<1x16xf32>,
        %get3A_1253 = vector.shape_cast %get3A_1252 : vector<1x16xf32> to vector<16xf32>
        %add3A_1254 = arith.addf %scan3A_1219, %get3A_1253 : vector<16xf32>
        %add3A_1255 = arith.constant 1 : i32
        %add3A_1256 = arith.addi %add3A_1224, %add3A_1255 : i32
        %get3A_1257 = arith.index_cast %add3A_1256 : i32 to index
        %get3A_1258 = arith.constant 16 : index
        %get3A_1259 = tpu.vector_load %arg7[%get3A_1257, %get3A_1258] {strides = array<i32>} : memref<800x32xf32, #tpu.memory_space<vmem>>, vector<1x16xf32>,
        %get3A_1260 = vector.shape_cast %get3A_1259 : vector<1x16xf32> to vector<16xf32>
        %add3A_1261 = arith.addf %add3A_1254, %get3A_1260 : vector<16xf32>
        %add3A_1262 = arith.constant 2 : i32
        %add3A_1263 = arith.addi %add3A_1224, %add3A_1262 : i32
        %get3A_1264 = arith.index_cast %add3A_1263 : i32 to index
        %get3A_1265 = arith.constant 16 : index
        %get3A_1266 = tpu.vector_load %arg7[%get3A_1264, %get3A_1265] {strides = array<i32>} : memref<800x32xf32, #tpu.memory_space<vmem>>, vector<1x16xf32>,
        %get3A_1267 = vector.shape_cast %get3A_1266 : vector<1x16xf32> to vector<16xf32>
        %add3A_1268 = arith.addf %scan3A_1220, %get3A_1267 : vector<16xf32>
        %add3A_1269 = arith.constant 3 : i32
        %add3A_1270 = arith.addi %add3A_1224, %add3A_1269 : i32
        %get3A_1271 = arith.index_cast %add3A_1270 : i32 to index
        %get3A_1272 = arith.constant 16 : index
        %get3A_1273 = tpu.vector_load %arg7[%get3A_1271, %get3A_1272] {strides = array<i32>} : memref<800x32xf32, #tpu.memory_space<vmem>>, vector<1x16xf32>,
        %get3A_1274 = vector.shape_cast %get3A_1273 : vector<1x16xf32> to vector<16xf32>
        %add3A_1275 = arith.addf %add3A_1268, %get3A_1274 : vector<16xf32>
        scf.yield %add3A_1235, %add3A_1249, %add3A_1261, %add3A_1275 : vector<16xf32>, vector<16xf32>, vector<16xf32>, vector<16xf32>
      }
      %scan3A_1199 = arith.constant 50 : i32
      %mul3A_1200 = arith.constant 4 : i32
      %mul3A_1201 = arith.muli %add3A_1095, %mul3A_1200 : i32
      %add3A_1202 = arith.constant 3 : i32
      %add3A_1203 = arith.addi %mul3A_1201, %add3A_1202 : i32
      %add3A_1204 = arith.addf %scan3A_1198#0, %scan3A_1198#1 : vector<16xf32>
      %swap3A_1205 = arith.index_cast %add3A_1203 : i32 to index
      %swap3A_1206 = arith.constant 0 : index
      %swap3A_1207 = tpu.vector_load %arg8[%swap3A_1205, %swap3A_1206] {strides = array<i32>} : memref<128x32xf32, #tpu.memory_space<vmem>>, vector<1x16xf32>,
      %swap3A_1208 = vector.shape_cast %swap3A_1207 : vector<1x16xf32> to vector<16xf32>
      %swap3A_1209 = vector.shape_cast %add3A_1204 : vector<16xf32> to vector<1x16xf32>
      tpu.vector_store %arg8[%swap3A_1205, %swap3A_1206], %swap3A_1209 {strides = array<i32>} : memref<128x32xf32, #tpu.memory_space<vmem>>, vector<1x16xf32>,
      %add3A_1210 = arith.addf %scan3A_1198#2, %scan3A_1198#3 : vector<16xf32>
      %swap3A_1211 = arith.index_cast %add3A_1203 : i32 to index
      %swap3A_1212 = arith.constant 16 : index
      %swap3A_1213 = tpu.vector_load %arg8[%swap3A_1211, %swap3A_1212] {strides = array<i32>} : memref<128x32xf32, #tpu.memory_space<vmem>>, vector<1x16xf32>,
      %swap3A_1214 = vector.shape_cast %swap3A_1213 : vector<1x16xf32> to vector<16xf32>
      %swap3A_1215 = vector.shape_cast %add3A_1210 : vector<16xf32> to vector<1x16xf32>
      tpu.vector_store %arg8[%swap3A_1211, %swap3A_1212], %swap3A_1215 {strides = array<i32>} : memref<128x32xf32, #tpu.memory_space<vmem>>, vector<1x16xf32>,
    }
    %scan3A_85 = arith.constant 15 : i32
    %dma_start3A_86 = arith.constant 124 : i32
    %dma_start3A_87 = arith.constant 0 : i32
    %dma_start3A_88 = arith.constant 0 : i32
    %dma_start3A_89 = tpu.memref_slice %arg7[%dma_start3A_87, %dma_start3A_88] : memref<800x32xf32, #tpu.memory_space<vmem>> -> memref<128x32xf32, #tpu.memory_space<vmem>>
    %dma_start3A_90 = arith.constant 0 : i32
    %dma_start3A_91 = tpu.memref_slice %arg5[%dma_start3A_86, %dma_start3A_90] : memref<128x200xi32, #tpu.memory_space<vmem>> -> memref<1x128xi32, #tpu.memory_space<vmem>>
    %dma_start3A_92 = tpu.memref_squeeze %dma_start3A_91 : memref<1x128xi32, #tpu.memory_space<vmem>> -> memref<128xi32, #tpu.memory_space<vmem>>
    %dma_start3A_93 = arith.constant 0 : i32
    %dma_start3A_94 = arith.constant 0 : i32
    %dma_start3A_95 = tpu.memref_slice %arg3[%dma_start3A_93, %dma_start3A_94] : memref<1000000x32xf32, #tpu.memory_space<hbm>> -> memref<1000000x32xf32, #tpu.memory_space<hbm>>
    tpu.enqueue_indirect_dma source(%dma_start3A_95 : memref<1000000x32xf32, #tpu.memory_space<hbm>>) target(%dma_start3A_89 : memref<128x32xf32, #tpu.memory_space<vmem>>) offsets(%dma_start3A_92 : memref<128xi32, #tpu.memory_space<vmem>>) semaphore(%arg10 : memref<!tpu.dma_semaphore, #tpu.memory_space<semaphore_mem>>)
    %dma_start3A_96 = arith.constant 124 : i32
    %dma_start3A_97 = arith.constant 128 : i32
    %dma_start3A_98 = arith.constant 0 : i32
    %dma_start3A_99 = tpu.memref_slice %arg7[%dma_start3A_97, %dma_start3A_98] : memref<800x32xf32, #tpu.memory_space<vmem>> -> memref<72x32xf32, #tpu.memory_space<vmem>>
    %dma_start3A_100 = arith.constant 128 : i32
    %dma_start3A_101 = tpu.memref_slice %arg5[%dma_start3A_96, %dma_start3A_100] : memref<128x200xi32, #tpu.memory_space<vmem>> -> memref<1x72xi32, #tpu.memory_space<vmem>>
    %dma_start3A_102 = tpu.memref_squeeze %dma_start3A_101 : memref<1x72xi32, #tpu.memory_space<vmem>> -> memref<72xi32, #tpu.memory_space<vmem>>
    %dma_start3A_103 = arith.constant 0 : i32
    %dma_start3A_104 = arith.constant 0 : i32
    %dma_start3A_105 = tpu.memref_slice %arg3[%dma_start3A_103, %dma_start3A_104] : memref<1000000x32xf32, #tpu.memory_space<hbm>> -> memref<1000000x32xf32, #tpu.memory_space<hbm>>
    tpu.enqueue_indirect_dma source(%dma_start3A_105 : memref<1000000x32xf32, #tpu.memory_space<hbm>>) target(%dma_start3A_99 : memref<72x32xf32, #tpu.memory_space<vmem>>) offsets(%dma_start3A_102 : memref<72xi32, #tpu.memory_space<vmem>>) semaphore(%arg10 : memref<!tpu.dma_semaphore, #tpu.memory_space<semaphore_mem>>)
    %dma_start3A_106 = arith.constant 125 : i32
    %dma_start3A_107 = arith.constant 200 : i32
    %dma_start3A_108 = arith.constant 0 : i32
    %dma_start3A_109 = tpu.memref_slice %arg7[%dma_start3A_107, %dma_start3A_108] : memref<800x32xf32, #tpu.memory_space<vmem>> -> memref<128x32xf32, #tpu.memory_space<vmem>>
    %dma_start3A_110 = arith.constant 0 : i32
    %dma_start3A_111 = tpu.memref_slice %arg5[%dma_start3A_106, %dma_start3A_110] : memref<128x200xi32, #tpu.memory_space<vmem>> -> memref<1x128xi32, #tpu.memory_space<vmem>>
    %dma_start3A_112 = tpu.memref_squeeze %dma_start3A_111 : memref<1x128xi32, #tpu.memory_space<vmem>> -> memref<128xi32, #tpu.memory_space<vmem>>
    %dma_start3A_113 = arith.constant 0 : i32
    %dma_start3A_114 = arith.constant 0 : i32
    %dma_start3A_115 = tpu.memref_slice %arg3[%dma_start3A_113, %dma_start3A_114] : memref<1000000x32xf32, #tpu.memory_space<hbm>> -> memref<1000000x32xf32, #tpu.memory_space<hbm>>
    tpu.enqueue_indirect_dma source(%dma_start3A_115 : memref<1000000x32xf32, #tpu.memory_space<hbm>>) target(%dma_start3A_109 : memref<128x32xf32, #tpu.memory_space<vmem>>) offsets(%dma_start3A_112 : memref<128xi32, #tpu.memory_space<vmem>>) semaphore(%arg10 : memref<!tpu.dma_semaphore, #tpu.memory_space<semaphore_mem>>)
    %dma_start3A_116 = arith.constant 125 : i32
    %dma_start3A_117 = arith.constant 328 : i32
    %dma_start3A_118 = arith.constant 0 : i32
    %dma_start3A_119 = tpu.memref_slice %arg7[%dma_start3A_117, %dma_start3A_118] : memref<800x32xf32, #tpu.memory_space<vmem>> -> memref<72x32xf32, #tpu.memory_space<vmem>>
    %dma_start3A_120 = arith.constant 128 : i32
    %dma_start3A_121 = tpu.memref_slice %arg5[%dma_start3A_116, %dma_start3A_120] : memref<128x200xi32, #tpu.memory_space<vmem>> -> memref<1x72xi32, #tpu.memory_space<vmem>>
    %dma_start3A_122 = tpu.memref_squeeze %dma_start3A_121 : memref<1x72xi32, #tpu.memory_space<vmem>> -> memref<72xi32, #tpu.memory_space<vmem>>
    %dma_start3A_123 = arith.constant 0 : i32
    %dma_start3A_124 = arith.constant 0 : i32
    %dma_start3A_125 = tpu.memref_slice %arg3[%dma_start3A_123, %dma_start3A_124] : memref<1000000x32xf32, #tpu.memory_space<hbm>> -> memref<1000000x32xf32, #tpu.memory_space<hbm>>
    tpu.enqueue_indirect_dma source(%dma_start3A_125 : memref<1000000x32xf32, #tpu.memory_space<hbm>>) target(%dma_start3A_119 : memref<72x32xf32, #tpu.memory_space<vmem>>) offsets(%dma_start3A_122 : memref<72xi32, #tpu.memory_space<vmem>>) semaphore(%arg10 : memref<!tpu.dma_semaphore, #tpu.memory_space<semaphore_mem>>)
    %dma_start3A_126 = arith.constant 126 : i32
    %dma_start3A_127 = arith.constant 400 : i32
    %dma_start3A_128 = arith.constant 0 : i32
    %dma_start3A_129 = tpu.memref_slice %arg7[%dma_start3A_127, %dma_start3A_128] : memref<800x32xf32, #tpu.memory_space<vmem>> -> memref<128x32xf32, #tpu.memory_space<vmem>>
    %dma_start3A_130 = arith.constant 0 : i32
    %dma_start3A_131 = tpu.memref_slice %arg5[%dma_start3A_126, %dma_start3A_130] : memref<128x200xi32, #tpu.memory_space<vmem>> -> memref<1x128xi32, #tpu.memory_space<vmem>>
    %dma_start3A_132 = tpu.memref_squeeze %dma_start3A_131 : memref<1x128xi32, #tpu.memory_space<vmem>> -> memref<128xi32, #tpu.memory_space<vmem>>
    %dma_start3A_133 = arith.constant 0 : i32
    %dma_start3A_134 = arith.constant 0 : i32
    %dma_start3A_135 = tpu.memref_slice %arg3[%dma_start3A_133, %dma_start3A_134] : memref<1000000x32xf32, #tpu.memory_space<hbm>> -> memref<1000000x32xf32, #tpu.memory_space<hbm>>
    tpu.enqueue_indirect_dma source(%dma_start3A_135 : memref<1000000x32xf32, #tpu.memory_space<hbm>>) target(%dma_start3A_129 : memref<128x32xf32, #tpu.memory_space<vmem>>) offsets(%dma_start3A_132 : memref<128xi32, #tpu.memory_space<vmem>>) semaphore(%arg10 : memref<!tpu.dma_semaphore, #tpu.memory_space<semaphore_mem>>)
    %dma_start3A_136 = arith.constant 126 : i32
    %dma_start3A_137 = arith.constant 528 : i32
    %dma_start3A_138 = arith.constant 0 : i32
    %dma_start3A_139 = tpu.memref_slice %arg7[%dma_start3A_137, %dma_start3A_138] : memref<800x32xf32, #tpu.memory_space<vmem>> -> memref<72x32xf32, #tpu.memory_space<vmem>>
    %dma_start3A_140 = arith.constant 128 : i32
    %dma_start3A_141 = tpu.memref_slice %arg5[%dma_start3A_136, %dma_start3A_140] : memref<128x200xi32, #tpu.memory_space<vmem>> -> memref<1x72xi32, #tpu.memory_space<vmem>>
    %dma_start3A_142 = tpu.memref_squeeze %dma_start3A_141 : memref<1x72xi32, #tpu.memory_space<vmem>> -> memref<72xi32, #tpu.memory_space<vmem>>
    %dma_start3A_143 = arith.constant 0 : i32
    %dma_start3A_144 = arith.constant 0 : i32
    %dma_start3A_145 = tpu.memref_slice %arg3[%dma_start3A_143, %dma_start3A_144] : memref<1000000x32xf32, #tpu.memory_space<hbm>> -> memref<1000000x32xf32, #tpu.memory_space<hbm>>
    tpu.enqueue_indirect_dma source(%dma_start3A_145 : memref<1000000x32xf32, #tpu.memory_space<hbm>>) target(%dma_start3A_139 : memref<72x32xf32, #tpu.memory_space<vmem>>) offsets(%dma_start3A_142 : memref<72xi32, #tpu.memory_space<vmem>>) semaphore(%arg10 : memref<!tpu.dma_semaphore, #tpu.memory_space<semaphore_mem>>)
    %dma_start3A_146 = arith.constant 127 : i32
    %dma_start3A_147 = arith.constant 600 : i32
    %dma_start3A_148 = arith.constant 0 : i32
    %dma_start3A_149 = tpu.memref_slice %arg7[%dma_start3A_147, %dma_start3A_148] : memref<800x32xf32, #tpu.memory_space<vmem>> -> memref<128x32xf32, #tpu.memory_space<vmem>>
    %dma_start3A_150 = arith.constant 0 : i32
    %dma_start3A_151 = tpu.memref_slice %arg5[%dma_start3A_146, %dma_start3A_150] : memref<128x200xi32, #tpu.memory_space<vmem>> -> memref<1x128xi32, #tpu.memory_space<vmem>>
    %dma_start3A_152 = tpu.memref_squeeze %dma_start3A_151 : memref<1x128xi32, #tpu.memory_space<vmem>> -> memref<128xi32, #tpu.memory_space<vmem>>
    %dma_start3A_153 = arith.constant 0 : i32
    %dma_start3A_154 = arith.constant 0 : i32
    %dma_start3A_155 = tpu.memref_slice %arg3[%dma_start3A_153, %dma_start3A_154] : memref<1000000x32xf32, #tpu.memory_space<hbm>> -> memref<1000000x32xf32, #tpu.memory_space<hbm>>
    tpu.enqueue_indirect_dma source(%dma_start3A_155 : memref<1000000x32xf32, #tpu.memory_space<hbm>>) target(%dma_start3A_149 : memref<128x32xf32, #tpu.memory_space<vmem>>) offsets(%dma_start3A_152 : memref<128xi32, #tpu.memory_space<vmem>>) semaphore(%arg10 : memref<!tpu.dma_semaphore, #tpu.memory_space<semaphore_mem>>)
    %dma_start3A_156 = arith.constant 127 : i32
    %dma_start3A_157 = arith.constant 728 : i32
    %dma_start3A_158 = arith.constant 0 : i32
    %dma_start3A_159 = tpu.memref_slice %arg7[%dma_start3A_157, %dma_start3A_158] : memref<800x32xf32, #tpu.memory_space<vmem>> -> memref<72x32xf32, #tpu.memory_space<vmem>>
    %dma_start3A_160 = arith.constant 128 : i32
    %dma_start3A_161 = tpu.memref_slice %arg5[%dma_start3A_156, %dma_start3A_160] : memref<128x200xi32, #tpu.memory_space<vmem>> -> memref<1x72xi32, #tpu.memory_space<vmem>>
    %dma_start3A_162 = tpu.memref_squeeze %dma_start3A_161 : memref<1x72xi32, #tpu.memory_space<vmem>> -> memref<72xi32, #tpu.memory_space<vmem>>
    %dma_start3A_163 = arith.constant 0 : i32
    %dma_start3A_164 = arith.constant 0 : i32
    %dma_start3A_165 = tpu.memref_slice %arg3[%dma_start3A_163, %dma_start3A_164] : memref<1000000x32xf32, #tpu.memory_space<hbm>> -> memref<1000000x32xf32, #tpu.memory_space<hbm>>
    tpu.enqueue_indirect_dma source(%dma_start3A_165 : memref<1000000x32xf32, #tpu.memory_space<hbm>>) target(%dma_start3A_159 : memref<72x32xf32, #tpu.memory_space<vmem>>) offsets(%dma_start3A_162 : memref<72xi32, #tpu.memory_space<vmem>>) semaphore(%arg10 : memref<!tpu.dma_semaphore, #tpu.memory_space<semaphore_mem>>)
    %dma_wait3A = arith.constant 120 : i32
    %dma_wait3A_166 = arith.constant 0 : i32
    %dma_wait3A_167 = arith.constant 0 : i32
    %dma_wait3A_168 = tpu.memref_slice %arg6[%dma_wait3A_166, %dma_wait3A_167] : memref<800x32xf32, #tpu.memory_space<vmem>> -> memref<128x32xf32, #tpu.memory_space<vmem>>
    %dma_wait3A_169 = arith.constant 0 : i32
    %dma_wait3A_170 = tpu.memref_slice %arg5[%dma_wait3A, %dma_wait3A_169] : memref<128x200xi32, #tpu.memory_space<vmem>> -> memref<1x128xi32, #tpu.memory_space<vmem>>
    %dma_wait3A_171 = tpu.memref_squeeze %dma_wait3A_170 : memref<1x128xi32, #tpu.memory_space<vmem>> -> memref<128xi32, #tpu.memory_space<vmem>>
    %dma_wait3A_172 = arith.constant 0 : i32
    %dma_wait3A_173 = arith.constant 0 : i32
    %dma_wait3A_174 = tpu.memref_slice %arg3[%dma_wait3A_172, %dma_wait3A_173] : memref<1000000x32xf32, #tpu.memory_space<hbm>> -> memref<1000000x32xf32, #tpu.memory_space<hbm>>
    tpu.wait_indirect_dma semaphore(%arg9 : memref<!tpu.dma_semaphore, #tpu.memory_space<semaphore_mem>>) src(%dma_wait3A_174 : memref<1000000x32xf32, #tpu.memory_space<hbm>>) dst(%dma_wait3A_168 : memref<128x32xf32, #tpu.memory_space<vmem>>)
    %dma_wait3A_175 = arith.constant 120 : i32
    %dma_wait3A_176 = arith.constant 128 : i32
    %dma_wait3A_177 = arith.constant 0 : i32
    %dma_wait3A_178 = tpu.memref_slice %arg6[%dma_wait3A_176, %dma_wait3A_177] : memref<800x32xf32, #tpu.memory_space<vmem>> -> memref<72x32xf32, #tpu.memory_space<vmem>>
    %dma_wait3A_179 = arith.constant 128 : i32
    %dma_wait3A_180 = tpu.memref_slice %arg5[%dma_wait3A_175, %dma_wait3A_179] : memref<128x200xi32, #tpu.memory_space<vmem>> -> memref<1x72xi32, #tpu.memory_space<vmem>>
    %dma_wait3A_181 = tpu.memref_squeeze %dma_wait3A_180 : memref<1x72xi32, #tpu.memory_space<vmem>> -> memref<72xi32, #tpu.memory_space<vmem>>
    %dma_wait3A_182 = arith.constant 0 : i32
    %dma_wait3A_183 = arith.constant 0 : i32
    %dma_wait3A_184 = tpu.memref_slice %arg3[%dma_wait3A_182, %dma_wait3A_183] : memref<1000000x32xf32, #tpu.memory_space<hbm>> -> memref<1000000x32xf32, #tpu.memory_space<hbm>>
    tpu.wait_indirect_dma semaphore(%arg9 : memref<!tpu.dma_semaphore, #tpu.memory_space<semaphore_mem>>) src(%dma_wait3A_184 : memref<1000000x32xf32, #tpu.memory_space<hbm>>) dst(%dma_wait3A_178 : memref<72x32xf32, #tpu.memory_space<vmem>>)
    %dma_wait3A_185 = arith.constant 121 : i32
    %dma_wait3A_186 = arith.constant 200 : i32
    %dma_wait3A_187 = arith.constant 0 : i32
    %dma_wait3A_188 = tpu.memref_slice %arg6[%dma_wait3A_186, %dma_wait3A_187] : memref<800x32xf32, #tpu.memory_space<vmem>> -> memref<128x32xf32, #tpu.memory_space<vmem>>
    %dma_wait3A_189 = arith.constant 0 : i32
    %dma_wait3A_190 = tpu.memref_slice %arg5[%dma_wait3A_185, %dma_wait3A_189] : memref<128x200xi32, #tpu.memory_space<vmem>> -> memref<1x128xi32, #tpu.memory_space<vmem>>
    %dma_wait3A_191 = tpu.memref_squeeze %dma_wait3A_190 : memref<1x128xi32, #tpu.memory_space<vmem>> -> memref<128xi32, #tpu.memory_space<vmem>>
    %dma_wait3A_192 = arith.constant 0 : i32
    %dma_wait3A_193 = arith.constant 0 : i32
    %dma_wait3A_194 = tpu.memref_slice %arg3[%dma_wait3A_192, %dma_wait3A_193] : memref<1000000x32xf32, #tpu.memory_space<hbm>> -> memref<1000000x32xf32, #tpu.memory_space<hbm>>
    tpu.wait_indirect_dma semaphore(%arg9 : memref<!tpu.dma_semaphore, #tpu.memory_space<semaphore_mem>>) src(%dma_wait3A_194 : memref<1000000x32xf32, #tpu.memory_space<hbm>>) dst(%dma_wait3A_188 : memref<128x32xf32, #tpu.memory_space<vmem>>)
    %dma_wait3A_195 = arith.constant 121 : i32
    %dma_wait3A_196 = arith.constant 328 : i32
    %dma_wait3A_197 = arith.constant 0 : i32
    %dma_wait3A_198 = tpu.memref_slice %arg6[%dma_wait3A_196, %dma_wait3A_197] : memref<800x32xf32, #tpu.memory_space<vmem>> -> memref<72x32xf32, #tpu.memory_space<vmem>>
    %dma_wait3A_199 = arith.constant 128 : i32
    %dma_wait3A_200 = tpu.memref_slice %arg5[%dma_wait3A_195, %dma_wait3A_199] : memref<128x200xi32, #tpu.memory_space<vmem>> -> memref<1x72xi32, #tpu.memory_space<vmem>>
    %dma_wait3A_201 = tpu.memref_squeeze %dma_wait3A_200 : memref<1x72xi32, #tpu.memory_space<vmem>> -> memref<72xi32, #tpu.memory_space<vmem>>
    %dma_wait3A_202 = arith.constant 0 : i32
    %dma_wait3A_203 = arith.constant 0 : i32
    %dma_wait3A_204 = tpu.memref_slice %arg3[%dma_wait3A_202, %dma_wait3A_203] : memref<1000000x32xf32, #tpu.memory_space<hbm>> -> memref<1000000x32xf32, #tpu.memory_space<hbm>>
    tpu.wait_indirect_dma semaphore(%arg9 : memref<!tpu.dma_semaphore, #tpu.memory_space<semaphore_mem>>) src(%dma_wait3A_204 : memref<1000000x32xf32, #tpu.memory_space<hbm>>) dst(%dma_wait3A_198 : memref<72x32xf32, #tpu.memory_space<vmem>>)
    %dma_wait3A_205 = arith.constant 122 : i32
    %dma_wait3A_206 = arith.constant 400 : i32
    %dma_wait3A_207 = arith.constant 0 : i32
    %dma_wait3A_208 = tpu.memref_slice %arg6[%dma_wait3A_206, %dma_wait3A_207] : memref<800x32xf32, #tpu.memory_space<vmem>> -> memref<128x32xf32, #tpu.memory_space<vmem>>
    %dma_wait3A_209 = arith.constant 0 : i32
    %dma_wait3A_210 = tpu.memref_slice %arg5[%dma_wait3A_205, %dma_wait3A_209] : memref<128x200xi32, #tpu.memory_space<vmem>> -> memref<1x128xi32, #tpu.memory_space<vmem>>
    %dma_wait3A_211 = tpu.memref_squeeze %dma_wait3A_210 : memref<1x128xi32, #tpu.memory_space<vmem>> -> memref<128xi32, #tpu.memory_space<vmem>>
    %dma_wait3A_212 = arith.constant 0 : i32
    %dma_wait3A_213 = arith.constant 0 : i32
    %dma_wait3A_214 = tpu.memref_slice %arg3[%dma_wait3A_212, %dma_wait3A_213] : memref<1000000x32xf32, #tpu.memory_space<hbm>> -> memref<1000000x32xf32, #tpu.memory_space<hbm>>
    tpu.wait_indirect_dma semaphore(%arg9 : memref<!tpu.dma_semaphore, #tpu.memory_space<semaphore_mem>>) src(%dma_wait3A_214 : memref<1000000x32xf32, #tpu.memory_space<hbm>>) dst(%dma_wait3A_208 : memref<128x32xf32, #tpu.memory_space<vmem>>)
    %dma_wait3A_215 = arith.constant 122 : i32
    %dma_wait3A_216 = arith.constant 528 : i32
    %dma_wait3A_217 = arith.constant 0 : i32
    %dma_wait3A_218 = tpu.memref_slice %arg6[%dma_wait3A_216, %dma_wait3A_217] : memref<800x32xf32, #tpu.memory_space<vmem>> -> memref<72x32xf32, #tpu.memory_space<vmem>>
    %dma_wait3A_219 = arith.constant 128 : i32
    %dma_wait3A_220 = tpu.memref_slice %arg5[%dma_wait3A_215, %dma_wait3A_219] : memref<128x200xi32, #tpu.memory_space<vmem>> -> memref<1x72xi32, #tpu.memory_space<vmem>>
    %dma_wait3A_221 = tpu.memref_squeeze %dma_wait3A_220 : memref<1x72xi32, #tpu.memory_space<vmem>> -> memref<72xi32, #tpu.memory_space<vmem>>
    %dma_wait3A_222 = arith.constant 0 : i32
    %dma_wait3A_223 = arith.constant 0 : i32
    %dma_wait3A_224 = tpu.memref_slice %arg3[%dma_wait3A_222, %dma_wait3A_223] : memref<1000000x32xf32, #tpu.memory_space<hbm>> -> memref<1000000x32xf32, #tpu.memory_space<hbm>>
    tpu.wait_indirect_dma semaphore(%arg9 : memref<!tpu.dma_semaphore, #tpu.memory_space<semaphore_mem>>) src(%dma_wait3A_224 : memref<1000000x32xf32, #tpu.memory_space<hbm>>) dst(%dma_wait3A_218 : memref<72x32xf32, #tpu.memory_space<vmem>>)
    %dma_wait3A_225 = arith.constant 123 : i32
    %dma_wait3A_226 = arith.constant 600 : i32
    %dma_wait3A_227 = arith.constant 0 : i32
    %dma_wait3A_228 = tpu.memref_slice %arg6[%dma_wait3A_226, %dma_wait3A_227] : memref<800x32xf32, #tpu.memory_space<vmem>> -> memref<128x32xf32, #tpu.memory_space<vmem>>
    %dma_wait3A_229 = arith.constant 0 : i32
    %dma_wait3A_230 = tpu.memref_slice %arg5[%dma_wait3A_225, %dma_wait3A_229] : memref<128x200xi32, #tpu.memory_space<vmem>> -> memref<1x128xi32, #tpu.memory_space<vmem>>
    %dma_wait3A_231 = tpu.memref_squeeze %dma_wait3A_230 : memref<1x128xi32, #tpu.memory_space<vmem>> -> memref<128xi32, #tpu.memory_space<vmem>>
    %dma_wait3A_232 = arith.constant 0 : i32
    %dma_wait3A_233 = arith.constant 0 : i32
    %dma_wait3A_234 = tpu.memref_slice %arg3[%dma_wait3A_232, %dma_wait3A_233] : memref<1000000x32xf32, #tpu.memory_space<hbm>> -> memref<1000000x32xf32, #tpu.memory_space<hbm>>
    tpu.wait_indirect_dma semaphore(%arg9 : memref<!tpu.dma_semaphore, #tpu.memory_space<semaphore_mem>>) src(%dma_wait3A_234 : memref<1000000x32xf32, #tpu.memory_space<hbm>>) dst(%dma_wait3A_228 : memref<128x32xf32, #tpu.memory_space<vmem>>)
    %dma_wait3A_235 = arith.constant 123 : i32
    %dma_wait3A_236 = arith.constant 728 : i32
    %dma_wait3A_237 = arith.constant 0 : i32
    %dma_wait3A_238 = tpu.memref_slice %arg6[%dma_wait3A_236, %dma_wait3A_237] : memref<800x32xf32, #tpu.memory_space<vmem>> -> memref<72x32xf32, #tpu.memory_space<vmem>>
    %dma_wait3A_239 = arith.constant 128 : i32
    %dma_wait3A_240 = tpu.memref_slice %arg5[%dma_wait3A_235, %dma_wait3A_239] : memref<128x200xi32, #tpu.memory_space<vmem>> -> memref<1x72xi32, #tpu.memory_space<vmem>>
    %dma_wait3A_241 = tpu.memref_squeeze %dma_wait3A_240 : memref<1x72xi32, #tpu.memory_space<vmem>> -> memref<72xi32, #tpu.memory_space<vmem>>
    %dma_wait3A_242 = arith.constant 0 : i32
    %dma_wait3A_243 = arith.constant 0 : i32
    %dma_wait3A_244 = tpu.memref_slice %arg3[%dma_wait3A_242, %dma_wait3A_243] : memref<1000000x32xf32, #tpu.memory_space<hbm>> -> memref<1000000x32xf32, #tpu.memory_space<hbm>>
    tpu.wait_indirect_dma semaphore(%arg9 : memref<!tpu.dma_semaphore, #tpu.memory_space<semaphore_mem>>) src(%dma_wait3A_244 : memref<1000000x32xf32, #tpu.memory_space<hbm>>) dst(%dma_wait3A_238 : memref<72x32xf32, #tpu.memory_space<vmem>>)
    %broadcast_in_dim3A = arith.constant 0.000000e+00 : f32
    %broadcast_in_dim3A_245 = vector.broadcast %broadcast_in_dim3A : f32 to vector<16xf32>
    %broadcast_in_dim3A_246 = arith.constant 0.000000e+00 : f32
    %broadcast_in_dim3A_247 = vector.broadcast %broadcast_in_dim3A_246 : f32 to vector<16xf32>
    %broadcast_in_dim3A_248 = arith.constant 0.000000e+00 : f32
    %broadcast_in_dim3A_249 = vector.broadcast %broadcast_in_dim3A_248 : f32 to vector<16xf32>
    %broadcast_in_dim3A_250 = arith.constant 0.000000e+00 : f32
    %broadcast_in_dim3A_251 = vector.broadcast %broadcast_in_dim3A_250 : f32 to vector<16xf32>
    %scan3A_252 = arith.constant 0 : i32
    %scan3A_253 = arith.constant 50 : i32
    %scan3A_254 = arith.addi %scan3A_252, %scan3A_253 : i32
    %scan3A_255 = arith.constant 1 : i32
    %scan3A_256:4 = scf.for %scan3A_547 = %scan3A_252 to %scan3A_254 step %scan3A_255 iter_args(%scan3A_548 = %broadcast_in_dim3A_245, %scan3A_549 = %broadcast_in_dim3A_247, %scan3A_550 = %broadcast_in_dim3A_249, %scan3A_551 = %broadcast_in_dim3A_251) -> (vector<16xf32>, vector<16xf32>, vector<16xf32>, vector<16xf32>)  : i32 {
      %mul3A_552 = arith.constant 4 : i32
      %mul3A_553 = arith.muli %scan3A_547, %mul3A_552 : i32
      %add3A_554 = arith.constant 0 : i32
      %add3A_555 = arith.addi %add3A_554, %mul3A_553 : i32
      %get3A = arith.index_cast %add3A_555 : i32 to index
      %get3A_556 = arith.constant 0 : index
      %get3A_557 = tpu.vector_load %arg6[%get3A, %get3A_556] {strides = array<i32>} : memref<800x32xf32, #tpu.memory_space<vmem>>, vector<1x16xf32>,
      %get3A_558 = vector.shape_cast %get3A_557 : vector<1x16xf32> to vector<16xf32>
      %add3A_559 = arith.addf %scan3A_548, %get3A_558 : vector<16xf32>
      %add3A_560 = arith.constant 1 : i32
      %add3A_561 = arith.addi %add3A_555, %add3A_560 : i32
      %get3A_562 = arith.index_cast %add3A_561 : i32 to index
      %get3A_563 = arith.constant 0 : index
      %get3A_564 = tpu.vector_load %arg6[%get3A_562, %get3A_563] {strides = array<i32>} : memref<800x32xf32, #tpu.memory_space<vmem>>, vector<1x16xf32>,
      %get3A_565 = vector.shape_cast %get3A_564 : vector<1x16xf32> to vector<16xf32>
      %add3A_566 = arith.addf %add3A_559, %get3A_565 : vector<16xf32>
      %add3A_567 = arith.constant 2 : i32
      %add3A_568 = arith.addi %add3A_555, %add3A_567 : i32
      %get3A_569 = arith.index_cast %add3A_568 : i32 to index
      %get3A_570 = arith.constant 0 : index
      %get3A_571 = tpu.vector_load %arg6[%get3A_569, %get3A_570] {strides = array<i32>} : memref<800x32xf32, #tpu.memory_space<vmem>>, vector<1x16xf32>,
      %get3A_572 = vector.shape_cast %get3A_571 : vector<1x16xf32> to vector<16xf32>
      %add3A_573 = arith.addf %scan3A_549, %get3A_572 : vector<16xf32>
      %add3A_574 = arith.constant 3 : i32
      %add3A_575 = arith.addi %add3A_555, %add3A_574 : i32
      %get3A_576 = arith.index_cast %add3A_575 : i32 to index
      %get3A_577 = arith.constant 0 : index
      %get3A_578 = tpu.vector_load %arg6[%get3A_576, %get3A_577] {strides = array<i32>} : memref<800x32xf32, #tpu.memory_space<vmem>>, vector<1x16xf32>,
      %get3A_579 = vector.shape_cast %get3A_578 : vector<1x16xf32> to vector<16xf32>
      %add3A_580 = arith.addf %add3A_573, %get3A_579 : vector<16xf32>
      %get3A_581 = arith.index_cast %add3A_555 : i32 to index
      %get3A_582 = arith.constant 16 : index
      %get3A_583 = tpu.vector_load %arg6[%get3A_581, %get3A_582] {strides = array<i32>} : memref<800x32xf32, #tpu.memory_space<vmem>>, vector<1x16xf32>,
      %get3A_584 = vector.shape_cast %get3A_583 : vector<1x16xf32> to vector<16xf32>
      %add3A_585 = arith.addf %scan3A_550, %get3A_584 : vector<16xf32>
      %add3A_586 = arith.constant 1 : i32
      %add3A_587 = arith.addi %add3A_555, %add3A_586 : i32
      %get3A_588 = arith.index_cast %add3A_587 : i32 to index
      %get3A_589 = arith.constant 16 : index
      %get3A_590 = tpu.vector_load %arg6[%get3A_588, %get3A_589] {strides = array<i32>} : memref<800x32xf32, #tpu.memory_space<vmem>>, vector<1x16xf32>,
      %get3A_591 = vector.shape_cast %get3A_590 : vector<1x16xf32> to vector<16xf32>
      %add3A_592 = arith.addf %add3A_585, %get3A_591 : vector<16xf32>
      %add3A_593 = arith.constant 2 : i32
      %add3A_594 = arith.addi %add3A_555, %add3A_593 : i32
      %get3A_595 = arith.index_cast %add3A_594 : i32 to index
      %get3A_596 = arith.constant 16 : index
      %get3A_597 = tpu.vector_load %arg6[%get3A_595, %get3A_596] {strides = array<i32>} : memref<800x32xf32, #tpu.memory_space<vmem>>, vector<1x16xf32>,
      %get3A_598 = vector.shape_cast %get3A_597 : vector<1x16xf32> to vector<16xf32>
      %add3A_599 = arith.addf %scan3A_551, %get3A_598 : vector<16xf32>
      %add3A_600 = arith.constant 3 : i32
      %add3A_601 = arith.addi %add3A_555, %add3A_600 : i32
      %get3A_602 = arith.index_cast %add3A_601 : i32 to index
      %get3A_603 = arith.constant 16 : index
      %get3A_604 = tpu.vector_load %arg6[%get3A_602, %get3A_603] {strides = array<i32>} : memref<800x32xf32, #tpu.memory_space<vmem>>, vector<1x16xf32>,
      %get3A_605 = vector.shape_cast %get3A_604 : vector<1x16xf32> to vector<16xf32>
      %add3A_606 = arith.addf %add3A_599, %get3A_605 : vector<16xf32>
      scf.yield %add3A_566, %add3A_580, %add3A_592, %add3A_606 : vector<16xf32>, vector<16xf32>, vector<16xf32>, vector<16xf32>
    }
    %scan3A_257 = arith.constant 50 : i32
    %add3A_258 = arith.addf %scan3A_256#0, %scan3A_256#1 : vector<16xf32>
    %swap3A = arith.constant 120 : i32
    %swap3A_259 = arith.index_cast %swap3A : i32 to index
    %swap3A_260 = arith.constant 0 : index
    %swap3A_261 = tpu.vector_load %arg8[%swap3A_259, %swap3A_260] {strides = array<i32>} : memref<128x32xf32, #tpu.memory_space<vmem>>, vector<1x16xf32>,
    %swap3A_262 = vector.shape_cast %swap3A_261 : vector<1x16xf32> to vector<16xf32>
    %swap3A_263 = vector.shape_cast %add3A_258 : vector<16xf32> to vector<1x16xf32>
    tpu.vector_store %arg8[%swap3A_259, %swap3A_260], %swap3A_263 {strides = array<i32>} : memref<128x32xf32, #tpu.memory_space<vmem>>, vector<1x16xf32>,
    %add3A_264 = arith.addf %scan3A_256#2, %scan3A_256#3 : vector<16xf32>
    %swap3A_265 = arith.constant 120 : i32
    %swap3A_266 = arith.index_cast %swap3A_265 : i32 to index
    %swap3A_267 = arith.constant 16 : index
    %swap3A_268 = tpu.vector_load %arg8[%swap3A_266, %swap3A_267] {strides = array<i32>} : memref<128x32xf32, #tpu.memory_space<vmem>>, vector<1x16xf32>,
    %swap3A_269 = vector.shape_cast %swap3A_268 : vector<1x16xf32> to vector<16xf32>
    %swap3A_270 = vector.shape_cast %add3A_264 : vector<16xf32> to vector<1x16xf32>
    tpu.vector_store %arg8[%swap3A_266, %swap3A_267], %swap3A_270 {strides = array<i32>} : memref<128x32xf32, #tpu.memory_space<vmem>>, vector<1x16xf32>,
    %broadcast_in_dim3A_271 = arith.constant 0.000000e+00 : f32
    %broadcast_in_dim3A_272 = vector.broadcast %broadcast_in_dim3A_271 : f32 to vector<16xf32>
    %broadcast_in_dim3A_273 = arith.constant 0.000000e+00 : f32
    %broadcast_in_dim3A_274 = vector.broadcast %broadcast_in_dim3A_273 : f32 to vector<16xf32>
    %broadcast_in_dim3A_275 = arith.constant 0.000000e+00 : f32
    %broadcast_in_dim3A_276 = vector.broadcast %broadcast_in_dim3A_275 : f32 to vector<16xf32>
    %broadcast_in_dim3A_277 = arith.constant 0.000000e+00 : f32
    %broadcast_in_dim3A_278 = vector.broadcast %broadcast_in_dim3A_277 : f32 to vector<16xf32>
    %scan3A_279 = arith.constant 0 : i32
    %scan3A_280 = arith.constant 50 : i32
    %scan3A_281 = arith.addi %scan3A_279, %scan3A_280 : i32
    %scan3A_282 = arith.constant 1 : i32
    %scan3A_283:4 = scf.for %scan3A_547 = %scan3A_279 to %scan3A_281 step %scan3A_282 iter_args(%scan3A_548 = %broadcast_in_dim3A_272, %scan3A_549 = %broadcast_in_dim3A_274, %scan3A_550 = %broadcast_in_dim3A_276, %scan3A_551 = %broadcast_in_dim3A_278) -> (vector<16xf32>, vector<16xf32>, vector<16xf32>, vector<16xf32>)  : i32 {
      %mul3A_552 = arith.constant 4 : i32
      %mul3A_553 = arith.muli %scan3A_547, %mul3A_552 : i32
      %add3A_554 = arith.constant 200 : i32
      %add3A_555 = arith.addi %add3A_554, %mul3A_553 : i32
      %get3A = arith.index_cast %add3A_555 : i32 to index
      %get3A_556 = arith.constant 0 : index
      %get3A_557 = tpu.vector_load %arg6[%get3A, %get3A_556] {strides = array<i32>} : memref<800x32xf32, #tpu.memory_space<vmem>>, vector<1x16xf32>,
      %get3A_558 = vector.shape_cast %get3A_557 : vector<1x16xf32> to vector<16xf32>
      %add3A_559 = arith.addf %scan3A_548, %get3A_558 : vector<16xf32>
      %add3A_560 = arith.constant 1 : i32
      %add3A_561 = arith.addi %add3A_555, %add3A_560 : i32
      %get3A_562 = arith.index_cast %add3A_561 : i32 to index
      %get3A_563 = arith.constant 0 : index
      %get3A_564 = tpu.vector_load %arg6[%get3A_562, %get3A_563] {strides = array<i32>} : memref<800x32xf32, #tpu.memory_space<vmem>>, vector<1x16xf32>,
      %get3A_565 = vector.shape_cast %get3A_564 : vector<1x16xf32> to vector<16xf32>
      %add3A_566 = arith.addf %add3A_559, %get3A_565 : vector<16xf32>
      %add3A_567 = arith.constant 2 : i32
      %add3A_568 = arith.addi %add3A_555, %add3A_567 : i32
      %get3A_569 = arith.index_cast %add3A_568 : i32 to index
      %get3A_570 = arith.constant 0 : index
      %get3A_571 = tpu.vector_load %arg6[%get3A_569, %get3A_570] {strides = array<i32>} : memref<800x32xf32, #tpu.memory_space<vmem>>, vector<1x16xf32>,
      %get3A_572 = vector.shape_cast %get3A_571 : vector<1x16xf32> to vector<16xf32>
      %add3A_573 = arith.addf %scan3A_549, %get3A_572 : vector<16xf32>
      %add3A_574 = arith.constant 3 : i32
      %add3A_575 = arith.addi %add3A_555, %add3A_574 : i32
      %get3A_576 = arith.index_cast %add3A_575 : i32 to index
      %get3A_577 = arith.constant 0 : index
      %get3A_578 = tpu.vector_load %arg6[%get3A_576, %get3A_577] {strides = array<i32>} : memref<800x32xf32, #tpu.memory_space<vmem>>, vector<1x16xf32>,
      %get3A_579 = vector.shape_cast %get3A_578 : vector<1x16xf32> to vector<16xf32>
      %add3A_580 = arith.addf %add3A_573, %get3A_579 : vector<16xf32>
      %get3A_581 = arith.index_cast %add3A_555 : i32 to index
      %get3A_582 = arith.constant 16 : index
      %get3A_583 = tpu.vector_load %arg6[%get3A_581, %get3A_582] {strides = array<i32>} : memref<800x32xf32, #tpu.memory_space<vmem>>, vector<1x16xf32>,
      %get3A_584 = vector.shape_cast %get3A_583 : vector<1x16xf32> to vector<16xf32>
      %add3A_585 = arith.addf %scan3A_550, %get3A_584 : vector<16xf32>
      %add3A_586 = arith.constant 1 : i32
      %add3A_587 = arith.addi %add3A_555, %add3A_586 : i32
      %get3A_588 = arith.index_cast %add3A_587 : i32 to index
      %get3A_589 = arith.constant 16 : index
      %get3A_590 = tpu.vector_load %arg6[%get3A_588, %get3A_589] {strides = array<i32>} : memref<800x32xf32, #tpu.memory_space<vmem>>, vector<1x16xf32>,
      %get3A_591 = vector.shape_cast %get3A_590 : vector<1x16xf32> to vector<16xf32>
      %add3A_592 = arith.addf %add3A_585, %get3A_591 : vector<16xf32>
      %add3A_593 = arith.constant 2 : i32
      %add3A_594 = arith.addi %add3A_555, %add3A_593 : i32
      %get3A_595 = arith.index_cast %add3A_594 : i32 to index
      %get3A_596 = arith.constant 16 : index
      %get3A_597 = tpu.vector_load %arg6[%get3A_595, %get3A_596] {strides = array<i32>} : memref<800x32xf32, #tpu.memory_space<vmem>>, vector<1x16xf32>,
      %get3A_598 = vector.shape_cast %get3A_597 : vector<1x16xf32> to vector<16xf32>
      %add3A_599 = arith.addf %scan3A_551, %get3A_598 : vector<16xf32>
      %add3A_600 = arith.constant 3 : i32
      %add3A_601 = arith.addi %add3A_555, %add3A_600 : i32
      %get3A_602 = arith.index_cast %add3A_601 : i32 to index
      %get3A_603 = arith.constant 16 : index
      %get3A_604 = tpu.vector_load %arg6[%get3A_602, %get3A_603] {strides = array<i32>} : memref<800x32xf32, #tpu.memory_space<vmem>>, vector<1x16xf32>,
      %get3A_605 = vector.shape_cast %get3A_604 : vector<1x16xf32> to vector<16xf32>
      %add3A_606 = arith.addf %add3A_599, %get3A_605 : vector<16xf32>
      scf.yield %add3A_566, %add3A_580, %add3A_592, %add3A_606 : vector<16xf32>, vector<16xf32>, vector<16xf32>, vector<16xf32>
    }
    %scan3A_284 = arith.constant 50 : i32
    %add3A_285 = arith.addf %scan3A_283#0, %scan3A_283#1 : vector<16xf32>
    %swap3A_286 = arith.constant 121 : i32
    %swap3A_287 = arith.index_cast %swap3A_286 : i32 to index
    %swap3A_288 = arith.constant 0 : index
    %swap3A_289 = tpu.vector_load %arg8[%swap3A_287, %swap3A_288] {strides = array<i32>} : memref<128x32xf32, #tpu.memory_space<vmem>>, vector<1x16xf32>,
    %swap3A_290 = vector.shape_cast %swap3A_289 : vector<1x16xf32> to vector<16xf32>
    %swap3A_291 = vector.shape_cast %add3A_285 : vector<16xf32> to vector<1x16xf32>
    tpu.vector_store %arg8[%swap3A_287, %swap3A_288], %swap3A_291 {strides = array<i32>} : memref<128x32xf32, #tpu.memory_space<vmem>>, vector<1x16xf32>,
    %add3A_292 = arith.addf %scan3A_283#2, %scan3A_283#3 : vector<16xf32>
    %swap3A_293 = arith.constant 121 : i32
    %swap3A_294 = arith.index_cast %swap3A_293 : i32 to index
    %swap3A_295 = arith.constant 16 : index
    %swap3A_296 = tpu.vector_load %arg8[%swap3A_294, %swap3A_295] {strides = array<i32>} : memref<128x32xf32, #tpu.memory_space<vmem>>, vector<1x16xf32>,
    %swap3A_297 = vector.shape_cast %swap3A_296 : vector<1x16xf32> to vector<16xf32>
    %swap3A_298 = vector.shape_cast %add3A_292 : vector<16xf32> to vector<1x16xf32>
    tpu.vector_store %arg8[%swap3A_294, %swap3A_295], %swap3A_298 {strides = array<i32>} : memref<128x32xf32, #tpu.memory_space<vmem>>, vector<1x16xf32>,
    %broadcast_in_dim3A_299 = arith.constant 0.000000e+00 : f32
    %broadcast_in_dim3A_300 = vector.broadcast %broadcast_in_dim3A_299 : f32 to vector<16xf32>
    %broadcast_in_dim3A_301 = arith.constant 0.000000e+00 : f32
    %broadcast_in_dim3A_302 = vector.broadcast %broadcast_in_dim3A_301 : f32 to vector<16xf32>
    %broadcast_in_dim3A_303 = arith.constant 0.000000e+00 : f32
    %broadcast_in_dim3A_304 = vector.broadcast %broadcast_in_dim3A_303 : f32 to vector<16xf32>
    %broadcast_in_dim3A_305 = arith.constant 0.000000e+00 : f32
    %broadcast_in_dim3A_306 = vector.broadcast %broadcast_in_dim3A_305 : f32 to vector<16xf32>
    %scan3A_307 = arith.constant 0 : i32
    %scan3A_308 = arith.constant 50 : i32
    %scan3A_309 = arith.addi %scan3A_307, %scan3A_308 : i32
    %scan3A_310 = arith.constant 1 : i32
    %scan3A_311:4 = scf.for %scan3A_547 = %scan3A_307 to %scan3A_309 step %scan3A_310 iter_args(%scan3A_548 = %broadcast_in_dim3A_300, %scan3A_549 = %broadcast_in_dim3A_302, %scan3A_550 = %broadcast_in_dim3A_304, %scan3A_551 = %broadcast_in_dim3A_306) -> (vector<16xf32>, vector<16xf32>, vector<16xf32>, vector<16xf32>)  : i32 {
      %mul3A_552 = arith.constant 4 : i32
      %mul3A_553 = arith.muli %scan3A_547, %mul3A_552 : i32
      %add3A_554 = arith.constant 400 : i32
      %add3A_555 = arith.addi %add3A_554, %mul3A_553 : i32
      %get3A = arith.index_cast %add3A_555 : i32 to index
      %get3A_556 = arith.constant 0 : index
      %get3A_557 = tpu.vector_load %arg6[%get3A, %get3A_556] {strides = array<i32>} : memref<800x32xf32, #tpu.memory_space<vmem>>, vector<1x16xf32>,
      %get3A_558 = vector.shape_cast %get3A_557 : vector<1x16xf32> to vector<16xf32>
      %add3A_559 = arith.addf %scan3A_548, %get3A_558 : vector<16xf32>
      %add3A_560 = arith.constant 1 : i32
      %add3A_561 = arith.addi %add3A_555, %add3A_560 : i32
      %get3A_562 = arith.index_cast %add3A_561 : i32 to index
      %get3A_563 = arith.constant 0 : index
      %get3A_564 = tpu.vector_load %arg6[%get3A_562, %get3A_563] {strides = array<i32>} : memref<800x32xf32, #tpu.memory_space<vmem>>, vector<1x16xf32>,
      %get3A_565 = vector.shape_cast %get3A_564 : vector<1x16xf32> to vector<16xf32>
      %add3A_566 = arith.addf %add3A_559, %get3A_565 : vector<16xf32>
      %add3A_567 = arith.constant 2 : i32
      %add3A_568 = arith.addi %add3A_555, %add3A_567 : i32
      %get3A_569 = arith.index_cast %add3A_568 : i32 to index
      %get3A_570 = arith.constant 0 : index
      %get3A_571 = tpu.vector_load %arg6[%get3A_569, %get3A_570] {strides = array<i32>} : memref<800x32xf32, #tpu.memory_space<vmem>>, vector<1x16xf32>,
      %get3A_572 = vector.shape_cast %get3A_571 : vector<1x16xf32> to vector<16xf32>
      %add3A_573 = arith.addf %scan3A_549, %get3A_572 : vector<16xf32>
      %add3A_574 = arith.constant 3 : i32
      %add3A_575 = arith.addi %add3A_555, %add3A_574 : i32
      %get3A_576 = arith.index_cast %add3A_575 : i32 to index
      %get3A_577 = arith.constant 0 : index
      %get3A_578 = tpu.vector_load %arg6[%get3A_576, %get3A_577] {strides = array<i32>} : memref<800x32xf32, #tpu.memory_space<vmem>>, vector<1x16xf32>,
      %get3A_579 = vector.shape_cast %get3A_578 : vector<1x16xf32> to vector<16xf32>
      %add3A_580 = arith.addf %add3A_573, %get3A_579 : vector<16xf32>
      %get3A_581 = arith.index_cast %add3A_555 : i32 to index
      %get3A_582 = arith.constant 16 : index
      %get3A_583 = tpu.vector_load %arg6[%get3A_581, %get3A_582] {strides = array<i32>} : memref<800x32xf32, #tpu.memory_space<vmem>>, vector<1x16xf32>,
      %get3A_584 = vector.shape_cast %get3A_583 : vector<1x16xf32> to vector<16xf32>
      %add3A_585 = arith.addf %scan3A_550, %get3A_584 : vector<16xf32>
      %add3A_586 = arith.constant 1 : i32
      %add3A_587 = arith.addi %add3A_555, %add3A_586 : i32
      %get3A_588 = arith.index_cast %add3A_587 : i32 to index
      %get3A_589 = arith.constant 16 : index
      %get3A_590 = tpu.vector_load %arg6[%get3A_588, %get3A_589] {strides = array<i32>} : memref<800x32xf32, #tpu.memory_space<vmem>>, vector<1x16xf32>,
      %get3A_591 = vector.shape_cast %get3A_590 : vector<1x16xf32> to vector<16xf32>
      %add3A_592 = arith.addf %add3A_585, %get3A_591 : vector<16xf32>
      %add3A_593 = arith.constant 2 : i32
      %add3A_594 = arith.addi %add3A_555, %add3A_593 : i32
      %get3A_595 = arith.index_cast %add3A_594 : i32 to index
      %get3A_596 = arith.constant 16 : index
      %get3A_597 = tpu.vector_load %arg6[%get3A_595, %get3A_596] {strides = array<i32>} : memref<800x32xf32, #tpu.memory_space<vmem>>, vector<1x16xf32>,
      %get3A_598 = vector.shape_cast %get3A_597 : vector<1x16xf32> to vector<16xf32>
      %add3A_599 = arith.addf %scan3A_551, %get3A_598 : vector<16xf32>
      %add3A_600 = arith.constant 3 : i32
      %add3A_601 = arith.addi %add3A_555, %add3A_600 : i32
      %get3A_602 = arith.index_cast %add3A_601 : i32 to index
      %get3A_603 = arith.constant 16 : index
      %get3A_604 = tpu.vector_load %arg6[%get3A_602, %get3A_603] {strides = array<i32>} : memref<800x32xf32, #tpu.memory_space<vmem>>, vector<1x16xf32>,
      %get3A_605 = vector.shape_cast %get3A_604 : vector<1x16xf32> to vector<16xf32>
      %add3A_606 = arith.addf %add3A_599, %get3A_605 : vector<16xf32>
      scf.yield %add3A_566, %add3A_580, %add3A_592, %add3A_606 : vector<16xf32>, vector<16xf32>, vector<16xf32>, vector<16xf32>
    }
    %scan3A_312 = arith.constant 50 : i32
    %add3A_313 = arith.addf %scan3A_311#0, %scan3A_311#1 : vector<16xf32>
    %swap3A_314 = arith.constant 122 : i32
    %swap3A_315 = arith.index_cast %swap3A_314 : i32 to index
    %swap3A_316 = arith.constant 0 : index
    %swap3A_317 = tpu.vector_load %arg8[%swap3A_315, %swap3A_316] {strides = array<i32>} : memref<128x32xf32, #tpu.memory_space<vmem>>, vector<1x16xf32>,
    %swap3A_318 = vector.shape_cast %swap3A_317 : vector<1x16xf32> to vector<16xf32>
    %swap3A_319 = vector.shape_cast %add3A_313 : vector<16xf32> to vector<1x16xf32>
    tpu.vector_store %arg8[%swap3A_315, %swap3A_316], %swap3A_319 {strides = array<i32>} : memref<128x32xf32, #tpu.memory_space<vmem>>, vector<1x16xf32>,
    %add3A_320 = arith.addf %scan3A_311#2, %scan3A_311#3 : vector<16xf32>
    %swap3A_321 = arith.constant 122 : i32
    %swap3A_322 = arith.index_cast %swap3A_321 : i32 to index
    %swap3A_323 = arith.constant 16 : index
    %swap3A_324 = tpu.vector_load %arg8[%swap3A_322, %swap3A_323] {strides = array<i32>} : memref<128x32xf32, #tpu.memory_space<vmem>>, vector<1x16xf32>,
    %swap3A_325 = vector.shape_cast %swap3A_324 : vector<1x16xf32> to vector<16xf32>
    %swap3A_326 = vector.shape_cast %add3A_320 : vector<16xf32> to vector<1x16xf32>
    tpu.vector_store %arg8[%swap3A_322, %swap3A_323], %swap3A_326 {strides = array<i32>} : memref<128x32xf32, #tpu.memory_space<vmem>>, vector<1x16xf32>,
    %broadcast_in_dim3A_327 = arith.constant 0.000000e+00 : f32
    %broadcast_in_dim3A_328 = vector.broadcast %broadcast_in_dim3A_327 : f32 to vector<16xf32>
    %broadcast_in_dim3A_329 = arith.constant 0.000000e+00 : f32
    %broadcast_in_dim3A_330 = vector.broadcast %broadcast_in_dim3A_329 : f32 to vector<16xf32>
    %broadcast_in_dim3A_331 = arith.constant 0.000000e+00 : f32
    %broadcast_in_dim3A_332 = vector.broadcast %broadcast_in_dim3A_331 : f32 to vector<16xf32>
    %broadcast_in_dim3A_333 = arith.constant 0.000000e+00 : f32
    %broadcast_in_dim3A_334 = vector.broadcast %broadcast_in_dim3A_333 : f32 to vector<16xf32>
    %scan3A_335 = arith.constant 0 : i32
    %scan3A_336 = arith.constant 50 : i32
    %scan3A_337 = arith.addi %scan3A_335, %scan3A_336 : i32
    %scan3A_338 = arith.constant 1 : i32
    %scan3A_339:4 = scf.for %scan3A_547 = %scan3A_335 to %scan3A_337 step %scan3A_338 iter_args(%scan3A_548 = %broadcast_in_dim3A_328, %scan3A_549 = %broadcast_in_dim3A_330, %scan3A_550 = %broadcast_in_dim3A_332, %scan3A_551 = %broadcast_in_dim3A_334) -> (vector<16xf32>, vector<16xf32>, vector<16xf32>, vector<16xf32>)  : i32 {
      %mul3A_552 = arith.constant 4 : i32
      %mul3A_553 = arith.muli %scan3A_547, %mul3A_552 : i32
      %add3A_554 = arith.constant 600 : i32
      %add3A_555 = arith.addi %add3A_554, %mul3A_553 : i32
      %get3A = arith.index_cast %add3A_555 : i32 to index
      %get3A_556 = arith.constant 0 : index
      %get3A_557 = tpu.vector_load %arg6[%get3A, %get3A_556] {strides = array<i32>} : memref<800x32xf32, #tpu.memory_space<vmem>>, vector<1x16xf32>,
      %get3A_558 = vector.shape_cast %get3A_557 : vector<1x16xf32> to vector<16xf32>
      %add3A_559 = arith.addf %scan3A_548, %get3A_558 : vector<16xf32>
      %add3A_560 = arith.constant 1 : i32
      %add3A_561 = arith.addi %add3A_555, %add3A_560 : i32
      %get3A_562 = arith.index_cast %add3A_561 : i32 to index
      %get3A_563 = arith.constant 0 : index
      %get3A_564 = tpu.vector_load %arg6[%get3A_562, %get3A_563] {strides = array<i32>} : memref<800x32xf32, #tpu.memory_space<vmem>>, vector<1x16xf32>,
      %get3A_565 = vector.shape_cast %get3A_564 : vector<1x16xf32> to vector<16xf32>
      %add3A_566 = arith.addf %add3A_559, %get3A_565 : vector<16xf32>
      %add3A_567 = arith.constant 2 : i32
      %add3A_568 = arith.addi %add3A_555, %add3A_567 : i32
      %get3A_569 = arith.index_cast %add3A_568 : i32 to index
      %get3A_570 = arith.constant 0 : index
      %get3A_571 = tpu.vector_load %arg6[%get3A_569, %get3A_570] {strides = array<i32>} : memref<800x32xf32, #tpu.memory_space<vmem>>, vector<1x16xf32>,
      %get3A_572 = vector.shape_cast %get3A_571 : vector<1x16xf32> to vector<16xf32>
      %add3A_573 = arith.addf %scan3A_549, %get3A_572 : vector<16xf32>
      %add3A_574 = arith.constant 3 : i32
      %add3A_575 = arith.addi %add3A_555, %add3A_574 : i32
      %get3A_576 = arith.index_cast %add3A_575 : i32 to index
      %get3A_577 = arith.constant 0 : index
      %get3A_578 = tpu.vector_load %arg6[%get3A_576, %get3A_577] {strides = array<i32>} : memref<800x32xf32, #tpu.memory_space<vmem>>, vector<1x16xf32>,
      %get3A_579 = vector.shape_cast %get3A_578 : vector<1x16xf32> to vector<16xf32>
      %add3A_580 = arith.addf %add3A_573, %get3A_579 : vector<16xf32>
      %get3A_581 = arith.index_cast %add3A_555 : i32 to index
      %get3A_582 = arith.constant 16 : index
      %get3A_583 = tpu.vector_load %arg6[%get3A_581, %get3A_582] {strides = array<i32>} : memref<800x32xf32, #tpu.memory_space<vmem>>, vector<1x16xf32>,
      %get3A_584 = vector.shape_cast %get3A_583 : vector<1x16xf32> to vector<16xf32>
      %add3A_585 = arith.addf %scan3A_550, %get3A_584 : vector<16xf32>
      %add3A_586 = arith.constant 1 : i32
      %add3A_587 = arith.addi %add3A_555, %add3A_586 : i32
      %get3A_588 = arith.index_cast %add3A_587 : i32 to index
      %get3A_589 = arith.constant 16 : index
      %get3A_590 = tpu.vector_load %arg6[%get3A_588, %get3A_589] {strides = array<i32>} : memref<800x32xf32, #tpu.memory_space<vmem>>, vector<1x16xf32>,
      %get3A_591 = vector.shape_cast %get3A_590 : vector<1x16xf32> to vector<16xf32>
      %add3A_592 = arith.addf %add3A_585, %get3A_591 : vector<16xf32>
      %add3A_593 = arith.constant 2 : i32
      %add3A_594 = arith.addi %add3A_555, %add3A_593 : i32
      %get3A_595 = arith.index_cast %add3A_594 : i32 to index
      %get3A_596 = arith.constant 16 : index
      %get3A_597 = tpu.vector_load %arg6[%get3A_595, %get3A_596] {strides = array<i32>} : memref<800x32xf32, #tpu.memory_space<vmem>>, vector<1x16xf32>,
      %get3A_598 = vector.shape_cast %get3A_597 : vector<1x16xf32> to vector<16xf32>
      %add3A_599 = arith.addf %scan3A_551, %get3A_598 : vector<16xf32>
      %add3A_600 = arith.constant 3 : i32
      %add3A_601 = arith.addi %add3A_555, %add3A_600 : i32
      %get3A_602 = arith.index_cast %add3A_601 : i32 to index
      %get3A_603 = arith.constant 16 : index
      %get3A_604 = tpu.vector_load %arg6[%get3A_602, %get3A_603] {strides = array<i32>} : memref<800x32xf32, #tpu.memory_space<vmem>>, vector<1x16xf32>,
      %get3A_605 = vector.shape_cast %get3A_604 : vector<1x16xf32> to vector<16xf32>
      %add3A_606 = arith.addf %add3A_599, %get3A_605 : vector<16xf32>
      scf.yield %add3A_566, %add3A_580, %add3A_592, %add3A_606 : vector<16xf32>, vector<16xf32>, vector<16xf32>, vector<16xf32>
    }
    %scan3A_340 = arith.constant 50 : i32
    %add3A_341 = arith.addf %scan3A_339#0, %scan3A_339#1 : vector<16xf32>
    %swap3A_342 = arith.constant 123 : i32
    %swap3A_343 = arith.index_cast %swap3A_342 : i32 to index
    %swap3A_344 = arith.constant 0 : index
    %swap3A_345 = tpu.vector_load %arg8[%swap3A_343, %swap3A_344] {strides = array<i32>} : memref<128x32xf32, #tpu.memory_space<vmem>>, vector<1x16xf32>,
    %swap3A_346 = vector.shape_cast %swap3A_345 : vector<1x16xf32> to vector<16xf32>
    %swap3A_347 = vector.shape_cast %add3A_341 : vector<16xf32> to vector<1x16xf32>
    tpu.vector_store %arg8[%swap3A_343, %swap3A_344], %swap3A_347 {strides = array<i32>} : memref<128x32xf32, #tpu.memory_space<vmem>>, vector<1x16xf32>,
    %add3A_348 = arith.addf %scan3A_339#2, %scan3A_339#3 : vector<16xf32>
    %swap3A_349 = arith.constant 123 : i32
    %swap3A_350 = arith.index_cast %swap3A_349 : i32 to index
    %swap3A_351 = arith.constant 16 : index
    %swap3A_352 = tpu.vector_load %arg8[%swap3A_350, %swap3A_351] {strides = array<i32>} : memref<128x32xf32, #tpu.memory_space<vmem>>, vector<1x16xf32>,
    %swap3A_353 = vector.shape_cast %swap3A_352 : vector<1x16xf32> to vector<16xf32>
    %swap3A_354 = vector.shape_cast %add3A_348 : vector<16xf32> to vector<1x16xf32>
    tpu.vector_store %arg8[%swap3A_350, %swap3A_351], %swap3A_354 {strides = array<i32>} : memref<128x32xf32, #tpu.memory_space<vmem>>, vector<1x16xf32>,
    %dma_wait3A_355 = arith.constant 124 : i32
    %dma_wait3A_356 = arith.constant 0 : i32
    %dma_wait3A_357 = arith.constant 0 : i32
    %dma_wait3A_358 = tpu.memref_slice %arg7[%dma_wait3A_356, %dma_wait3A_357] : memref<800x32xf32, #tpu.memory_space<vmem>> -> memref<128x32xf32, #tpu.memory_space<vmem>>
    %dma_wait3A_359 = arith.constant 0 : i32
    %dma_wait3A_360 = tpu.memref_slice %arg5[%dma_wait3A_355, %dma_wait3A_359] : memref<128x200xi32, #tpu.memory_space<vmem>> -> memref<1x128xi32, #tpu.memory_space<vmem>>
    %dma_wait3A_361 = tpu.memref_squeeze %dma_wait3A_360 : memref<1x128xi32, #tpu.memory_space<vmem>> -> memref<128xi32, #tpu.memory_space<vmem>>
    %dma_wait3A_362 = arith.constant 0 : i32
    %dma_wait3A_363 = arith.constant 0 : i32
    %dma_wait3A_364 = tpu.memref_slice %arg3[%dma_wait3A_362, %dma_wait3A_363] : memref<1000000x32xf32, #tpu.memory_space<hbm>> -> memref<1000000x32xf32, #tpu.memory_space<hbm>>
    tpu.wait_indirect_dma semaphore(%arg10 : memref<!tpu.dma_semaphore, #tpu.memory_space<semaphore_mem>>) src(%dma_wait3A_364 : memref<1000000x32xf32, #tpu.memory_space<hbm>>) dst(%dma_wait3A_358 : memref<128x32xf32, #tpu.memory_space<vmem>>)
    %dma_wait3A_365 = arith.constant 124 : i32
    %dma_wait3A_366 = arith.constant 128 : i32
    %dma_wait3A_367 = arith.constant 0 : i32
    %dma_wait3A_368 = tpu.memref_slice %arg7[%dma_wait3A_366, %dma_wait3A_367] : memref<800x32xf32, #tpu.memory_space<vmem>> -> memref<72x32xf32, #tpu.memory_space<vmem>>
    %dma_wait3A_369 = arith.constant 128 : i32
    %dma_wait3A_370 = tpu.memref_slice %arg5[%dma_wait3A_365, %dma_wait3A_369] : memref<128x200xi32, #tpu.memory_space<vmem>> -> memref<1x72xi32, #tpu.memory_space<vmem>>
    %dma_wait3A_371 = tpu.memref_squeeze %dma_wait3A_370 : memref<1x72xi32, #tpu.memory_space<vmem>> -> memref<72xi32, #tpu.memory_space<vmem>>
    %dma_wait3A_372 = arith.constant 0 : i32
    %dma_wait3A_373 = arith.constant 0 : i32
    %dma_wait3A_374 = tpu.memref_slice %arg3[%dma_wait3A_372, %dma_wait3A_373] : memref<1000000x32xf32, #tpu.memory_space<hbm>> -> memref<1000000x32xf32, #tpu.memory_space<hbm>>
    tpu.wait_indirect_dma semaphore(%arg10 : memref<!tpu.dma_semaphore, #tpu.memory_space<semaphore_mem>>) src(%dma_wait3A_374 : memref<1000000x32xf32, #tpu.memory_space<hbm>>) dst(%dma_wait3A_368 : memref<72x32xf32, #tpu.memory_space<vmem>>)
    %dma_wait3A_375 = arith.constant 125 : i32
    %dma_wait3A_376 = arith.constant 200 : i32
    %dma_wait3A_377 = arith.constant 0 : i32
    %dma_wait3A_378 = tpu.memref_slice %arg7[%dma_wait3A_376, %dma_wait3A_377] : memref<800x32xf32, #tpu.memory_space<vmem>> -> memref<128x32xf32, #tpu.memory_space<vmem>>
    %dma_wait3A_379 = arith.constant 0 : i32
    %dma_wait3A_380 = tpu.memref_slice %arg5[%dma_wait3A_375, %dma_wait3A_379] : memref<128x200xi32, #tpu.memory_space<vmem>> -> memref<1x128xi32, #tpu.memory_space<vmem>>
    %dma_wait3A_381 = tpu.memref_squeeze %dma_wait3A_380 : memref<1x128xi32, #tpu.memory_space<vmem>> -> memref<128xi32, #tpu.memory_space<vmem>>
    %dma_wait3A_382 = arith.constant 0 : i32
    %dma_wait3A_383 = arith.constant 0 : i32
    %dma_wait3A_384 = tpu.memref_slice %arg3[%dma_wait3A_382, %dma_wait3A_383] : memref<1000000x32xf32, #tpu.memory_space<hbm>> -> memref<1000000x32xf32, #tpu.memory_space<hbm>>
    tpu.wait_indirect_dma semaphore(%arg10 : memref<!tpu.dma_semaphore, #tpu.memory_space<semaphore_mem>>) src(%dma_wait3A_384 : memref<1000000x32xf32, #tpu.memory_space<hbm>>) dst(%dma_wait3A_378 : memref<128x32xf32, #tpu.memory_space<vmem>>)
    %dma_wait3A_385 = arith.constant 125 : i32
    %dma_wait3A_386 = arith.constant 328 : i32
    %dma_wait3A_387 = arith.constant 0 : i32
    %dma_wait3A_388 = tpu.memref_slice %arg7[%dma_wait3A_386, %dma_wait3A_387] : memref<800x32xf32, #tpu.memory_space<vmem>> -> memref<72x32xf32, #tpu.memory_space<vmem>>
    %dma_wait3A_389 = arith.constant 128 : i32
    %dma_wait3A_390 = tpu.memref_slice %arg5[%dma_wait3A_385, %dma_wait3A_389] : memref<128x200xi32, #tpu.memory_space<vmem>> -> memref<1x72xi32, #tpu.memory_space<vmem>>
    %dma_wait3A_391 = tpu.memref_squeeze %dma_wait3A_390 : memref<1x72xi32, #tpu.memory_space<vmem>> -> memref<72xi32, #tpu.memory_space<vmem>>
    %dma_wait3A_392 = arith.constant 0 : i32
    %dma_wait3A_393 = arith.constant 0 : i32
    %dma_wait3A_394 = tpu.memref_slice %arg3[%dma_wait3A_392, %dma_wait3A_393] : memref<1000000x32xf32, #tpu.memory_space<hbm>> -> memref<1000000x32xf32, #tpu.memory_space<hbm>>
    tpu.wait_indirect_dma semaphore(%arg10 : memref<!tpu.dma_semaphore, #tpu.memory_space<semaphore_mem>>) src(%dma_wait3A_394 : memref<1000000x32xf32, #tpu.memory_space<hbm>>) dst(%dma_wait3A_388 : memref<72x32xf32, #tpu.memory_space<vmem>>)
    %dma_wait3A_395 = arith.constant 126 : i32
    %dma_wait3A_396 = arith.constant 400 : i32
    %dma_wait3A_397 = arith.constant 0 : i32
    %dma_wait3A_398 = tpu.memref_slice %arg7[%dma_wait3A_396, %dma_wait3A_397] : memref<800x32xf32, #tpu.memory_space<vmem>> -> memref<128x32xf32, #tpu.memory_space<vmem>>
    %dma_wait3A_399 = arith.constant 0 : i32
    %dma_wait3A_400 = tpu.memref_slice %arg5[%dma_wait3A_395, %dma_wait3A_399] : memref<128x200xi32, #tpu.memory_space<vmem>> -> memref<1x128xi32, #tpu.memory_space<vmem>>
    %dma_wait3A_401 = tpu.memref_squeeze %dma_wait3A_400 : memref<1x128xi32, #tpu.memory_space<vmem>> -> memref<128xi32, #tpu.memory_space<vmem>>
    %dma_wait3A_402 = arith.constant 0 : i32
    %dma_wait3A_403 = arith.constant 0 : i32
    %dma_wait3A_404 = tpu.memref_slice %arg3[%dma_wait3A_402, %dma_wait3A_403] : memref<1000000x32xf32, #tpu.memory_space<hbm>> -> memref<1000000x32xf32, #tpu.memory_space<hbm>>
    tpu.wait_indirect_dma semaphore(%arg10 : memref<!tpu.dma_semaphore, #tpu.memory_space<semaphore_mem>>) src(%dma_wait3A_404 : memref<1000000x32xf32, #tpu.memory_space<hbm>>) dst(%dma_wait3A_398 : memref<128x32xf32, #tpu.memory_space<vmem>>)
    %dma_wait3A_405 = arith.constant 126 : i32
    %dma_wait3A_406 = arith.constant 528 : i32
    %dma_wait3A_407 = arith.constant 0 : i32
    %dma_wait3A_408 = tpu.memref_slice %arg7[%dma_wait3A_406, %dma_wait3A_407] : memref<800x32xf32, #tpu.memory_space<vmem>> -> memref<72x32xf32, #tpu.memory_space<vmem>>
    %dma_wait3A_409 = arith.constant 128 : i32
    %dma_wait3A_410 = tpu.memref_slice %arg5[%dma_wait3A_405, %dma_wait3A_409] : memref<128x200xi32, #tpu.memory_space<vmem>> -> memref<1x72xi32, #tpu.memory_space<vmem>>
    %dma_wait3A_411 = tpu.memref_squeeze %dma_wait3A_410 : memref<1x72xi32, #tpu.memory_space<vmem>> -> memref<72xi32, #tpu.memory_space<vmem>>
    %dma_wait3A_412 = arith.constant 0 : i32
    %dma_wait3A_413 = arith.constant 0 : i32
    %dma_wait3A_414 = tpu.memref_slice %arg3[%dma_wait3A_412, %dma_wait3A_413] : memref<1000000x32xf32, #tpu.memory_space<hbm>> -> memref<1000000x32xf32, #tpu.memory_space<hbm>>
    tpu.wait_indirect_dma semaphore(%arg10 : memref<!tpu.dma_semaphore, #tpu.memory_space<semaphore_mem>>) src(%dma_wait3A_414 : memref<1000000x32xf32, #tpu.memory_space<hbm>>) dst(%dma_wait3A_408 : memref<72x32xf32, #tpu.memory_space<vmem>>)
    %dma_wait3A_415 = arith.constant 127 : i32
    %dma_wait3A_416 = arith.constant 600 : i32
    %dma_wait3A_417 = arith.constant 0 : i32
    %dma_wait3A_418 = tpu.memref_slice %arg7[%dma_wait3A_416, %dma_wait3A_417] : memref<800x32xf32, #tpu.memory_space<vmem>> -> memref<128x32xf32, #tpu.memory_space<vmem>>
    %dma_wait3A_419 = arith.constant 0 : i32
    %dma_wait3A_420 = tpu.memref_slice %arg5[%dma_wait3A_415, %dma_wait3A_419] : memref<128x200xi32, #tpu.memory_space<vmem>> -> memref<1x128xi32, #tpu.memory_space<vmem>>
    %dma_wait3A_421 = tpu.memref_squeeze %dma_wait3A_420 : memref<1x128xi32, #tpu.memory_space<vmem>> -> memref<128xi32, #tpu.memory_space<vmem>>
    %dma_wait3A_422 = arith.constant 0 : i32
    %dma_wait3A_423 = arith.constant 0 : i32
    %dma_wait3A_424 = tpu.memref_slice %arg3[%dma_wait3A_422, %dma_wait3A_423] : memref<1000000x32xf32, #tpu.memory_space<hbm>> -> memref<1000000x32xf32, #tpu.memory_space<hbm>>
    tpu.wait_indirect_dma semaphore(%arg10 : memref<!tpu.dma_semaphore, #tpu.memory_space<semaphore_mem>>) src(%dma_wait3A_424 : memref<1000000x32xf32, #tpu.memory_space<hbm>>) dst(%dma_wait3A_418 : memref<128x32xf32, #tpu.memory_space<vmem>>)
    %dma_wait3A_425 = arith.constant 127 : i32
    %dma_wait3A_426 = arith.constant 728 : i32
    %dma_wait3A_427 = arith.constant 0 : i32
    %dma_wait3A_428 = tpu.memref_slice %arg7[%dma_wait3A_426, %dma_wait3A_427] : memref<800x32xf32, #tpu.memory_space<vmem>> -> memref<72x32xf32, #tpu.memory_space<vmem>>
    %dma_wait3A_429 = arith.constant 128 : i32
    %dma_wait3A_430 = tpu.memref_slice %arg5[%dma_wait3A_425, %dma_wait3A_429] : memref<128x200xi32, #tpu.memory_space<vmem>> -> memref<1x72xi32, #tpu.memory_space<vmem>>
    %dma_wait3A_431 = tpu.memref_squeeze %dma_wait3A_430 : memref<1x72xi32, #tpu.memory_space<vmem>> -> memref<72xi32, #tpu.memory_space<vmem>>
    %dma_wait3A_432 = arith.constant 0 : i32
    %dma_wait3A_433 = arith.constant 0 : i32
    %dma_wait3A_434 = tpu.memref_slice %arg3[%dma_wait3A_432, %dma_wait3A_433] : memref<1000000x32xf32, #tpu.memory_space<hbm>> -> memref<1000000x32xf32, #tpu.memory_space<hbm>>
    tpu.wait_indirect_dma semaphore(%arg10 : memref<!tpu.dma_semaphore, #tpu.memory_space<semaphore_mem>>) src(%dma_wait3A_434 : memref<1000000x32xf32, #tpu.memory_space<hbm>>) dst(%dma_wait3A_428 : memref<72x32xf32, #tpu.memory_space<vmem>>)
    %broadcast_in_dim3A_435 = arith.constant 0.000000e+00 : f32
    %broadcast_in_dim3A_436 = vector.broadcast %broadcast_in_dim3A_435 : f32 to vector<16xf32>
    %broadcast_in_dim3A_437 = arith.constant 0.000000e+00 : f32
    %broadcast_in_dim3A_438 = vector.broadcast %broadcast_in_dim3A_437 : f32 to vector<16xf32>
    %broadcast_in_dim3A_439 = arith.constant 0.000000e+00 : f32
    %broadcast_in_dim3A_440 = vector.broadcast %broadcast_in_dim3A_439 : f32 to vector<16xf32>
    %broadcast_in_dim3A_441 = arith.constant 0.000000e+00 : f32
    %broadcast_in_dim3A_442 = vector.broadcast %broadcast_in_dim3A_441 : f32 to vector<16xf32>
    %scan3A_443 = arith.constant 0 : i32
    %scan3A_444 = arith.constant 50 : i32
    %scan3A_445 = arith.addi %scan3A_443, %scan3A_444 : i32
    %scan3A_446 = arith.constant 1 : i32
    %scan3A_447:4 = scf.for %scan3A_547 = %scan3A_443 to %scan3A_445 step %scan3A_446 iter_args(%scan3A_548 = %broadcast_in_dim3A_436, %scan3A_549 = %broadcast_in_dim3A_438, %scan3A_550 = %broadcast_in_dim3A_440, %scan3A_551 = %broadcast_in_dim3A_442) -> (vector<16xf32>, vector<16xf32>, vector<16xf32>, vector<16xf32>)  : i32 {
      %mul3A_552 = arith.constant 4 : i32
      %mul3A_553 = arith.muli %scan3A_547, %mul3A_552 : i32
      %add3A_554 = arith.constant 0 : i32
      %add3A_555 = arith.addi %add3A_554, %mul3A_553 : i32
      %get3A = arith.index_cast %add3A_555 : i32 to index
      %get3A_556 = arith.constant 0 : index
      %get3A_557 = tpu.vector_load %arg7[%get3A, %get3A_556] {strides = array<i32>} : memref<800x32xf32, #tpu.memory_space<vmem>>, vector<1x16xf32>,
      %get3A_558 = vector.shape_cast %get3A_557 : vector<1x16xf32> to vector<16xf32>
      %add3A_559 = arith.addf %scan3A_548, %get3A_558 : vector<16xf32>
      %add3A_560 = arith.constant 1 : i32
      %add3A_561 = arith.addi %add3A_555, %add3A_560 : i32
      %get3A_562 = arith.index_cast %add3A_561 : i32 to index
      %get3A_563 = arith.constant 0 : index
      %get3A_564 = tpu.vector_load %arg7[%get3A_562, %get3A_563] {strides = array<i32>} : memref<800x32xf32, #tpu.memory_space<vmem>>, vector<1x16xf32>,
      %get3A_565 = vector.shape_cast %get3A_564 : vector<1x16xf32> to vector<16xf32>
      %add3A_566 = arith.addf %add3A_559, %get3A_565 : vector<16xf32>
      %add3A_567 = arith.constant 2 : i32
      %add3A_568 = arith.addi %add3A_555, %add3A_567 : i32
      %get3A_569 = arith.index_cast %add3A_568 : i32 to index
      %get3A_570 = arith.constant 0 : index
      %get3A_571 = tpu.vector_load %arg7[%get3A_569, %get3A_570] {strides = array<i32>} : memref<800x32xf32, #tpu.memory_space<vmem>>, vector<1x16xf32>,
      %get3A_572 = vector.shape_cast %get3A_571 : vector<1x16xf32> to vector<16xf32>
      %add3A_573 = arith.addf %scan3A_549, %get3A_572 : vector<16xf32>
      %add3A_574 = arith.constant 3 : i32
      %add3A_575 = arith.addi %add3A_555, %add3A_574 : i32
      %get3A_576 = arith.index_cast %add3A_575 : i32 to index
      %get3A_577 = arith.constant 0 : index
      %get3A_578 = tpu.vector_load %arg7[%get3A_576, %get3A_577] {strides = array<i32>} : memref<800x32xf32, #tpu.memory_space<vmem>>, vector<1x16xf32>,
      %get3A_579 = vector.shape_cast %get3A_578 : vector<1x16xf32> to vector<16xf32>
      %add3A_580 = arith.addf %add3A_573, %get3A_579 : vector<16xf32>
      %get3A_581 = arith.index_cast %add3A_555 : i32 to index
      %get3A_582 = arith.constant 16 : index
      %get3A_583 = tpu.vector_load %arg7[%get3A_581, %get3A_582] {strides = array<i32>} : memref<800x32xf32, #tpu.memory_space<vmem>>, vector<1x16xf32>,
      %get3A_584 = vector.shape_cast %get3A_583 : vector<1x16xf32> to vector<16xf32>
      %add3A_585 = arith.addf %scan3A_550, %get3A_584 : vector<16xf32>
      %add3A_586 = arith.constant 1 : i32
      %add3A_587 = arith.addi %add3A_555, %add3A_586 : i32
      %get3A_588 = arith.index_cast %add3A_587 : i32 to index
      %get3A_589 = arith.constant 16 : index
      %get3A_590 = tpu.vector_load %arg7[%get3A_588, %get3A_589] {strides = array<i32>} : memref<800x32xf32, #tpu.memory_space<vmem>>, vector<1x16xf32>,
      %get3A_591 = vector.shape_cast %get3A_590 : vector<1x16xf32> to vector<16xf32>
      %add3A_592 = arith.addf %add3A_585, %get3A_591 : vector<16xf32>
      %add3A_593 = arith.constant 2 : i32
      %add3A_594 = arith.addi %add3A_555, %add3A_593 : i32
      %get3A_595 = arith.index_cast %add3A_594 : i32 to index
      %get3A_596 = arith.constant 16 : index
      %get3A_597 = tpu.vector_load %arg7[%get3A_595, %get3A_596] {strides = array<i32>} : memref<800x32xf32, #tpu.memory_space<vmem>>, vector<1x16xf32>,
      %get3A_598 = vector.shape_cast %get3A_597 : vector<1x16xf32> to vector<16xf32>
      %add3A_599 = arith.addf %scan3A_551, %get3A_598 : vector<16xf32>
      %add3A_600 = arith.constant 3 : i32
      %add3A_601 = arith.addi %add3A_555, %add3A_600 : i32
      %get3A_602 = arith.index_cast %add3A_601 : i32 to index
      %get3A_603 = arith.constant 16 : index
      %get3A_604 = tpu.vector_load %arg7[%get3A_602, %get3A_603] {strides = array<i32>} : memref<800x32xf32, #tpu.memory_space<vmem>>, vector<1x16xf32>,
      %get3A_605 = vector.shape_cast %get3A_604 : vector<1x16xf32> to vector<16xf32>
      %add3A_606 = arith.addf %add3A_599, %get3A_605 : vector<16xf32>
      scf.yield %add3A_566, %add3A_580, %add3A_592, %add3A_606 : vector<16xf32>, vector<16xf32>, vector<16xf32>, vector<16xf32>
    }
    %scan3A_448 = arith.constant 50 : i32
    %add3A_449 = arith.addf %scan3A_447#0, %scan3A_447#1 : vector<16xf32>
    %swap3A_450 = arith.constant 124 : i32
    %swap3A_451 = arith.index_cast %swap3A_450 : i32 to index
    %swap3A_452 = arith.constant 0 : index
    %swap3A_453 = tpu.vector_load %arg8[%swap3A_451, %swap3A_452] {strides = array<i32>} : memref<128x32xf32, #tpu.memory_space<vmem>>, vector<1x16xf32>,
    %swap3A_454 = vector.shape_cast %swap3A_453 : vector<1x16xf32> to vector<16xf32>
    %swap3A_455 = vector.shape_cast %add3A_449 : vector<16xf32> to vector<1x16xf32>
    tpu.vector_store %arg8[%swap3A_451, %swap3A_452], %swap3A_455 {strides = array<i32>} : memref<128x32xf32, #tpu.memory_space<vmem>>, vector<1x16xf32>,
    %add3A_456 = arith.addf %scan3A_447#2, %scan3A_447#3 : vector<16xf32>
    %swap3A_457 = arith.constant 124 : i32
    %swap3A_458 = arith.index_cast %swap3A_457 : i32 to index
    %swap3A_459 = arith.constant 16 : index
    %swap3A_460 = tpu.vector_load %arg8[%swap3A_458, %swap3A_459] {strides = array<i32>} : memref<128x32xf32, #tpu.memory_space<vmem>>, vector<1x16xf32>,
    %swap3A_461 = vector.shape_cast %swap3A_460 : vector<1x16xf32> to vector<16xf32>
    %swap3A_462 = vector.shape_cast %add3A_456 : vector<16xf32> to vector<1x16xf32>
    tpu.vector_store %arg8[%swap3A_458, %swap3A_459], %swap3A_462 {strides = array<i32>} : memref<128x32xf32, #tpu.memory_space<vmem>>, vector<1x16xf32>,
    %broadcast_in_dim3A_463 = arith.constant 0.000000e+00 : f32
    %broadcast_in_dim3A_464 = vector.broadcast %broadcast_in_dim3A_463 : f32 to vector<16xf32>
    %broadcast_in_dim3A_465 = arith.constant 0.000000e+00 : f32
    %broadcast_in_dim3A_466 = vector.broadcast %broadcast_in_dim3A_465 : f32 to vector<16xf32>
    %broadcast_in_dim3A_467 = arith.constant 0.000000e+00 : f32
    %broadcast_in_dim3A_468 = vector.broadcast %broadcast_in_dim3A_467 : f32 to vector<16xf32>
    %broadcast_in_dim3A_469 = arith.constant 0.000000e+00 : f32
    %broadcast_in_dim3A_470 = vector.broadcast %broadcast_in_dim3A_469 : f32 to vector<16xf32>
    %scan3A_471 = arith.constant 0 : i32
    %scan3A_472 = arith.constant 50 : i32
    %scan3A_473 = arith.addi %scan3A_471, %scan3A_472 : i32
    %scan3A_474 = arith.constant 1 : i32
    %scan3A_475:4 = scf.for %scan3A_547 = %scan3A_471 to %scan3A_473 step %scan3A_474 iter_args(%scan3A_548 = %broadcast_in_dim3A_464, %scan3A_549 = %broadcast_in_dim3A_466, %scan3A_550 = %broadcast_in_dim3A_468, %scan3A_551 = %broadcast_in_dim3A_470) -> (vector<16xf32>, vector<16xf32>, vector<16xf32>, vector<16xf32>)  : i32 {
      %mul3A_552 = arith.constant 4 : i32
      %mul3A_553 = arith.muli %scan3A_547, %mul3A_552 : i32
      %add3A_554 = arith.constant 200 : i32
      %add3A_555 = arith.addi %add3A_554, %mul3A_553 : i32
      %get3A = arith.index_cast %add3A_555 : i32 to index
      %get3A_556 = arith.constant 0 : index
      %get3A_557 = tpu.vector_load %arg7[%get3A, %get3A_556] {strides = array<i32>} : memref<800x32xf32, #tpu.memory_space<vmem>>, vector<1x16xf32>,
      %get3A_558 = vector.shape_cast %get3A_557 : vector<1x16xf32> to vector<16xf32>
      %add3A_559 = arith.addf %scan3A_548, %get3A_558 : vector<16xf32>
      %add3A_560 = arith.constant 1 : i32
      %add3A_561 = arith.addi %add3A_555, %add3A_560 : i32
      %get3A_562 = arith.index_cast %add3A_561 : i32 to index
      %get3A_563 = arith.constant 0 : index
      %get3A_564 = tpu.vector_load %arg7[%get3A_562, %get3A_563] {strides = array<i32>} : memref<800x32xf32, #tpu.memory_space<vmem>>, vector<1x16xf32>,
      %get3A_565 = vector.shape_cast %get3A_564 : vector<1x16xf32> to vector<16xf32>
      %add3A_566 = arith.addf %add3A_559, %get3A_565 : vector<16xf32>
      %add3A_567 = arith.constant 2 : i32
      %add3A_568 = arith.addi %add3A_555, %add3A_567 : i32
      %get3A_569 = arith.index_cast %add3A_568 : i32 to index
      %get3A_570 = arith.constant 0 : index
      %get3A_571 = tpu.vector_load %arg7[%get3A_569, %get3A_570] {strides = array<i32>} : memref<800x32xf32, #tpu.memory_space<vmem>>, vector<1x16xf32>,
      %get3A_572 = vector.shape_cast %get3A_571 : vector<1x16xf32> to vector<16xf32>
      %add3A_573 = arith.addf %scan3A_549, %get3A_572 : vector<16xf32>
      %add3A_574 = arith.constant 3 : i32
      %add3A_575 = arith.addi %add3A_555, %add3A_574 : i32
      %get3A_576 = arith.index_cast %add3A_575 : i32 to index
      %get3A_577 = arith.constant 0 : index
      %get3A_578 = tpu.vector_load %arg7[%get3A_576, %get3A_577] {strides = array<i32>} : memref<800x32xf32, #tpu.memory_space<vmem>>, vector<1x16xf32>,
      %get3A_579 = vector.shape_cast %get3A_578 : vector<1x16xf32> to vector<16xf32>
      %add3A_580 = arith.addf %add3A_573, %get3A_579 : vector<16xf32>
      %get3A_581 = arith.index_cast %add3A_555 : i32 to index
      %get3A_582 = arith.constant 16 : index
      %get3A_583 = tpu.vector_load %arg7[%get3A_581, %get3A_582] {strides = array<i32>} : memref<800x32xf32, #tpu.memory_space<vmem>>, vector<1x16xf32>,
      %get3A_584 = vector.shape_cast %get3A_583 : vector<1x16xf32> to vector<16xf32>
      %add3A_585 = arith.addf %scan3A_550, %get3A_584 : vector<16xf32>
      %add3A_586 = arith.constant 1 : i32
      %add3A_587 = arith.addi %add3A_555, %add3A_586 : i32
      %get3A_588 = arith.index_cast %add3A_587 : i32 to index
      %get3A_589 = arith.constant 16 : index
      %get3A_590 = tpu.vector_load %arg7[%get3A_588, %get3A_589] {strides = array<i32>} : memref<800x32xf32, #tpu.memory_space<vmem>>, vector<1x16xf32>,
      %get3A_591 = vector.shape_cast %get3A_590 : vector<1x16xf32> to vector<16xf32>
      %add3A_592 = arith.addf %add3A_585, %get3A_591 : vector<16xf32>
      %add3A_593 = arith.constant 2 : i32
      %add3A_594 = arith.addi %add3A_555, %add3A_593 : i32
      %get3A_595 = arith.index_cast %add3A_594 : i32 to index
      %get3A_596 = arith.constant 16 : index
      %get3A_597 = tpu.vector_load %arg7[%get3A_595, %get3A_596] {strides = array<i32>} : memref<800x32xf32, #tpu.memory_space<vmem>>, vector<1x16xf32>,
      %get3A_598 = vector.shape_cast %get3A_597 : vector<1x16xf32> to vector<16xf32>
      %add3A_599 = arith.addf %scan3A_551, %get3A_598 : vector<16xf32>
      %add3A_600 = arith.constant 3 : i32
      %add3A_601 = arith.addi %add3A_555, %add3A_600 : i32
      %get3A_602 = arith.index_cast %add3A_601 : i32 to index
      %get3A_603 = arith.constant 16 : index
      %get3A_604 = tpu.vector_load %arg7[%get3A_602, %get3A_603] {strides = array<i32>} : memref<800x32xf32, #tpu.memory_space<vmem>>, vector<1x16xf32>,
      %get3A_605 = vector.shape_cast %get3A_604 : vector<1x16xf32> to vector<16xf32>
      %add3A_606 = arith.addf %add3A_599, %get3A_605 : vector<16xf32>
      scf.yield %add3A_566, %add3A_580, %add3A_592, %add3A_606 : vector<16xf32>, vector<16xf32>, vector<16xf32>, vector<16xf32>
    }
    %scan3A_476 = arith.constant 50 : i32
    %add3A_477 = arith.addf %scan3A_475#0, %scan3A_475#1 : vector<16xf32>
    %swap3A_478 = arith.constant 125 : i32
    %swap3A_479 = arith.index_cast %swap3A_478 : i32 to index
    %swap3A_480 = arith.constant 0 : index
    %swap3A_481 = tpu.vector_load %arg8[%swap3A_479, %swap3A_480] {strides = array<i32>} : memref<128x32xf32, #tpu.memory_space<vmem>>, vector<1x16xf32>,
    %swap3A_482 = vector.shape_cast %swap3A_481 : vector<1x16xf32> to vector<16xf32>
    %swap3A_483 = vector.shape_cast %add3A_477 : vector<16xf32> to vector<1x16xf32>
    tpu.vector_store %arg8[%swap3A_479, %swap3A_480], %swap3A_483 {strides = array<i32>} : memref<128x32xf32, #tpu.memory_space<vmem>>, vector<1x16xf32>,
    %add3A_484 = arith.addf %scan3A_475#2, %scan3A_475#3 : vector<16xf32>
    %swap3A_485 = arith.constant 125 : i32
    %swap3A_486 = arith.index_cast %swap3A_485 : i32 to index
    %swap3A_487 = arith.constant 16 : index
    %swap3A_488 = tpu.vector_load %arg8[%swap3A_486, %swap3A_487] {strides = array<i32>} : memref<128x32xf32, #tpu.memory_space<vmem>>, vector<1x16xf32>,
    %swap3A_489 = vector.shape_cast %swap3A_488 : vector<1x16xf32> to vector<16xf32>
    %swap3A_490 = vector.shape_cast %add3A_484 : vector<16xf32> to vector<1x16xf32>
    tpu.vector_store %arg8[%swap3A_486, %swap3A_487], %swap3A_490 {strides = array<i32>} : memref<128x32xf32, #tpu.memory_space<vmem>>, vector<1x16xf32>,
    %broadcast_in_dim3A_491 = arith.constant 0.000000e+00 : f32
    %broadcast_in_dim3A_492 = vector.broadcast %broadcast_in_dim3A_491 : f32 to vector<16xf32>
    %broadcast_in_dim3A_493 = arith.constant 0.000000e+00 : f32
    %broadcast_in_dim3A_494 = vector.broadcast %broadcast_in_dim3A_493 : f32 to vector<16xf32>
    %broadcast_in_dim3A_495 = arith.constant 0.000000e+00 : f32
    %broadcast_in_dim3A_496 = vector.broadcast %broadcast_in_dim3A_495 : f32 to vector<16xf32>
    %broadcast_in_dim3A_497 = arith.constant 0.000000e+00 : f32
    %broadcast_in_dim3A_498 = vector.broadcast %broadcast_in_dim3A_497 : f32 to vector<16xf32>
    %scan3A_499 = arith.constant 0 : i32
    %scan3A_500 = arith.constant 50 : i32
    %scan3A_501 = arith.addi %scan3A_499, %scan3A_500 : i32
    %scan3A_502 = arith.constant 1 : i32
    %scan3A_503:4 = scf.for %scan3A_547 = %scan3A_499 to %scan3A_501 step %scan3A_502 iter_args(%scan3A_548 = %broadcast_in_dim3A_492, %scan3A_549 = %broadcast_in_dim3A_494, %scan3A_550 = %broadcast_in_dim3A_496, %scan3A_551 = %broadcast_in_dim3A_498) -> (vector<16xf32>, vector<16xf32>, vector<16xf32>, vector<16xf32>)  : i32 {
      %mul3A_552 = arith.constant 4 : i32
      %mul3A_553 = arith.muli %scan3A_547, %mul3A_552 : i32
      %add3A_554 = arith.constant 400 : i32
      %add3A_555 = arith.addi %add3A_554, %mul3A_553 : i32
      %get3A = arith.index_cast %add3A_555 : i32 to index
      %get3A_556 = arith.constant 0 : index
      %get3A_557 = tpu.vector_load %arg7[%get3A, %get3A_556] {strides = array<i32>} : memref<800x32xf32, #tpu.memory_space<vmem>>, vector<1x16xf32>,
      %get3A_558 = vector.shape_cast %get3A_557 : vector<1x16xf32> to vector<16xf32>
      %add3A_559 = arith.addf %scan3A_548, %get3A_558 : vector<16xf32>
      %add3A_560 = arith.constant 1 : i32
      %add3A_561 = arith.addi %add3A_555, %add3A_560 : i32
      %get3A_562 = arith.index_cast %add3A_561 : i32 to index
      %get3A_563 = arith.constant 0 : index
      %get3A_564 = tpu.vector_load %arg7[%get3A_562, %get3A_563] {strides = array<i32>} : memref<800x32xf32, #tpu.memory_space<vmem>>, vector<1x16xf32>,
      %get3A_565 = vector.shape_cast %get3A_564 : vector<1x16xf32> to vector<16xf32>
      %add3A_566 = arith.addf %add3A_559, %get3A_565 : vector<16xf32>
      %add3A_567 = arith.constant 2 : i32
      %add3A_568 = arith.addi %add3A_555, %add3A_567 : i32
      %get3A_569 = arith.index_cast %add3A_568 : i32 to index
      %get3A_570 = arith.constant 0 : index
      %get3A_571 = tpu.vector_load %arg7[%get3A_569, %get3A_570] {strides = array<i32>} : memref<800x32xf32, #tpu.memory_space<vmem>>, vector<1x16xf32>,
      %get3A_572 = vector.shape_cast %get3A_571 : vector<1x16xf32> to vector<16xf32>
      %add3A_573 = arith.addf %scan3A_549, %get3A_572 : vector<16xf32>
      %add3A_574 = arith.constant 3 : i32
      %add3A_575 = arith.addi %add3A_555, %add3A_574 : i32
      %get3A_576 = arith.index_cast %add3A_575 : i32 to index
      %get3A_577 = arith.constant 0 : index
      %get3A_578 = tpu.vector_load %arg7[%get3A_576, %get3A_577] {strides = array<i32>} : memref<800x32xf32, #tpu.memory_space<vmem>>, vector<1x16xf32>,
      %get3A_579 = vector.shape_cast %get3A_578 : vector<1x16xf32> to vector<16xf32>
      %add3A_580 = arith.addf %add3A_573, %get3A_579 : vector<16xf32>
      %get3A_581 = arith.index_cast %add3A_555 : i32 to index
      %get3A_582 = arith.constant 16 : index
      %get3A_583 = tpu.vector_load %arg7[%get3A_581, %get3A_582] {strides = array<i32>} : memref<800x32xf32, #tpu.memory_space<vmem>>, vector<1x16xf32>,
      %get3A_584 = vector.shape_cast %get3A_583 : vector<1x16xf32> to vector<16xf32>
      %add3A_585 = arith.addf %scan3A_550, %get3A_584 : vector<16xf32>
      %add3A_586 = arith.constant 1 : i32
      %add3A_587 = arith.addi %add3A_555, %add3A_586 : i32
      %get3A_588 = arith.index_cast %add3A_587 : i32 to index
      %get3A_589 = arith.constant 16 : index
      %get3A_590 = tpu.vector_load %arg7[%get3A_588, %get3A_589] {strides = array<i32>} : memref<800x32xf32, #tpu.memory_space<vmem>>, vector<1x16xf32>,
      %get3A_591 = vector.shape_cast %get3A_590 : vector<1x16xf32> to vector<16xf32>
      %add3A_592 = arith.addf %add3A_585, %get3A_591 : vector<16xf32>
      %add3A_593 = arith.constant 2 : i32
      %add3A_594 = arith.addi %add3A_555, %add3A_593 : i32
      %get3A_595 = arith.index_cast %add3A_594 : i32 to index
      %get3A_596 = arith.constant 16 : index
      %get3A_597 = tpu.vector_load %arg7[%get3A_595, %get3A_596] {strides = array<i32>} : memref<800x32xf32, #tpu.memory_space<vmem>>, vector<1x16xf32>,
      %get3A_598 = vector.shape_cast %get3A_597 : vector<1x16xf32> to vector<16xf32>
      %add3A_599 = arith.addf %scan3A_551, %get3A_598 : vector<16xf32>
      %add3A_600 = arith.constant 3 : i32
      %add3A_601 = arith.addi %add3A_555, %add3A_600 : i32
      %get3A_602 = arith.index_cast %add3A_601 : i32 to index
      %get3A_603 = arith.constant 16 : index
      %get3A_604 = tpu.vector_load %arg7[%get3A_602, %get3A_603] {strides = array<i32>} : memref<800x32xf32, #tpu.memory_space<vmem>>, vector<1x16xf32>,
      %get3A_605 = vector.shape_cast %get3A_604 : vector<1x16xf32> to vector<16xf32>
      %add3A_606 = arith.addf %add3A_599, %get3A_605 : vector<16xf32>
      scf.yield %add3A_566, %add3A_580, %add3A_592, %add3A_606 : vector<16xf32>, vector<16xf32>, vector<16xf32>, vector<16xf32>
    }
    %scan3A_504 = arith.constant 50 : i32
    %add3A_505 = arith.addf %scan3A_503#0, %scan3A_503#1 : vector<16xf32>
    %swap3A_506 = arith.constant 126 : i32
    %swap3A_507 = arith.index_cast %swap3A_506 : i32 to index
    %swap3A_508 = arith.constant 0 : index
    %swap3A_509 = tpu.vector_load %arg8[%swap3A_507, %swap3A_508] {strides = array<i32>} : memref<128x32xf32, #tpu.memory_space<vmem>>, vector<1x16xf32>,
    %swap3A_510 = vector.shape_cast %swap3A_509 : vector<1x16xf32> to vector<16xf32>
    %swap3A_511 = vector.shape_cast %add3A_505 : vector<16xf32> to vector<1x16xf32>
    tpu.vector_store %arg8[%swap3A_507, %swap3A_508], %swap3A_511 {strides = array<i32>} : memref<128x32xf32, #tpu.memory_space<vmem>>, vector<1x16xf32>,
    %add3A_512 = arith.addf %scan3A_503#2, %scan3A_503#3 : vector<16xf32>
    %swap3A_513 = arith.constant 126 : i32
    %swap3A_514 = arith.index_cast %swap3A_513 : i32 to index
    %swap3A_515 = arith.constant 16 : index
    %swap3A_516 = tpu.vector_load %arg8[%swap3A_514, %swap3A_515] {strides = array<i32>} : memref<128x32xf32, #tpu.memory_space<vmem>>, vector<1x16xf32>,
    %swap3A_517 = vector.shape_cast %swap3A_516 : vector<1x16xf32> to vector<16xf32>
    %swap3A_518 = vector.shape_cast %add3A_512 : vector<16xf32> to vector<1x16xf32>
    tpu.vector_store %arg8[%swap3A_514, %swap3A_515], %swap3A_518 {strides = array<i32>} : memref<128x32xf32, #tpu.memory_space<vmem>>, vector<1x16xf32>,
    %broadcast_in_dim3A_519 = arith.constant 0.000000e+00 : f32
    %broadcast_in_dim3A_520 = vector.broadcast %broadcast_in_dim3A_519 : f32 to vector<16xf32>
    %broadcast_in_dim3A_521 = arith.constant 0.000000e+00 : f32
    %broadcast_in_dim3A_522 = vector.broadcast %broadcast_in_dim3A_521 : f32 to vector<16xf32>
    %broadcast_in_dim3A_523 = arith.constant 0.000000e+00 : f32
    %broadcast_in_dim3A_524 = vector.broadcast %broadcast_in_dim3A_523 : f32 to vector<16xf32>
    %broadcast_in_dim3A_525 = arith.constant 0.000000e+00 : f32
    %broadcast_in_dim3A_526 = vector.broadcast %broadcast_in_dim3A_525 : f32 to vector<16xf32>
    %scan3A_527 = arith.constant 0 : i32
    %scan3A_528 = arith.constant 50 : i32
    %scan3A_529 = arith.addi %scan3A_527, %scan3A_528 : i32
    %scan3A_530 = arith.constant 1 : i32
    %scan3A_531:4 = scf.for %scan3A_547 = %scan3A_527 to %scan3A_529 step %scan3A_530 iter_args(%scan3A_548 = %broadcast_in_dim3A_520, %scan3A_549 = %broadcast_in_dim3A_522, %scan3A_550 = %broadcast_in_dim3A_524, %scan3A_551 = %broadcast_in_dim3A_526) -> (vector<16xf32>, vector<16xf32>, vector<16xf32>, vector<16xf32>)  : i32 {
      %mul3A_552 = arith.constant 4 : i32
      %mul3A_553 = arith.muli %scan3A_547, %mul3A_552 : i32
      %add3A_554 = arith.constant 600 : i32
      %add3A_555 = arith.addi %add3A_554, %mul3A_553 : i32
      %get3A = arith.index_cast %add3A_555 : i32 to index
      %get3A_556 = arith.constant 0 : index
      %get3A_557 = tpu.vector_load %arg7[%get3A, %get3A_556] {strides = array<i32>} : memref<800x32xf32, #tpu.memory_space<vmem>>, vector<1x16xf32>,
      %get3A_558 = vector.shape_cast %get3A_557 : vector<1x16xf32> to vector<16xf32>
      %add3A_559 = arith.addf %scan3A_548, %get3A_558 : vector<16xf32>
      %add3A_560 = arith.constant 1 : i32
      %add3A_561 = arith.addi %add3A_555, %add3A_560 : i32
      %get3A_562 = arith.index_cast %add3A_561 : i32 to index
      %get3A_563 = arith.constant 0 : index
      %get3A_564 = tpu.vector_load %arg7[%get3A_562, %get3A_563] {strides = array<i32>} : memref<800x32xf32, #tpu.memory_space<vmem>>, vector<1x16xf32>,
      %get3A_565 = vector.shape_cast %get3A_564 : vector<1x16xf32> to vector<16xf32>
      %add3A_566 = arith.addf %add3A_559, %get3A_565 : vector<16xf32>
      %add3A_567 = arith.constant 2 : i32
      %add3A_568 = arith.addi %add3A_555, %add3A_567 : i32
      %get3A_569 = arith.index_cast %add3A_568 : i32 to index
      %get3A_570 = arith.constant 0 : index
      %get3A_571 = tpu.vector_load %arg7[%get3A_569, %get3A_570] {strides = array<i32>} : memref<800x32xf32, #tpu.memory_space<vmem>>, vector<1x16xf32>,
      %get3A_572 = vector.shape_cast %get3A_571 : vector<1x16xf32> to vector<16xf32>
      %add3A_573 = arith.addf %scan3A_549, %get3A_572 : vector<16xf32>
      %add3A_574 = arith.constant 3 : i32
      %add3A_575 = arith.addi %add3A_555, %add3A_574 : i32
      %get3A_576 = arith.index_cast %add3A_575 : i32 to index
      %get3A_577 = arith.constant 0 : index
      %get3A_578 = tpu.vector_load %arg7[%get3A_576, %get3A_577] {strides = array<i32>} : memref<800x32xf32, #tpu.memory_space<vmem>>, vector<1x16xf32>,
      %get3A_579 = vector.shape_cast %get3A_578 : vector<1x16xf32> to vector<16xf32>
      %add3A_580 = arith.addf %add3A_573, %get3A_579 : vector<16xf32>
      %get3A_581 = arith.index_cast %add3A_555 : i32 to index
      %get3A_582 = arith.constant 16 : index
      %get3A_583 = tpu.vector_load %arg7[%get3A_581, %get3A_582] {strides = array<i32>} : memref<800x32xf32, #tpu.memory_space<vmem>>, vector<1x16xf32>,
      %get3A_584 = vector.shape_cast %get3A_583 : vector<1x16xf32> to vector<16xf32>
      %add3A_585 = arith.addf %scan3A_550, %get3A_584 : vector<16xf32>
      %add3A_586 = arith.constant 1 : i32
      %add3A_587 = arith.addi %add3A_555, %add3A_586 : i32
      %get3A_588 = arith.index_cast %add3A_587 : i32 to index
      %get3A_589 = arith.constant 16 : index
      %get3A_590 = tpu.vector_load %arg7[%get3A_588, %get3A_589] {strides = array<i32>} : memref<800x32xf32, #tpu.memory_space<vmem>>, vector<1x16xf32>,
      %get3A_591 = vector.shape_cast %get3A_590 : vector<1x16xf32> to vector<16xf32>
      %add3A_592 = arith.addf %add3A_585, %get3A_591 : vector<16xf32>
      %add3A_593 = arith.constant 2 : i32
      %add3A_594 = arith.addi %add3A_555, %add3A_593 : i32
      %get3A_595 = arith.index_cast %add3A_594 : i32 to index
      %get3A_596 = arith.constant 16 : index
      %get3A_597 = tpu.vector_load %arg7[%get3A_595, %get3A_596] {strides = array<i32>} : memref<800x32xf32, #tpu.memory_space<vmem>>, vector<1x16xf32>,
      %get3A_598 = vector.shape_cast %get3A_597 : vector<1x16xf32> to vector<16xf32>
      %add3A_599 = arith.addf %scan3A_551, %get3A_598 : vector<16xf32>
      %add3A_600 = arith.constant 3 : i32
      %add3A_601 = arith.addi %add3A_555, %add3A_600 : i32
      %get3A_602 = arith.index_cast %add3A_601 : i32 to index
      %get3A_603 = arith.constant 16 : index
      %get3A_604 = tpu.vector_load %arg7[%get3A_602, %get3A_603] {strides = array<i32>} : memref<800x32xf32, #tpu.memory_space<vmem>>, vector<1x16xf32>,
      %get3A_605 = vector.shape_cast %get3A_604 : vector<1x16xf32> to vector<16xf32>
      %add3A_606 = arith.addf %add3A_599, %get3A_605 : vector<16xf32>
      scf.yield %add3A_566, %add3A_580, %add3A_592, %add3A_606 : vector<16xf32>, vector<16xf32>, vector<16xf32>, vector<16xf32>
    }
    %scan3A_532 = arith.constant 50 : i32
    %add3A_533 = arith.addf %scan3A_531#0, %scan3A_531#1 : vector<16xf32>
    %swap3A_534 = arith.constant 127 : i32
    %swap3A_535 = arith.index_cast %swap3A_534 : i32 to index
    %swap3A_536 = arith.constant 0 : index
    %swap3A_537 = tpu.vector_load %arg8[%swap3A_535, %swap3A_536] {strides = array<i32>} : memref<128x32xf32, #tpu.memory_space<vmem>>, vector<1x16xf32>,
    %swap3A_538 = vector.shape_cast %swap3A_537 : vector<1x16xf32> to vector<16xf32>
    %swap3A_539 = vector.shape_cast %add3A_533 : vector<16xf32> to vector<1x16xf32>
    tpu.vector_store %arg8[%swap3A_535, %swap3A_536], %swap3A_539 {strides = array<i32>} : memref<128x32xf32, #tpu.memory_space<vmem>>, vector<1x16xf32>,
    %add3A_540 = arith.addf %scan3A_531#2, %scan3A_531#3 : vector<16xf32>
    %swap3A_541 = arith.constant 127 : i32
    %swap3A_542 = arith.index_cast %swap3A_541 : i32 to index
    %swap3A_543 = arith.constant 16 : index
    %swap3A_544 = tpu.vector_load %arg8[%swap3A_542, %swap3A_543] {strides = array<i32>} : memref<128x32xf32, #tpu.memory_space<vmem>>, vector<1x16xf32>,
    %swap3A_545 = vector.shape_cast %swap3A_544 : vector<1x16xf32> to vector<16xf32>
    %swap3A_546 = vector.shape_cast %add3A_540 : vector<16xf32> to vector<1x16xf32>
    tpu.vector_store %arg8[%swap3A_542, %swap3A_543], %swap3A_546 {strides = array<i32>} : memref<128x32xf32, #tpu.memory_space<vmem>>, vector<1x16xf32>,
    "tpu.region"() ({
      %run_scoped3A = tpu.sem_alloc : memref<!tpu.dma_semaphore, #tpu.memory_space<semaphore_mem>>
      %dma_start3A_547 = arith.constant 0 : i32
      %dma_start3A_548 = tpu.memref_slice %arg4[%mul3A_2, %dma_start3A_547] : memref<4096x32xf32, #tpu.memory_space<hbm>> -> memref<128x32xf32, #tpu.memory_space<hbm>>
      %dma_start3A_549 = arith.constant 0 : i32
      %dma_start3A_550 = tpu.memref_slice %arg4[%mul3A_2, %dma_start3A_549] : memref<4096x32xf32, #tpu.memory_space<hbm>> -> memref<128x32xf32, #tpu.memory_space<hbm>>
      tpu.enqueue_dma source(%arg8 : memref<128x32xf32, #tpu.memory_space<vmem>>) target(%dma_start3A_550 : memref<128x32xf32, #tpu.memory_space<hbm>>) target_semaphore(%run_scoped3A : memref<!tpu.dma_semaphore, #tpu.memory_space<semaphore_mem>>)
      %dma_wait3A_551 = arith.constant 0 : i32
      %dma_wait3A_552 = tpu.memref_slice %arg4[%mul3A_2, %dma_wait3A_551] : memref<4096x32xf32, #tpu.memory_space<hbm>> -> memref<128x32xf32, #tpu.memory_space<hbm>>
      %dma_wait3A_553 = arith.constant 0 : i32
      %dma_wait3A_554 = tpu.memref_slice %arg4[%mul3A_2, %dma_wait3A_553] : memref<4096x32xf32, #tpu.memory_space<hbm>> -> memref<128x32xf32, #tpu.memory_space<hbm>>
      tpu.wait_dma2 semaphore(%run_scoped3A : memref<!tpu.dma_semaphore, #tpu.memory_space<semaphore_mem>>) src(%arg8 : memref<128x32xf32, #tpu.memory_space<vmem>>) dst(%dma_wait3A_554 : memref<128x32xf32, #tpu.memory_space<hbm>>)
      tpu.yield
    }) : () -> ()
    return
  }
}

module attributes {stable_mosaic.version = 14 : i64} {
  func.func @body(%arg0: memref<4096x32xf32, #tpu.memory_space<vmem>>, %arg1: memref<32x64xf32, #tpu.memory_space<vmem>>, %arg2: memref<1x64xf32, #tpu.memory_space<vmem>>, %arg3: memref<64x1xf32, #tpu.memory_space<vmem>>, %arg4: memref<1x1xf32, #tpu.memory_space<vmem>>, %arg5: memref<4096x1xf32, #tpu.memory_space<vmem>>) attributes {dimension_semantics = [], scalar_prefetch = 0 : i64, scratch_operands = 0 : i64, tpu.core_type = #tpu.core_type<tc>} {
    %get3A = arith.constant 0 : index
    %get3A_0 = arith.constant 0 : index
    %get3A_1 = vector.load %arg0[%get3A, %get3A_0] : memref<4096x32xf32, #tpu.memory_space<vmem>>, vector<4096x32xf32>
    %mul3A = arith.constant 5.000000e-03 : f32
    %mul3A_2 = vector.broadcast %mul3A : f32 to vector<4096x32xf32>
    %mul3A_3 = arith.mulf %get3A_1, %mul3A_2 : vector<4096x32xf32>
    %get3A_4 = arith.constant 0 : index
    %get3A_5 = arith.constant 0 : index
    %get3A_6 = vector.load %arg1[%get3A_4, %get3A_5] : memref<32x64xf32, #tpu.memory_space<vmem>>, vector<32x64xf32>
    %dot_general3A = arith.constant dense<0.000000e+00> : vector<4096x64xf32>
    %dot_general3A_7 = tpu.matmul %mul3A_3, %get3A_6, %dot_general3A {dimension_numbers = #tpu.dot_dimension_numbers<[1], [0], [0], [1], [0, 0, 1, 1], [], []>, transpose_lhs_hint = false} : vector<4096x32xf32>, vector<32x64xf32>, vector<4096x64xf32> -> vector<4096x64xf32>
    %get3A_8 = arith.constant 0 : index
    %get3A_9 = arith.constant 0 : index
    %get3A_10 = vector.load %arg2[%get3A_8, %get3A_9] : memref<1x64xf32, #tpu.memory_space<vmem>>, vector<1x64xf32>
    %add3A = vector.broadcast %get3A_10 : vector<1x64xf32> to vector<4096x64xf32>
    %add3A_11 = arith.addf %dot_general3A_7, %add3A : vector<4096x64xf32>
    %max3A = arith.constant 0.000000e+00 : f32
    %max3A_12 = vector.broadcast %max3A : f32 to vector<4096x64xf32>
    %max3A_13 = arith.maximumf %add3A_11, %max3A_12 : vector<4096x64xf32>
    %get3A_14 = arith.constant 0 : index
    %get3A_15 = arith.constant 0 : index
    %get3A_16 = vector.load %arg3[%get3A_14, %get3A_15] : memref<64x1xf32, #tpu.memory_space<vmem>>, vector<64x1xf32>
    %dot_general3A_17 = arith.constant dense<0.000000e+00> : vector<4096x1xf32>
    %dot_general3A_18 = tpu.matmul %max3A_13, %get3A_16, %dot_general3A_17 {dimension_numbers = #tpu.dot_dimension_numbers<[1], [0], [0], [1], [0, 0, 1, 1], [], []>, transpose_lhs_hint = false} : vector<4096x64xf32>, vector<64x1xf32>, vector<4096x1xf32> -> vector<4096x1xf32>
    %get3A_19 = arith.constant 0 : index
    %get3A_20 = arith.constant 0 : index
    %get3A_21 = vector.load %arg4[%get3A_19, %get3A_20] : memref<1x1xf32, #tpu.memory_space<vmem>>, vector<1x1xf32>
    %add3A_22 = vector.broadcast %get3A_21 : vector<1x1xf32> to vector<4096x1xf32>
    %add3A_23 = arith.addf %dot_general3A_18, %add3A_22 : vector<4096x1xf32>
    %neg3A = arith.constant 0.000000e+00 : f32
    %neg3A_24 = vector.broadcast %neg3A : f32 to vector<4096x1xf32>
    %neg3A_25 = arith.subf %neg3A_24, %add3A_23 : vector<4096x1xf32>
    %exp3A = math.exp %neg3A_25 : vector<4096x1xf32>
    %add3A_26 = arith.constant 1.000000e+00 : f32
    %add3A_27 = vector.broadcast %add3A_26 : f32 to vector<4096x1xf32>
    %add3A_28 = arith.addf %add3A_27, %exp3A : vector<4096x1xf32>
    %div3A = arith.constant 1.000000e+00 : f32
    %div3A_29 = vector.broadcast %div3A : f32 to vector<4096x1xf32>
    %div3A_30 = arith.divf %div3A_29, %add3A_28 : vector<4096x1xf32>
    %swap3A = arith.constant 0 : index
    %swap3A_31 = arith.constant 0 : index
    %swap3A_32 = vector.load %arg5[%swap3A, %swap3A_31] : memref<4096x1xf32, #tpu.memory_space<vmem>>, vector<4096x1xf32>
    tpu.vector_store %arg5[%swap3A, %swap3A_31], %div3A_30 {strides = array<i32>} : memref<4096x1xf32, #tpu.memory_space<vmem>>, vector<4096x1xf32>,
    return
  }
}

</mosaic_0001>

<sc_bundles>
// kernel: kernel.4.cloned.1.call-start
scs
__scs_entry_jumppad:
0x0: {  	(pc) =	sbr.rel $0x88, $3  }
0x1: {  	(tag) =	ssettag $0x0;
	lr =	simm.s32 $0x1  }
0x2: {  	[smem:$0x3F9B] =	sst lr;
	_ =	strace $0xD0000000  }
0x3: {  	_ = 	snop  }
0x4: {  	_ = 	snop  }
0x5: {  	_ = 	snop  }
0x6: {  	_ = 	snop  }
0x7: {  	_ = 	snop  }
__scs_overlays_trampoline_lowered:
0x8: {  	[smem:$0x3FAA] =	sst s0  }
0x9: {  	[smem:$0x3FAB] =	sst s1  }
0xa: {  	[smem:$0x3FAC] =	sst s2  }
0xb: {  	[smem:$0x3FAD] =	sst s3  }
0xc: {  	[smem:$0x3FAE] =	sst s4  }
0xd: {  	[smem:$0x3FAF] =	sst s5  }
0xe: {  	[smem:$0x3FB0] =	sst s6  }
0xf: {  	[smem:$0x3FB1] =	sst s7  }
0x10: {  	[smem:$0x3FB2] =	sst s8  }
0x11: {  	[smem:$0x3FB3] =	sst s9;
	s0 =	simm.s32 @!p0 $0x0  }
0x12: {  	s1 =	sld [smem:$0x3F99];
	s0 =	simm.s32 @p0 $0x1  }
0x13: {  	[smem:$0x3FB4] =	sst s0;
	s0 =	simm.s32 @!p1 $0x0  }
0x14: {  	s2 =	sld [smem:$0x3F98];
	s0 =	simm.s32 @p1 $0x1  }
0x15: {  	[smem:$0x3FB5] =	sst s0;
	s0 =	simm.s32 @!p2 $0x0  }
0x16: {  	s3 =	sld [smem:$0x3FDB];
	s0 =	simm.s32 @p2 $0x1  }
0x17: {  	s4 =	simm.s32 $0x1BF5;
	[smem:$0x3FB7] =	sst s0  }
0x18: {  	s0 =	sld [smem:$0x3F9A];
	_ =	swait.ge [sflag:s4], $0x0  }
0x19: {  	s7 =	sld [smem:$0x3F9B]  }
0x1a: {  	s8 =	sadd.s32 $0xFFFFE003, lr  }
0x1b: {  	s9 =	sadd.s32 $0xFFFFFEF7, lr;
	s5 =	simm.s32 $0xFFFFFFFF;
	p2 =	slt.u32 s8, $0xFFFFF086  }
0x1c: {  	p1 =	slt.u32 s9, $0xF7A;
	s5 =	simm.s32 @!p2 $0x0  }
0x1d: {  	s5 =	simm.s32 @p1 $0x1;
	p0 =	seq.s32 s7, s2  }
0x1e: {  	s7 =	smul.u32 @!p0 $0xF7A, s2;
	p2 =	seq.s32 @!p0 s5, $0x0  }
0x1f: {  	s9 =	smul.u32 $0xF7A, s1;
	s8 =	simm.s32 @!p0 $0x1BF5;
	p2 =	por !p2, p0  }
0x20: {  	[sflag:s8] =	ssyncset.s32 @!p0 $0xFFFFF086;
	s6 =	sadd.s32 @!p0 s3, s7;
	s7 =	simm.s32 @!p0 $0x108  }
0x21: {  	s3 =	sadd.s32 s3, s9;
	s6 =	sadd.s32 @!p0 $0x88, s6;
	s7 =	simm.s32 @p2 $0x1082  }
0x22: {  	[simem:s7], [sflag:s8] =	dma.local @!p0 [hbm:s6], $0xF7A  }
0x23: {  	s9 =	sor.u32 $0xD0000000, s2;
	s6 =	simm.s32 $0x108;
	_ =	swait.ge @!p0 [sflag:s8], $0x0  }
0x24: {  	s3 =	sadd.s32 $0x88, s3;
	s6 =	simm.s32 @!p1 $0x1082;
	[sflag:s4] =	ssyncset.s32 $0xFFFFF086  }
0x25: {  	[simem:s6], [sflag:s4] =	dma.local [hbm:s3], $0xF7A  }
0x26: {  	[smem:$0x3F9B] =	sst s1;
	(tag) =	ssettag s2;
	_ =	strace s9  }
0x27: {  	s1 =	sld [smem:$0x3FAB]  }
0x28: {  	s2 =	sld [smem:$0x3FAC]  }
0x29: {  	s4 =	sld [smem:$0x3FAE]  }
0x2a: {  	p0 =	seq.s32 s5, $0x0;
	s5 =	sld [smem:$0x3FAF]  }
0x2b: {  	s6 =	sld [smem:$0x3FB0]  }
0x2c: {  	s7 =	sld [smem:$0x3FB1]  }
0x2d: {  	s3 =	simm.s32 $0x108;
	s8 =	sld [smem:$0x3FB2]  }
0x2e: {  	s3 =	simm.s32 @!p0 $0x1082;
	s9 =	sld [smem:$0x3FB3]  }
0x2f: {  	lr =	sadd.s32 s0, s3;
	s0 =	sld [smem:$0x3FAA]  }
0x30: {  	s3 =	sld [smem:$0x3FAD]  }
0x31: {  	[smem:$0x3FB6] =	sst s10  }
0x32: {  	s10 =	sld [smem:$0x3FB4];
	_ =	sdelay $0x3  }
0x33: {  	p0 =	seq.s32 s10, $0x1;
	s10 =	sld [smem:$0x3FB6];
	_ =	sdelay $0x3  }
0x34: {  	[smem:$0x3FB6] =	sst s10  }
0x35: {  	s10 =	sld [smem:$0x3FB5];
	_ =	sdelay $0x3  }
0x36: {  	p1 =	seq.s32 s10, $0x1;
	s10 =	sld [smem:$0x3FB6];
	_ =	sdelay $0x3  }
0x37: {  	[smem:$0x3FB6] =	sst s10  }
0x38: {  	s10 =	sld [smem:$0x3FB7]  }
0x39: {  	_ = 	snop;
	(pc) =	sbr.ind lr, $3  }
0x3a: {  	_ = 	snop  }
0x3b: {  	_ = 	snop  }
0x3c: {  	p2 =	seq.s32 s10, $0x1;
	s10 =	sld [smem:$0x3FB6]  }
0x3d: {  	_ =	shalt  }
0x3e: {  	_ =	shalt  }
0x3f: {  	_ =	shalt  }
0x40: {  	_ =	shalt  }
0x41: {  	_ =	shalt  }
0x42: {  	_ =	shalt  }
0x43: {  	_ =	shalt  }
0x44: {  	_ =	shalt  }
0x45: {  	_ =	shalt  }
0x46: {  	_ =	shalt  }
0x47: {  	_ =	shalt  }
0x48: {  	_ =	shalt  }
0x49: {  	_ =	shalt  }
0x4a: {  	_ =	shalt  }
0x4b: {  	_ =	shalt  }
0x4c: {  	_ =	shalt  }
0x4d: {  	_ =	shalt  }
0x4e: {  	_ =	shalt  }
0x4f: {  	_ =	shalt  }
0x50: {  	_ =	shalt  }
0x51: {  	_ =	shalt  }
0x52: {  	_ =	shalt  }
0x53: {  	_ =	shalt  }
0x54: {  	_ =	shalt  }
0x55: {  	_ =	shalt  }
0x56: {  	_ =	shalt  }
0x57: {  	_ =	shalt  }
0x58: {  	_ =	shalt  }
0x59: {  	_ =	shalt  }
0x5a: {  	_ =	shalt  }
0x5b: {  	_ =	shalt  }
0x5c: {  	_ =	shalt  }
0x5d: {  	_ =	shalt  }
0x5e: {  	_ =	shalt  }
0x5f: {  	_ =	shalt  }
0x60: {  	_ =	shalt  }
0x61: {  	_ =	shalt  }
0x62: {  	_ =	shalt  }
0x63: {  	_ =	shalt  }
0x64: {  	_ =	shalt  }
0x65: {  	_ =	shalt  }
0x66: {  	_ =	shalt  }
0x67: {  	_ =	shalt  }
0x68: {  	_ =	shalt  }
0x69: {  	_ =	shalt  }
0x6a: {  	_ =	shalt  }
0x6b: {  	_ =	shalt  }
0x6c: {  	_ =	shalt  }
0x6d: {  	_ =	shalt  }
0x6e: {  	_ =	shalt  }
0x6f: {  	_ =	shalt  }
0x70: {  	_ =	shalt  }
0x71: {  	_ =	shalt  }
0x72: {  	_ =	shalt  }
0x73: {  	_ =	shalt  }
0x74: {  	_ =	shalt  }
0x75: {  	_ =	shalt  }
0x76: {  	_ =	shalt  }
0x77: {  	_ =	shalt  }
0x78: {  	_ =	shalt  }
0x79: {  	_ =	shalt  }
0x7a: {  	_ =	shalt  }
0x7b: {  	_ =	shalt  }
0x7c: {  	_ =	shalt  }
0x7d: {  	_ =	shalt  }
0x7e: {  	_ =	shalt  }
0x7f: {  	_ =	shalt  }
0x80: {  	_ =	shalt  }
0x81: {  	_ =	shalt  }
0x82: {  	_ =	shalt  }
0x83: {  	_ =	shalt  }
0x84: {  	_ =	shalt  }
0x85: {  	_ =	shalt  }
0x86: {  	_ =	shalt  }
0x87: {  	_ =	shalt  }
.Lfunc_end0:
.L_simem_size_0:
called_computation_lowered:
.L_overlay_start_0:
0x88: {  	s2 =	sld [smem:$0x3FD9]  }
0x89: {  	s3 =	sld [smem:$0x3FFE];
	_ =	sdelay $0x1  }
0x8a: {  	s1 =	srdreg.scid  }
0x8b: {  	s0 =	sand.u32 $0x1, s1  }
0x8c: {  	s16 =	sshll.u32 s0, $0xA;
	s2 =	sadd.s32 s3, s2  }
0x8d: {  	s2 =	sadd.s32 s2, s16  }
0x8e: {  	[smem:$0x3FC2] =	sst s2  }
0x8f: {  	_ = 	snop  }
0x90: {  	(tm) =	ssettm $0x1  }
0x91: {  	s17 =	sld [smem:$0x3FFB];
	_ =	sdelay $0x3  }
0x92: {  	_ =	strace s17  }
0x93: {  	s2 =	sld [smem:$0x3FFC];
	_ =	sdelay $0x3  }
0x94: {  	_ =	strace s2  }
0x95: {  	s2 =	sld [smem:$0x3FFD];
	_ =	sdelay $0x3  }
0x96: {  	_ =	strace s2  }
0x97: {  	_ =	strace $0x8FFFFFFF  }
0x98: {  	s18 =	sld [smem:$0x3FDB];
	_ =	sdelay $0x1  }
0x99: {  	s19 =	simm.s32 $_scs_section_size  }
0x9a: {  	s4 =	simm.s32 $_size__tile_overlayer_lowered;
	s5 =	simm.s32 $_tile_overlayer_lowered  }
0x9b: {  	s22 =	simm.s32 $0x1BFF;
	s21 =	sshll.u32 s5, $0x1;
	s2 =	sadd.s32 s19, s18  }
0x9c: {  	s6 =	simm.s32 $0x0;
	s20 =	sshll.u32 s4, $0x1;
	s4 =	sadd.s32 s21, s2  }
0x9d: {  	[timem:s6], [sflag:s22] =	dma.local [hbm:s4], s20  }
0x9e: {  	_ =	swait.ge [sflag:s22], s20  }
0x9f: {  	s3 =	ssub.s32 $0x0, s20;
	[sflag:s22] =	ssyncset.done $0x0  }
0xa0: {  	[sflag:s22] =	ssyncadd.s32 s3;
	_ =	sdelay $0x1  }
0xa1: {  	s23 =	simm.s32 $0x1B8B  }
0xa2: {  	_ =	swait.ge [sflag:s23], $0x1  }
0xa3: {  	[sflag:s23] =	ssyncset.done $0x0  }
0xa4: {  	s25 =	simm.s32 $0x1B8E;
	s24 =	sld [smem:$0x3FFE];
	[sflag:s23] =	ssyncadd.s32 $0xFFFFFFFF  }
0xa5: {  	s26 =	simm.s32 $execute0_lowered;
	[smem:$0x3FD2] =	sst s25  }
0xa6: {  	s4 =	sshll.u32 s26, $0x1;
	_ =	strace $0x80000046;
	[dreg:$0x1] =	wrdreg $0xFFFFFFFF  }
0xa7: {  	s28 =	simm.s32 $_size_execute0_lowered;
	s2 =	sadd.s32 s2, s4;
	[dreg:$0x0] =	wrdreg $0x0  }
0xa8: {  	s4 =	sshll.u32 s28, $0x1;
	[dreg:$0x2] =	wrdreg s2  }
0xa9: {  	[dreg:$0x3] =	wrdreg s4  }
0xaa: {  	[dreg:$0x4] =	wrdreg $0xC0  }
0xab: {  	_ =	task [dreg:s6], $0x5FFFF  }
0xac: {  	[dreg:$0x1] =	wrdreg $0xFFFFFFFF  }
0xad: {  	[dreg:$0x0] =	wrdreg $0x60  }
0xae: {  	[dreg:$0x2] =	wrdreg s24  }
0xaf: {  	[dreg:$0x3] =	wrdreg $0x9  }
0xb0: {  	_ =	task.clear_ibuf [dreg:s6], $0x4FFFF;
	_ =	strace $0x90000046  }
0xb1: {  	s29 =	simm.s32 $0x9;
	_ =	strace $0x80000048  }
0xb2: {  	_ =	swait.ge [sflag:s29], $0x1  }
0xb3: {  	[sflag:s29] =	ssyncadd.s32 $0xFFFFFFFF  }
0xb4: {  	_ =	strace $0x90000048  }
0xb5: {  	_ =	sfence  }
0xb6: {  	s30 =	sld [smem:$0x0];
	_ =	sdelay $0x2  }
0xb7: {  	s31 =	sshll.u32 s1, $0xD;
	s1 =	sshrl.u32 s1, $0x2  }
0xb8: {  	s3 =	sand.u32 $0x4000, s31;
	s1 =	sadd.s32 s1, s30  }
0xb9: {  	s0 =	sor.u32 s3, s0;
	s1 =	sshll.u32 s1, $0x11  }
0xba: {  	s0 =	sor.u32 s1, s0  }
0xbb: {  	s0 =	sadd.s32 $0x8F2B, s0  }
0xbc: {  	[sflag:s0] =	ssyncadd.remote.s32 $0x1  }
0xbd: {  	_ =	sfence.sel $0xFFFF  }
0xbe: {  	[dreg:$0x0] =	wrdreg $0xFFFFFFFF;
	(pc) =	sbr.abs _section_cstart, $3  }
0xbf: {  	[dreg:$0x1] =	wrdreg $0xFFFFFFFF  }
0xc0: {  	_ =	task.clear_ibuf [dreg:s6], $0x2FFFF;
	_ =	strace $0x9FFFFFFF  }
0xc1: {  	(tm) =	ssettm $0x7FFFFFFF  }
tec
execute0_lowered:
.L_overlay_start_1:
0x0: {  	(tag) =	ssettag $0x1  }
0x1: {  	s0 =	srdreg.scid  }
0x2: {  	s1 =	stileid.u32;
	s4 =	rddreg [dreg:$0x0];
	s6 =	simm.s32 $0x0  }
0x3: {  	s7 =	simm.s32 $0x3;
	s8 =	simm.s32 $0x80;
	s9 =	simm.s32 $0x6400  }
0x4: {  	s10 =	simm.s32 $0x48;
	s11 =	simm.s32 $0x7400;
	s13 =	simm.s32 $0x7D00  }
0x5: {  	s15 =	simm.s32 $0x8D00;
	s17 =	simm.s32 $0x9600;
	s19 =	simm.s32 $0xA600  }
0x6: {  	s21 =	simm.s32 $0xAF00;
	s23 =	simm.s32 $0xBF00;
	s24 =	simm.s32 $0xC800  }
0x7: {  	s25 =	simm.s32 $0xD800;
	s26 =	simm.s32 $0xE100;
	s28 =	simm.s32 $0xF100  }
0x8: {  	s29 =	simm.s32 $0xFA00;
	s30 =	simm.s32 $0x10A00;
	s31 =	simm.s32 $0x11300  }
0x9: {  	s12 =	simm.s32 $0x2;
	s22 =	simm.s32 $0x0;
	s0 =	sand.u32 $0x1, s0  }
0xa: {  	s1 =	sshll.u32 s1, $0x8;
	s2 =	sshll.u32 s0, $0x7;
	s0 =	ssub.s32 $0x2, s0  }
0xb: {  	[smem:$0x7FF] =	sst s6;
	s1 =	sor.u32 s2, s1;
	s5 =	sshrl.u32 s0, $0x1  }
0xc: {  	s2 =	smul.u32 $0x19, s1;
	s1 =	sshll.u32 s1, $0x2;
	s0 =	ssub.s32 s0, s5  }
0xd: {  	_ =	strace $0x80000047;
	s1 =	sadd.s32 s1, s4;
	s0 =	smax.u32 s0, $0x1  }
0xe: {  	s2 =	sadd.s32 s2, s4;
	s1 =	sadd.s32 $0x19C00, s1;
	[dreg:$0x4] =	wrdreg s0  }
0xf: {  	s3 =	sadd.s32 $0xF43000, s4;
	s2 =	sadd.s32 $0xC00, s2;
	[dreg:$0x3] =	wrdreg s1  }
0x10: {  	s0 =	simm.s32 $0x1;
	s1 =	simm.s32 $0x12300;
	[dreg:$0x2] =	wrdreg s2  }
.LBB2_1:
0x11: {  	s2 =	rddreg [dreg:$0x2]  }
0x12: {  	[tilespmem:s6], [sflag:$0x3] =	stream.linear.gather [hbm4b:s2+s6], $0x6400, $0x38;
	[tilespmem:$0x13C00] =	vst v63  }
0x13: {  	_ =	swait.ge [sflag:s7], $0x6400  }
0x14: {  	[sflag:s7] =	ssyncset.done $0x0  }
0x15: {  	[sflag:s7] =	ssyncadd.s32 $0xFFFF9C00  }
0x16: {  	[tilespmem:s9], [sflag:$0x1] =	stream.indirect.gather [hbm4b:s3+s8], $0x20, s6, s8, $0xb8;
	[tilespmem:$0x13C00] =	vst v63  }
0x17: {  	_ = 	snop  }
0x18: {  	[tilespmem:s11], [sflag:$0x1] =	stream.indirect.gather [hbm4b:s3+s10], $0x20, s8, s10, $0xb8;
	[tilespmem:$0x13C00] =	vst v63  }
0x19: {  	s5 =	simm.s32 $0xC8  }
0x1a: {  	[tilespmem:s13], [sflag:$0x1] =	stream.indirect.gather [hbm4b:s3+s8], $0x20, s5, s8, $0xb8;
	[tilespmem:$0x13C00] =	vst v63  }
0x1b: {  	s6 =	simm.s32 $0x148  }
0x1c: {  	[tilespmem:s15], [sflag:$0x1] =	stream.indirect.gather [hbm4b:s3+s10], $0x20, s6, s10, $0xb8;
	[tilespmem:$0x13C00] =	vst v63  }
0x1d: {  	s14 =	simm.s32 $0x190  }
0x1e: {  	[tilespmem:s17], [sflag:$0x1] =	stream.indirect.gather [hbm4b:s3+s8], $0x20, s14, s8, $0xb8;
	[tilespmem:$0x13C00] =	vst v63  }
0x1f: {  	s16 =	simm.s32 $0x210  }
0x20: {  	[tilespmem:s19], [sflag:$0x1] =	stream.indirect.gather [hbm4b:s3+s10], $0x20, s16, s10, $0xb8;
	[tilespmem:$0x13C00] =	vst v63  }
0x21: {  	s18 =	simm.s32 $0x258  }
0x22: {  	[tilespmem:s21], [sflag:$0x1] =	stream.indirect.gather [hbm4b:s3+s8], $0x20, s18, s8, $0xb8;
	[tilespmem:$0x13C00] =	vst v63  }
0x23: {  	s20 =	simm.s32 $0x2D8;
	s14 =	simm.s32 $0x0  }
0x24: {  	[tilespmem:s23], [sflag:$0x1] =	stream.indirect.gather [hbm4b:s3+s10], $0x20, s20, s10, $0xb8;
	[tilespmem:$0x13C00] =	vst v63  }
.LBB2_2:
0x25: {  	s2 =	sshll.u32 s14, $0x3  }
0x26: {  	s4 =	sor.u32 $0x4, s2  }
0x27: {  	s5 =	smul.u32 $0x320, s4;
	_ =	sdelay $0x1  }
0x28: {  	s20 =	sor.u32 $0x5, s2;
	s5 =	sshra.s32 s5, $0x2  }
0x29: {  	[tilespmem:s24], [sflag:$0x2] =	stream.indirect.gather [hbm4b:s3+s8], $0x20, s5, s8, $0xb8;
	[tilespmem:$0x13C00] =	vst v63  }
0x2a: {  	s6 =	smul.u32 $0x320, s20;
	s5 =	sadd.s32 $0x80, s5  }
0x2b: {  	[tilespmem:s25], [sflag:$0x2] =	stream.indirect.gather [hbm4b:s3+s10], $0x20, s5, s10, $0xb8;
	[tilespmem:$0x13C00] =	vst v63  }
0x2c: {  	s18 =	sor.u32 $0x6, s2;
	s5 =	sshra.s32 s6, $0x2  }
0x2d: {  	[tilespmem:s26], [sflag:$0x2] =	stream.indirect.gather [hbm4b:s3+s8], $0x20, s5, s8, $0xb8;
	[tilespmem:$0x13C00] =	vst v63  }
0x2e: {  	s6 =	smul.u32 $0x320, s18;
	s2 =	sadd.s32 $0x80, s5  }
0x2f: {  	[tilespmem:s28], [sflag:$0x2] =	stream.indirect.gather [hbm4b:s3+s10], $0x20, s2, s10, $0xb8;
	[tilespmem:$0x13C00] =	vst v63  }
0x30: {  	s16 =	sshllo.u32 s14, $0x3;
	s5 =	sshra.s32 s6, $0x2  }
0x31: {  	[tilespmem:s29], [sflag:$0x2] =	stream.indirect.gather [hbm4b:s3+s8], $0x20, s5, s8, $0xb8;
	[tilespmem:$0x13C00] =	vst v63  }
0x32: {  	s6 =	smul.u32 $0x320, s16;
	s2 =	sadd.s32 $0x80, s5  }
0x33: {  	[tilespmem:s30], [sflag:$0x2] =	stream.indirect.gather [hbm4b:s3+s10], $0x20, s2, s10, $0xb8;
	[tilespmem:$0x13C00] =	vst v63  }
0x34: {  	s6 =	sshra.s32 s6, $0x2  }
0x35: {  	[tilespmem:s31], [sflag:$0x2] =	stream.indirect.gather [hbm4b:s3+s8], $0x20, s6, s8, $0xb8;
	[tilespmem:$0x13C00] =	vst v63  }
0x36: {  	s2 =	sadd.s32 $0x80, s6  }
0x37: {  	[tilespmem:s1], [sflag:$0x2] =	stream.indirect.gather [hbm4b:s3+s10], $0x20, s2, s10, $0xb8;
	[tilespmem:$0x13C00] =	vst v63  }
0x38: {  	_ =	swait.ge [sflag:s0], $0x1000  }
0x39: {  	[sflag:s0] =	ssyncset.done $0x0  }
0x3a: {  	[sflag:s0] =	ssyncadd.s32 $0xFFFFF000  }
0x3b: {  	_ =	swait.ge [sflag:s0], $0x900  }
0x3c: {  	[sflag:s0] =	ssyncset.done $0x0  }
0x3d: {  	[sflag:s0] =	ssyncadd.s32 $0xFFFFF700  }
0x3e: {  	_ =	swait.ge [sflag:s0], $0x1000  }
0x3f: {  	[sflag:s0] =	ssyncset.done $0x0  }
0x40: {  	[sflag:s0] =	ssyncadd.s32 $0xFFFFF000  }
0x41: {  	_ =	swait.ge [sflag:s0], $0x900  }
0x42: {  	[sflag:s0] =	ssyncset.done $0x0  }
0x43: {  	[sflag:s0] =	ssyncadd.s32 $0xFFFFF700  }
0x44: {  	_ =	swait.ge [sflag:s0], $0x1000  }
0x45: {  	[sflag:s0] =	ssyncset.done $0x0  }
0x46: {  	[sflag:s0] =	ssyncadd.s32 $0xFFFFF000  }
0x47: {  	_ =	swait.ge [sflag:s0], $0x900  }
0x48: {  	[sflag:s0] =	ssyncset.done $0x0  }
0x49: {  	[sflag:s0] =	ssyncadd.s32 $0xFFFFF700  }
0x4a: {  	_ =	swait.ge [sflag:s0], $0x1000  }
0x4b: {  	[sflag:s0] =	ssyncset.done $0x0  }
0x4c: {  	[sflag:s0] =	ssyncadd.s32 $0xFFFFF000  }
0x4d: {  	_ =	swait.ge [sflag:s0], $0x900  }
0x4e: {  	[sflag:s0] =	ssyncset.done $0x0  }
0x4f: {  	s5 =	simm.s32 $0x0;
	[sflag:s0] =	ssyncadd.s32 $0xFFFFF700  }
0x50: {  	v1 =	vld [tilespmem:s5+$0x6420]  }
0x51: {  	v0 =	vld [tilespmem:s5+$0x6460]  }
0x52: {  	v2 =	vld [tilespmem:s5+$0x6400]  }
0x53: {  	v5 =	vimm.f32 $0.0e+00;
	v3 =	vld [tilespmem:s5+$0x6440]  }
0x54: {  	v6 =	vimm.f32 $0.0e+00;
	v7 =	vimm.f32 $0.0e+00;
	v8 =	vimm.f32 $0.0e+00;
	s6 =	simm.s32 $0x200;
	v4 =	vld [tilespmem:s5+$0x6410]  }
.LBB2_3:
0x55: {  	p0 =	sne.s32 s6, $0x6200;
	v9 =	vld [tilespmem:s5+$0x6450];
	v10 =	vmov v1  }
0x56: {  	v11 =	vld [tilespmem:s5+$0x6430];
	v12 =	vmov v0  }
0x57: {  	v13 =	vld [tilespmem:s5+$0x6470];
	s5 =	sshra.s32 s6, $0x2  }
.Ltmp0:
0x58: {  	v1 =	vld [tilespmem:s5+$0x6420];
	(pc) =	sbr.rel @p0 .LBB2_3-.Ltmp0, $4  }
0x59: {  	v5 =	vadd.f32 v2, v5;
	v6 =	vadd.f32 v3, v6;
	v0 =	vld [tilespmem:s5+$0x6460]  }
0x5a: {  	v7 =	vadd.f32 v4, v7;
	v2 =	vld [tilespmem:s5+$0x6400];
	v8 =	vadd.f32 v9, v8  }
0x5b: {  	v5 =	vadd.f32 v10, v5;
	v6 =	vadd.f32 v12, v6;
	v3 =	vld [tilespmem:s5+$0x6440]  }
0x5c: {  	s6 =	sadd.s32 $0x200, s6;
	v7 =	vadd.f32 v11, v7;
	v4 =	vld [tilespmem:s5+$0x6410];
	v8 =	vadd.f32 v13, v8  }
0x5d: {  	v9 =	vld [tilespmem:s5+$0x6450]  }
0x5e: {  	v10 =	vld [tilespmem:s5+$0x6430]  }
0x5f: {  	v11 =	vld [tilespmem:s5+$0x6470];
	_ =	sdelay $0x1  }
0x60: {  	v2 =	vadd.f32 v2, v5;
	v3 =	vadd.f32 v3, v6  }
0x61: {  	v4 =	vadd.f32 v4, v7;
	v5 =	vadd.f32 v9, v8  }
0x62: {  	v1 =	vadd.f32 v1, v2;
	v0 =	vadd.f32 v0, v3  }
0x63: {  	v2 =	vadd.f32 v10, v4;
	v3 =	vadd.f32 v11, v5  }
0x64: {  	s2 =	sshll.u32 s14, $0x8;
	v0 =	vadd.f32 v0, v1  }
0x65: {  	s5 =	sand.u32 $0x3FFFFF00, s2;
	v1 =	vadd.f32 v3, v2  }
0x66: {  	[tilespmem:s5+$0x12C00] =	vst v0  }
0x67: {  	s6 =	simm.s32 $0x0;
	[tilespmem:s5+$0x12C10] =	vst v1  }
0x68: {  	v1 =	vld [tilespmem:s6+$0x7D20]  }
0x69: {  	v0 =	vld [tilespmem:s6+$0x7D60]  }
0x6a: {  	v2 =	vld [tilespmem:s6+$0x7D00]  }
0x6b: {  	v6 =	vimm.f32 $0.0e+00;
	v3 =	vld [tilespmem:s6+$0x7D40]  }
0x6c: {  	s2 =	simm.s32 $0x200;
	v7 =	vimm.f32 $0.0e+00;
	v8 =	vimm.f32 $0.0e+00;
	v5 =	vimm.f32 $0.0e+00;
	v4 =	vld [tilespmem:s6+$0x7D10]  }
.LBB2_5:
0x6d: {  	p0 =	sne.s32 s2, $0x6200;
	v9 =	vld [tilespmem:s6+$0x7D50];
	v10 =	vmov v1  }
0x6e: {  	v11 =	vld [tilespmem:s6+$0x7D30];
	v12 =	vmov v0  }
0x6f: {  	v13 =	vld [tilespmem:s6+$0x7D70];
	s6 =	sshra.s32 s2, $0x2  }
.Ltmp1:
0x70: {  	v1 =	vld [tilespmem:s6+$0x7D20];
	(pc) =	sbr.rel @p0 .LBB2_5-.Ltmp1, $4  }
0x71: {  	v5 =	vadd.f32 v2, v5;
	v6 =	vadd.f32 v3, v6;
	v0 =	vld [tilespmem:s6+$0x7D60]  }
0x72: {  	v7 =	vadd.f32 v4, v7;
	v2 =	vld [tilespmem:s6+$0x7D00];
	v8 =	vadd.f32 v9, v8  }
0x73: {  	v5 =	vadd.f32 v10, v5;
	v6 =	vadd.f32 v12, v6;
	v3 =	vld [tilespmem:s6+$0x7D40]  }
0x74: {  	s2 =	sadd.s32 $0x200, s2;
	v7 =	vadd.f32 v11, v7;
	v4 =	vld [tilespmem:s6+$0x7D10];
	v8 =	vadd.f32 v13, v8  }
0x75: {  	v9 =	vld [tilespmem:s6+$0x7D50]  }
0x76: {  	v10 =	vld [tilespmem:s6+$0x7D30]  }
0x77: {  	v11 =	vld [tilespmem:s6+$0x7D70];
	_ =	sdelay $0x1  }
0x78: {  	v2 =	vadd.f32 v2, v5;
	v3 =	vadd.f32 v3, v6  }
0x79: {  	v4 =	vadd.f32 v4, v7;
	v5 =	vadd.f32 v9, v8  }
0x7a: {  	v1 =	vadd.f32 v1, v2;
	v0 =	vadd.f32 v0, v3  }
0x7b: {  	v2 =	vadd.f32 v10, v4;
	v3 =	vadd.f32 v11, v5  }
0x7c: {  	v0 =	vadd.f32 v0, v1  }
0x7d: {  	v1 =	vadd.f32 v3, v2  }
0x7e: {  	[tilespmem:s5+$0x12C20] =	vst v0  }
0x7f: {  	s6 =	simm.s32 $0x0;
	[tilespmem:s5+$0x12C30] =	vst v1  }
0x80: {  	v1 =	vld [tilespmem:s6+$0x9620]  }
0x81: {  	v0 =	vld [tilespmem:s6+$0x9660]  }
0x82: {  	v2 =	vld [tilespmem:s6+$0x9600]  }
0x83: {  	v6 =	vimm.f32 $0.0e+00;
	v3 =	vld [tilespmem:s6+$0x9640]  }
0x84: {  	s2 =	simm.s32 $0x200;
	v7 =	vimm.f32 $0.0e+00;
	v8 =	vimm.f32 $0.0e+00;
	v5 =	vimm.f32 $0.0e+00;
	v4 =	vld [tilespmem:s6+$0x9610]  }
.LBB2_7:
0x85: {  	p0 =	sne.s32 s2, $0x6200;
	v9 =	vld [tilespmem:s6+$0x9650];
	v10 =	vmov v1  }
0x86: {  	v11 =	vld [tilespmem:s6+$0x9630];
	v12 =	vmov v0  }
0x87: {  	v13 =	vld [tilespmem:s6+$0x9670];
	s6 =	sshra.s32 s2, $0x2  }
.Ltmp2:
0x88: {  	v1 =	vld [tilespmem:s6+$0x9620];
	(pc) =	sbr.rel @p0 .LBB2_7-.Ltmp2, $4  }
0x89: {  	v5 =	vadd.f32 v2, v5;
	v6 =	vadd.f32 v3, v6;
	v0 =	vld [tilespmem:s6+$0x9660]  }
0x8a: {  	v7 =	vadd.f32 v4, v7;
	v2 =	vld [tilespmem:s6+$0x9600];
	v8 =	vadd.f32 v9, v8  }
0x8b: {  	v5 =	vadd.f32 v10, v5;
	v6 =	vadd.f32 v12, v6;
	v3 =	vld [tilespmem:s6+$0x9640]  }
0x8c: {  	s2 =	sadd.s32 $0x200, s2;
	v7 =	vadd.f32 v11, v7;
	v4 =	vld [tilespmem:s6+$0x9610];
	v8 =	vadd.f32 v13, v8  }
0x8d: {  	v9 =	vld [tilespmem:s6+$0x9650]  }
0x8e: {  	v10 =	vld [tilespmem:s6+$0x9630]  }
0x8f: {  	v11 =	vld [tilespmem:s6+$0x9670];
	_ =	sdelay $0x1  }
0x90: {  	v2 =	vadd.f32 v2, v5;
	v3 =	vadd.f32 v3, v6  }
0x91: {  	v4 =	vadd.f32 v4, v7;
	v5 =	vadd.f32 v9, v8  }
0x92: {  	v1 =	vadd.f32 v1, v2;
	v0 =	vadd.f32 v0, v3  }
0x93: {  	v2 =	vadd.f32 v10, v4;
	v3 =	vadd.f32 v11, v5  }
0x94: {  	v0 =	vadd.f32 v0, v1  }
0x95: {  	v1 =	vadd.f32 v3, v2  }
0x96: {  	[tilespmem:s5+$0x12C40] =	vst v0  }
0x97: {  	s6 =	simm.s32 $0x0;
	[tilespmem:s5+$0x12C50] =	vst v1  }
0x98: {  	v1 =	vld [tilespmem:s6+$0xAF20]  }
0x99: {  	v0 =	vld [tilespmem:s6+$0xAF60]  }
0x9a: {  	v2 =	vld [tilespmem:s6+$0xAF00]  }
0x9b: {  	v6 =	vimm.f32 $0.0e+00;
	v3 =	vld [tilespmem:s6+$0xAF40]  }
0x9c: {  	s2 =	simm.s32 $0x200;
	v7 =	vimm.f32 $0.0e+00;
	v8 =	vimm.f32 $0.0e+00;
	v5 =	vimm.f32 $0.0e+00;
	v4 =	vld [tilespmem:s6+$0xAF10]  }
.LBB2_9:
0x9d: {  	p0 =	sne.s32 s2, $0x6200;
	v9 =	vld [tilespmem:s6+$0xAF50];
	v10 =	vmov v1  }
0x9e: {  	v11 =	vld [tilespmem:s6+$0xAF30];
	v12 =	vmov v0  }
0x9f: {  	v13 =	vld [tilespmem:s6+$0xAF70];
	s6 =	sshra.s32 s2, $0x2  }
.Ltmp3:
0xa0: {  	v1 =	vld [tilespmem:s6+$0xAF20];
	(pc) =	sbr.rel @p0 .LBB2_9-.Ltmp3, $4  }
0xa1: {  	v5 =	vadd.f32 v2, v5;
	v6 =	vadd.f32 v3, v6;
	v0 =	vld [tilespmem:s6+$0xAF60]  }
0xa2: {  	v7 =	vadd.f32 v4, v7;
	v2 =	vld [tilespmem:s6+$0xAF00];
	v8 =	vadd.f32 v9, v8  }
0xa3: {  	v5 =	vadd.f32 v10, v5;
	v6 =	vadd.f32 v12, v6;
	v3 =	vld [tilespmem:s6+$0xAF40]  }
0xa4: {  	s2 =	sadd.s32 $0x200, s2;
	v7 =	vadd.f32 v11, v7;
	v4 =	vld [tilespmem:s6+$0xAF10];
	v8 =	vadd.f32 v13, v8  }
0xa5: {  	v9 =	vld [tilespmem:s6+$0xAF50]  }
0xa6: {  	v10 =	vld [tilespmem:s6+$0xAF30]  }
0xa7: {  	v11 =	vld [tilespmem:s6+$0xAF70];
	_ =	sdelay $0x1  }
0xa8: {  	v2 =	vadd.f32 v2, v5;
	v3 =	vadd.f32 v3, v6  }
0xa9: {  	v4 =	vadd.f32 v4, v7;
	v5 =	vadd.f32 v9, v8  }
0xaa: {  	v1 =	vadd.f32 v1, v2;
	v0 =	vadd.f32 v0, v3  }
0xab: {  	v2 =	vadd.f32 v10, v4;
	v3 =	vadd.f32 v11, v5  }
0xac: {  	s2 =	smul.u32 $0x1900, s14;
	v0 =	vadd.f32 v0, v1  }
0xad: {  	v1 =	vadd.f32 v3, v2  }
0xae: {  	s2 =	sshra.s32 s2, $0x2;
	[tilespmem:s5+$0x12C60] =	vst v0  }
0xaf: {  	s6 =	sadd.s32 $0x640, s2;
	[tilespmem:s5+$0x12C70] =	vst v1  }
0xb0: {  	[tilespmem:s9], [sflag:$0x1] =	stream.indirect.gather [hbm4b:s3+s8], $0x20, s6, s8, $0xb8;
	[tilespmem:$0x13C00] =	vst v63  }
0xb1: {  	s6 =	sadd.s32 $0x6C0, s2  }
0xb2: {  	[tilespmem:s11], [sflag:$0x1] =	stream.indirect.gather [hbm4b:s3+s10], $0x20, s6, s10, $0xb8;
	[tilespmem:$0x13C00] =	vst v63  }
0xb3: {  	s6 =	sadd.s32 $0x708, s2  }
0xb4: {  	[tilespmem:s13], [sflag:$0x1] =	stream.indirect.gather [hbm4b:s3+s8], $0x20, s6, s8, $0xb8;
	[tilespmem:$0x13C00] =	vst v63  }
0xb5: {  	s6 =	sadd.s32 $0x788, s2  }
0xb6: {  	[tilespmem:s15], [sflag:$0x1] =	stream.indirect.gather [hbm4b:s3+s10], $0x20, s6, s10, $0xb8;
	[tilespmem:$0x13C00] =	vst v63  }
0xb7: {  	s6 =	sadd.s32 $0x7D0, s2  }
0xb8: {  	[tilespmem:s17], [sflag:$0x1] =	stream.indirect.gather [hbm4b:s3+s8], $0x20, s6, s8, $0xb8;
	[tilespmem:$0x13C00] =	vst v63  }
0xb9: {  	s6 =	sadd.s32 $0x850, s2  }
0xba: {  	[tilespmem:s19], [sflag:$0x1] =	stream.indirect.gather [hbm4b:s3+s10], $0x20, s6, s10, $0xb8;
	[tilespmem:$0x13C00] =	vst v63  }
0xbb: {  	s6 =	sadd.s32 $0x898, s2  }
0xbc: {  	[tilespmem:s21], [sflag:$0x1] =	stream.indirect.gather [hbm4b:s3+s8], $0x20, s6, s8, $0xb8;
	[tilespmem:$0x13C00] =	vst v63  }
0xbd: {  	s2 =	sadd.s32 $0x918, s2  }
0xbe: {  	[tilespmem:s23], [sflag:$0x1] =	stream.indirect.gather [hbm4b:s3+s10], $0x20, s2, s10, $0xb8;
	[tilespmem:$0x13C00] =	vst v63  }
0xbf: {  	_ =	swait.ge [sflag:s12], $0x1000  }
0xc0: {  	[sflag:s12] =	ssyncset.done $0x0  }
0xc1: {  	[sflag:s12] =	ssyncadd.s32 $0xFFFFF000  }
0xc2: {  	_ =	swait.ge [sflag:s12], $0x900  }
0xc3: {  	[sflag:s12] =	ssyncset.done $0x0  }
0xc4: {  	[sflag:s12] =	ssyncadd.s32 $0xFFFFF700  }
0xc5: {  	_ =	swait.ge [sflag:s12], $0x1000  }
0xc6: {  	[sflag:s12] =	ssyncset.done $0x0  }
0xc7: {  	[sflag:s12] =	ssyncadd.s32 $0xFFFFF000  }
0xc8: {  	_ =	swait.ge [sflag:s12], $0x900  }
0xc9: {  	[sflag:s12] =	ssyncset.done $0x0  }
0xca: {  	[sflag:s12] =	ssyncadd.s32 $0xFFFFF700  }
0xcb: {  	_ =	swait.ge [sflag:s12], $0x1000  }
0xcc: {  	[sflag:s12] =	ssyncset.done $0x0  }
0xcd: {  	[sflag:s12] =	ssyncadd.s32 $0xFFFFF000  }
0xce: {  	_ =	swait.ge [sflag:s12], $0x900  }
0xcf: {  	[sflag:s12] =	ssyncset.done $0x0  }
0xd0: {  	[sflag:s12] =	ssyncadd.s32 $0xFFFFF700  }
0xd1: {  	_ =	swait.ge [sflag:s12], $0x1000  }
0xd2: {  	[sflag:s12] =	ssyncset.done $0x0  }
0xd3: {  	[sflag:s12] =	ssyncadd.s32 $0xFFFFF000  }
0xd4: {  	_ =	swait.ge [sflag:s12], $0x900  }
0xd5: {  	[sflag:s12] =	ssyncset.done $0x0  }
0xd6: {  	s5 =	simm.s32 $0x0;
	[sflag:s12] =	ssyncadd.s32 $0xFFFFF700  }
0xd7: {  	v1 =	vld [tilespmem:s5+$0xC820]  }
0xd8: {  	v0 =	vld [tilespmem:s5+$0xC860]  }
0xd9: {  	v2 =	vld [tilespmem:s5+$0xC800]  }
0xda: {  	v6 =	vimm.f32 $0.0e+00;
	v3 =	vld [tilespmem:s5+$0xC840]  }
0xdb: {  	v7 =	vimm.f32 $0.0e+00;
	v8 =	vimm.f32 $0.0e+00;
	v5 =	vimm.f32 $0.0e+00;
	s2 =	simm.s32 $0x200;
	v4 =	vld [tilespmem:s5+$0xC810]  }
.LBB2_11:
0xdc: {  	p0 =	sne.s32 s2, $0x6200;
	v9 =	vld [tilespmem:s5+$0xC850];
	v10 =	vmov v1  }
0xdd: {  	v11 =	vld [tilespmem:s5+$0xC830];
	v12 =	vmov v0  }
0xde: {  	v13 =	vld [tilespmem:s5+$0xC870];
	s5 =	sshra.s32 s2, $0x2  }
.Ltmp4:
0xdf: {  	v1 =	vld [tilespmem:s5+$0xC820];
	(pc) =	sbr.rel @p0 .LBB2_11-.Ltmp4, $4  }
0xe0: {  	v5 =	vadd.f32 v2, v5;
	v6 =	vadd.f32 v3, v6;
	v0 =	vld [tilespmem:s5+$0xC860]  }
0xe1: {  	v7 =	vadd.f32 v4, v7;
	v2 =	vld [tilespmem:s5+$0xC800];
	v8 =	vadd.f32 v9, v8  }
0xe2: {  	v5 =	vadd.f32 v10, v5;
	v6 =	vadd.f32 v12, v6;
	v3 =	vld [tilespmem:s5+$0xC840]  }
0xe3: {  	s2 =	sadd.s32 $0x200, s2;
	v7 =	vadd.f32 v11, v7;
	v4 =	vld [tilespmem:s5+$0xC810];
	v8 =	vadd.f32 v13, v8  }
0xe4: {  	v9 =	vld [tilespmem:s5+$0xC850]  }
0xe5: {  	v10 =	vld [tilespmem:s5+$0xC830]  }
0xe6: {  	v11 =	vld [tilespmem:s5+$0xC870];
	_ =	sdelay $0x1  }
0xe7: {  	v2 =	vadd.f32 v2, v5;
	v3 =	vadd.f32 v3, v6  }
0xe8: {  	v4 =	vadd.f32 v4, v7;
	v5 =	vadd.f32 v9, v8  }
0xe9: {  	v1 =	vadd.f32 v1, v2;
	v0 =	vadd.f32 v0, v3  }
0xea: {  	v2 =	vadd.f32 v10, v4;
	v3 =	vadd.f32 v11, v5  }
0xeb: {  	s2 =	sshll.u32 s4, $0x5;
	v0 =	vadd.f32 v0, v1  }
0xec: {  	s2 =	sand.u32 $0x3FFFFFE0, s2;
	v1 =	vadd.f32 v3, v2  }
0xed: {  	[tilespmem:s2+$0x12C00] =	vst v0  }
0xee: {  	s4 =	simm.s32 $0x0;
	[tilespmem:s2+$0x12C10] =	vst v1  }
0xef: {  	v1 =	vld [tilespmem:s4+$0xE120]  }
0xf0: {  	v0 =	vld [tilespmem:s4+$0xE160]  }
0xf1: {  	v2 =	vld [tilespmem:s4+$0xE100]  }
0xf2: {  	v6 =	vimm.f32 $0.0e+00;
	v3 =	vld [tilespmem:s4+$0xE140]  }
0xf3: {  	v7 =	vimm.f32 $0.0e+00;
	v8 =	vimm.f32 $0.0e+00;
	v5 =	vimm.f32 $0.0e+00;
	s2 =	simm.s32 $0x200;
	v4 =	vld [tilespmem:s4+$0xE110]  }
.LBB2_13:
0xf4: {  	p0 =	sne.s32 s2, $0x6200;
	v9 =	vld [tilespmem:s4+$0xE150];
	v10 =	vmov v1  }
0xf5: {  	v11 =	vld [tilespmem:s4+$0xE130];
	v12 =	vmov v0  }
0xf6: {  	v13 =	vld [tilespmem:s4+$0xE170];
	s4 =	sshra.s32 s2, $0x2  }
.Ltmp5:
0xf7: {  	v1 =	vld [tilespmem:s4+$0xE120];
	(pc) =	sbr.rel @p0 .LBB2_13-.Ltmp5, $4  }
0xf8: {  	v5 =	vadd.f32 v2, v5;
	v6 =	vadd.f32 v3, v6;
	v0 =	vld [tilespmem:s4+$0xE160]  }
0xf9: {  	v7 =	vadd.f32 v4, v7;
	v2 =	vld [tilespmem:s4+$0xE100];
	v8 =	vadd.f32 v9, v8  }
0xfa: {  	v5 =	vadd.f32 v10, v5;
	v6 =	vadd.f32 v12, v6;
	v3 =	vld [tilespmem:s4+$0xE140]  }
0xfb: {  	s2 =	sadd.s32 $0x200, s2;
	v7 =	vadd.f32 v11, v7;
	v4 =	vld [tilespmem:s4+$0xE110];
	v8 =	vadd.f32 v13, v8  }
0xfc: {  	v9 =	vld [tilespmem:s4+$0xE150]  }
0xfd: {  	v10 =	vld [tilespmem:s4+$0xE130]  }
0xfe: {  	v11 =	vld [tilespmem:s4+$0xE170];
	_ =	sdelay $0x1  }
0xff: {  	v2 =	vadd.f32 v2, v5;
	v3 =	vadd.f32 v3, v6  }
0x100: {  	v4 =	vadd.f32 v4, v7;
	v5 =	vadd.f32 v9, v8  }
0x101: {  	v1 =	vadd.f32 v1, v2;
	v0 =	vadd.f32 v0, v3  }
0x102: {  	v2 =	vadd.f32 v10, v4;
	v3 =	vadd.f32 v11, v5  }
0x103: {  	s2 =	sshll.u32 s20, $0x5;
	v0 =	vadd.f32 v0, v1  }
0x104: {  	s2 =	sand.u32 $0x3FFFFFE0, s2;
	v1 =	vadd.f32 v3, v2  }
0x105: {  	[tilespmem:s2+$0x12C00] =	vst v0  }
0x106: {  	s4 =	simm.s32 $0x0;
	[tilespmem:s2+$0x12C10] =	vst v1  }
0x107: {  	v1 =	vld [tilespmem:s4+$0xFA20]  }
0x108: {  	v0 =	vld [tilespmem:s4+$0xFA60]  }
0x109: {  	v2 =	vld [tilespmem:s4+$0xFA00]  }
0x10a: {  	v6 =	vimm.f32 $0.0e+00;
	v3 =	vld [tilespmem:s4+$0xFA40]  }
0x10b: {  	v7 =	vimm.f32 $0.0e+00;
	v8 =	vimm.f32 $0.0e+00;
	v5 =	vimm.f32 $0.0e+00;
	s2 =	simm.s32 $0x200;
	v4 =	vld [tilespmem:s4+$0xFA10]  }
.LBB2_15:
0x10c: {  	p0 =	sne.s32 s2, $0x6200;
	v9 =	vld [tilespmem:s4+$0xFA50];
	v10 =	vmov v1  }
0x10d: {  	v11 =	vld [tilespmem:s4+$0xFA30];
	v12 =	vmov v0  }
0x10e: {  	v13 =	vld [tilespmem:s4+$0xFA70];
	s4 =	sshra.s32 s2, $0x2  }
.Ltmp6:
0x10f: {  	v1 =	vld [tilespmem:s4+$0xFA20];
	(pc) =	sbr.rel @p0 .LBB2_15-.Ltmp6, $4  }
0x110: {  	v5 =	vadd.f32 v2, v5;
	v6 =	vadd.f32 v3, v6;
	v0 =	vld [tilespmem:s4+$0xFA60]  }
0x111: {  	v7 =	vadd.f32 v4, v7;
	v2 =	vld [tilespmem:s4+$0xFA00];
	v8 =	vadd.f32 v9, v8  }
0x112: {  	v5 =	vadd.f32 v10, v5;
	v6 =	vadd.f32 v12, v6;
	v3 =	vld [tilespmem:s4+$0xFA40]  }
0x113: {  	s2 =	sadd.s32 $0x200, s2;
	v7 =	vadd.f32 v11, v7;
	v4 =	vld [tilespmem:s4+$0xFA10];
	v8 =	vadd.f32 v13, v8  }
0x114: {  	v9 =	vld [tilespmem:s4+$0xFA50]  }
0x115: {  	v10 =	vld [tilespmem:s4+$0xFA30]  }
0x116: {  	v11 =	vld [tilespmem:s4+$0xFA70];
	_ =	sdelay $0x1  }
0x117: {  	v2 =	vadd.f32 v2, v5;
	v3 =	vadd.f32 v3, v6  }
0x118: {  	v4 =	vadd.f32 v4, v7;
	v5 =	vadd.f32 v9, v8  }
0x119: {  	v1 =	vadd.f32 v1, v2;
	v0 =	vadd.f32 v0, v3  }
0x11a: {  	v2 =	vadd.f32 v10, v4;
	v3 =	vadd.f32 v11, v5  }
0x11b: {  	s2 =	sshll.u32 s18, $0x5;
	v0 =	vadd.f32 v0, v1  }
0x11c: {  	s2 =	sand.u32 $0x3FFFFFE0, s2;
	v1 =	vadd.f32 v3, v2  }
0x11d: {  	[tilespmem:s2+$0x12C00] =	vst v0  }
0x11e: {  	s4 =	simm.s32 $0x0;
	[tilespmem:s2+$0x12C10] =	vst v1  }
0x11f: {  	v1 =	vld [tilespmem:s4+$0x11320]  }
0x120: {  	v0 =	vld [tilespmem:s4+$0x11360]  }
0x121: {  	v2 =	vld [tilespmem:s4+$0x11300]  }
0x122: {  	v6 =	vimm.f32 $0.0e+00;
	v3 =	vld [tilespmem:s4+$0x11340]  }
0x123: {  	v7 =	vimm.f32 $0.0e+00;
	v8 =	vimm.f32 $0.0e+00;
	v5 =	vimm.f32 $0.0e+00;
	s2 =	simm.s32 $0x200;
	v4 =	vld [tilespmem:s4+$0x11310]  }
.LBB2_17:
0x124: {  	p0 =	sne.s32 s2, $0x6200;
	v9 =	vld [tilespmem:s4+$0x11350];
	v10 =	vmov v1  }
0x125: {  	v11 =	vld [tilespmem:s4+$0x11330];
	v12 =	vmov v0  }
0x126: {  	v13 =	vld [tilespmem:s4+$0x11370];
	s4 =	sshra.s32 s2, $0x2  }
.Ltmp7:
0x127: {  	v1 =	vld [tilespmem:s4+$0x11320];
	(pc) =	sbr.rel @p0 .LBB2_17-.Ltmp7, $4  }
0x128: {  	v5 =	vadd.f32 v2, v5;
	v6 =	vadd.f32 v3, v6;
	v0 =	vld [tilespmem:s4+$0x11360]  }
0x129: {  	v7 =	vadd.f32 v4, v7;
	v2 =	vld [tilespmem:s4+$0x11300];
	v8 =	vadd.f32 v9, v8  }
0x12a: {  	v5 =	vadd.f32 v10, v5;
	v6 =	vadd.f32 v12, v6;
	v3 =	vld [tilespmem:s4+$0x11340]  }
0x12b: {  	s2 =	sadd.s32 $0x200, s2;
	v7 =	vadd.f32 v11, v7;
	v4 =	vld [tilespmem:s4+$0x11310];
	v8 =	vadd.f32 v13, v8  }
0x12c: {  	v9 =	vld [tilespmem:s4+$0x11350]  }
0x12d: {  	v10 =	vld [tilespmem:s4+$0x11330]  }
0x12e: {  	v11 =	vld [tilespmem:s4+$0x11370];
	_ =	sdelay $0x1  }
0x12f: {  	v2 =	vadd.f32 v2, v5;
	v3 =	vadd.f32 v3, v6  }
0x130: {  	s14 =	sadd.s32 $0x1, s14;
	v4 =	vadd.f32 v4, v7;
	v60 =	vadd.f32 v9, v8  }
0x131: {  	p0 =	sne.s32 s14, $0xF;
	v1 =	vadd.f32 v1, v2;
	v0 =	vadd.f32 v0, v3  }
.Ltmp8:
0x132: {  	v61 =	vadd.f32 v10, v4;
	v62 =	vadd.f32 v11, v60;
	(pc) =	sbr.rel @p0 .LBB2_2-.Ltmp8, $4  }
0x133: {  	s2 =	sshll.u32 s16, $0x5;
	v0 =	vadd.f32 v0, v1  }
0x134: {  	s2 =	sand.u32 $0x3FFFFFE0, s2;
	v63 =	vadd.f32 v62, v61  }
0x135: {  	[tilespmem:s2+$0x12C00] =	vst v0  }
0x136: {  	[tilespmem:s2+$0x12C10] =	vst v63  }
0x137: {  	s2 =	simm.s32 $0x60E0  }
0x138: {  	[tilespmem:s24], [sflag:$0x2] =	stream.indirect.gather [hbm4b:s3+s8], $0x20, s2, s8, $0xb8;
	[tilespmem:$0x13C00] =	vst v63  }
0x139: {  	s4 =	simm.s32 $0x6160  }
0x13a: {  	[tilespmem:s25], [sflag:$0x2] =	stream.indirect.gather [hbm4b:s3+s10], $0x20, s4, s10, $0xb8;
	[tilespmem:$0x13C00] =	vst v63  }
0x13b: {  	s5 =	simm.s32 $0x61A8  }
0x13c: {  	[tilespmem:s26], [sflag:$0x2] =	stream.indirect.gather [hbm4b:s3+s8], $0x20, s5, s8, $0xb8;
	[tilespmem:$0x13C00] =	vst v63  }
0x13d: {  	s6 =	simm.s32 $0x6228  }
0x13e: {  	[tilespmem:s28], [sflag:$0x2] =	stream.indirect.gather [hbm4b:s3+s10], $0x20, s6, s10, $0xb8;
	[tilespmem:$0x13C00] =	vst v63  }
0x13f: {  	s14 =	simm.s32 $0x6270  }
0x140: {  	[tilespmem:s29], [sflag:$0x2] =	stream.indirect.gather [hbm4b:s3+s8], $0x20, s14, s8, $0xb8;
	[tilespmem:$0x13C00] =	vst v63  }
0x141: {  	s16 =	simm.s32 $0x62F0  }
0x142: {  	[tilespmem:s30], [sflag:$0x2] =	stream.indirect.gather [hbm4b:s3+s10], $0x20, s16, s10, $0xb8;
	[tilespmem:$0x13C00] =	vst v63  }
0x143: {  	s18 =	simm.s32 $0x6338  }
0x144: {  	[tilespmem:s31], [sflag:$0x2] =	stream.indirect.gather [hbm4b:s3+s8], $0x20, s18, s8, $0xb8;
	[tilespmem:$0x13C00] =	vst v63  }
0x145: {  	s20 =	simm.s32 $0x63B8  }
0x146: {  	[tilespmem:s1], [sflag:$0x2] =	stream.indirect.gather [hbm4b:s3+s10], $0x20, s20, s10, $0xb8;
	[tilespmem:$0x13C00] =	vst v63  }
0x147: {  	_ =	swait.ge [sflag:s0], $0x1000  }
0x148: {  	[sflag:s0] =	ssyncset.done $0x0  }
0x149: {  	[sflag:s0] =	ssyncadd.s32 $0xFFFFF000  }
0x14a: {  	_ =	swait.ge [sflag:s0], $0x900  }
0x14b: {  	[sflag:s0] =	ssyncset.done $0x0  }
0x14c: {  	[sflag:s0] =	ssyncadd.s32 $0xFFFFF700  }
0x14d: {  	_ =	swait.ge [sflag:s0], $0x1000  }
0x14e: {  	[sflag:s0] =	ssyncset.done $0x0  }
0x14f: {  	[sflag:s0] =	ssyncadd.s32 $0xFFFFF000  }
0x150: {  	_ =	swait.ge [sflag:s0], $0x900  }
0x151: {  	[sflag:s0] =	ssyncset.done $0x0  }
0x152: {  	[sflag:s0] =	ssyncadd.s32 $0xFFFFF700  }
0x153: {  	_ =	swait.ge [sflag:s0], $0x1000  }
0x154: {  	[sflag:s0] =	ssyncset.done $0x0  }
0x155: {  	[sflag:s0] =	ssyncadd.s32 $0xFFFFF000  }
0x156: {  	_ =	swait.ge [sflag:s0], $0x900  }
0x157: {  	[sflag:s0] =	ssyncset.done $0x0  }
0x158: {  	[sflag:s0] =	ssyncadd.s32 $0xFFFFF700  }
0x159: {  	_ =	swait.ge [sflag:s0], $0x1000  }
0x15a: {  	[sflag:s0] =	ssyncset.done $0x0  }
0x15b: {  	[sflag:s0] =	ssyncadd.s32 $0xFFFFF000  }
0x15c: {  	_ =	swait.ge [sflag:s0], $0x900  }
0x15d: {  	[sflag:s0] =	ssyncset.done $0x0  }
0x15e: {  	s4 =	simm.s32 $0x0;
	[sflag:s0] =	ssyncadd.s32 $0xFFFFF700  }
0x15f: {  	v1 =	vld [tilespmem:s4+$0x6420]  }
0x160: {  	v0 =	vld [tilespmem:s4+$0x6460]  }
0x161: {  	v2 =	vld [tilespmem:s4+$0x6400]  }
0x162: {  	v5 =	vimm.f32 $0.0e+00;
	v3 =	vld [tilespmem:s4+$0x6440]  }
0x163: {  	v6 =	vimm.f32 $0.0e+00;
	v7 =	vimm.f32 $0.0e+00;
	v8 =	vimm.f32 $0.0e+00;
	s2 =	simm.s32 $0x200;
	v4 =	vld [tilespmem:s4+$0x6410]  }
.LBB2_20:
0x164: {  	p0 =	sne.s32 s2, $0x6200;
	v9 =	vld [tilespmem:s4+$0x6450];
	v10 =	vmov v1  }
0x165: {  	v11 =	vld [tilespmem:s4+$0x6430];
	v12 =	vmov v0  }
0x166: {  	v13 =	vld [tilespmem:s4+$0x6470];
	s4 =	sshra.s32 s2, $0x2  }
.Ltmp9:
0x167: {  	v1 =	vld [tilespmem:s4+$0x6420];
	(pc) =	sbr.rel @p0 .LBB2_20-.Ltmp9, $4  }
0x168: {  	v5 =	vadd.f32 v2, v5;
	v6 =	vadd.f32 v3, v6;
	v0 =	vld [tilespmem:s4+$0x6460]  }
0x169: {  	v7 =	vadd.f32 v4, v7;
	v2 =	vld [tilespmem:s4+$0x6400];
	v8 =	vadd.f32 v9, v8  }
0x16a: {  	v5 =	vadd.f32 v10, v5;
	v6 =	vadd.f32 v12, v6;
	v3 =	vld [tilespmem:s4+$0x6440]  }
0x16b: {  	s2 =	sadd.s32 $0x200, s2;
	v7 =	vadd.f32 v11, v7;
	v4 =	vld [tilespmem:s4+$0x6410];
	v8 =	vadd.f32 v13, v8  }
0x16c: {  	v9 =	vld [tilespmem:s4+$0x6450]  }
0x16d: {  	v10 =	vld [tilespmem:s4+$0x6430]  }
0x16e: {  	v11 =	vld [tilespmem:s4+$0x6470];
	_ =	sdelay $0x1  }
0x16f: {  	v2 =	vadd.f32 v2, v5;
	v3 =	vadd.f32 v3, v6  }
0x170: {  	v4 =	vadd.f32 v4, v7;
	v5 =	vadd.f32 v9, v8  }
0x171: {  	v1 =	vadd.f32 v1, v2;
	v0 =	vadd.f32 v0, v3  }
0x172: {  	v2 =	vadd.f32 v10, v4;
	v3 =	vadd.f32 v11, v5  }
0x173: {  	v0 =	vadd.f32 v0, v1  }
0x174: {  	v1 =	vadd.f32 v3, v2  }
0x175: {  	[tilespmem:$0x13B00] =	vst v0  }
0x176: {  	s4 =	simm.s32 $0x0;
	[tilespmem:$0x13B10] =	vst v1  }
0x177: {  	v1 =	vld [tilespmem:s4+$0x7D20]  }
0x178: {  	v0 =	vld [tilespmem:s4+$0x7D60]  }
0x179: {  	v2 =	vld [tilespmem:s4+$0x7D00]  }
0x17a: {  	v6 =	vimm.f32 $0.0e+00;
	v3 =	vld [tilespmem:s4+$0x7D40]  }
0x17b: {  	s2 =	simm.s32 $0x200;
	s6 =	simm.s32 $0x0;
	v7 =	vimm.f32 $0.0e+00;
	v8 =	vimm.f32 $0.0e+00;
	v5 =	vimm.f32 $0.0e+00;
	v4 =	vld [tilespmem:s4+$0x7D10]  }
.LBB2_22:
0x17c: {  	p0 =	sne.s32 s2, $0x6200;
	v9 =	vld [tilespmem:s4+$0x7D50];
	v10 =	vmov v1  }
0x17d: {  	v11 =	vld [tilespmem:s4+$0x7D30];
	v12 =	vmov v0  }
0x17e: {  	v13 =	vld [tilespmem:s4+$0x7D70];
	s4 =	sshra.s32 s2, $0x2  }
.Ltmp10:
0x17f: {  	v1 =	vld [tilespmem:s4+$0x7D20];
	(pc) =	sbr.rel @p0 .LBB2_22-.Ltmp10, $4  }
0x180: {  	v5 =	vadd.f32 v2, v5;
	v6 =	vadd.f32 v3, v6;
	v0 =	vld [tilespmem:s4+$0x7D60]  }
0x181: {  	v7 =	vadd.f32 v4, v7;
	v2 =	vld [tilespmem:s4+$0x7D00];
	v8 =	vadd.f32 v9, v8  }
0x182: {  	v5 =	vadd.f32 v10, v5;
	v6 =	vadd.f32 v12, v6;
	v3 =	vld [tilespmem:s4+$0x7D40]  }
0x183: {  	s2 =	sadd.s32 $0x200, s2;
	v7 =	vadd.f32 v11, v7;
	v4 =	vld [tilespmem:s4+$0x7D10];
	v8 =	vadd.f32 v13, v8  }
0x184: {  	v9 =	vld [tilespmem:s4+$0x7D50]  }
0x185: {  	v10 =	vld [tilespmem:s4+$0x7D30]  }
0x186: {  	v11 =	vld [tilespmem:s4+$0x7D70];
	_ =	sdelay $0x1  }
0x187: {  	v2 =	vadd.f32 v2, v5;
	v3 =	vadd.f32 v3, v6  }
0x188: {  	v4 =	vadd.f32 v4, v7;
	v5 =	vadd.f32 v9, v8  }
0x189: {  	v1 =	vadd.f32 v1, v2;
	v0 =	vadd.f32 v0, v3  }
0x18a: {  	v2 =	vadd.f32 v10, v4;
	v3 =	vadd.f32 v11, v5  }
0x18b: {  	v0 =	vadd.f32 v0, v1  }
0x18c: {  	v1 =	vadd.f32 v3, v2  }
0x18d: {  	[tilespmem:$0x13B20] =	vst v0  }
0x18e: {  	s4 =	simm.s32 $0x0;
	[tilespmem:$0x13B30] =	vst v1  }
0x18f: {  	v1 =	vld [tilespmem:s4+$0x9620]  }
0x190: {  	v0 =	vld [tilespmem:s4+$0x9660]  }
0x191: {  	v2 =	vld [tilespmem:s4+$0x9600]  }
0x192: {  	v6 =	vimm.f32 $0.0e+00;
	v3 =	vld [tilespmem:s4+$0x9640]  }
0x193: {  	s2 =	simm.s32 $0x200;
	v7 =	vimm.f32 $0.0e+00;
	v8 =	vimm.f32 $0.0e+00;
	v5 =	vimm.f32 $0.0e+00;
	v4 =	vld [tilespmem:s4+$0x9610]  }
.LBB2_24:
0x194: {  	p0 =	sne.s32 s2, $0x6200;
	v9 =	vld [tilespmem:s4+$0x9650];
	v10 =	vmov v1  }
0x195: {  	v11 =	vld [tilespmem:s4+$0x9630];
	v12 =	vmov v0  }
0x196: {  	v13 =	vld [tilespmem:s4+$0x9670];
	s4 =	sshra.s32 s2, $0x2  }
.Ltmp11:
0x197: {  	v1 =	vld [tilespmem:s4+$0x9620];
	(pc) =	sbr.rel @p0 .LBB2_24-.Ltmp11, $4  }
0x198: {  	v5 =	vadd.f32 v2, v5;
	v6 =	vadd.f32 v3, v6;
	v0 =	vld [tilespmem:s4+$0x9660]  }
0x199: {  	v7 =	vadd.f32 v4, v7;
	v2 =	vld [tilespmem:s4+$0x9600];
	v8 =	vadd.f32 v9, v8  }
0x19a: {  	v5 =	vadd.f32 v10, v5;
	v6 =	vadd.f32 v12, v6;
	v3 =	vld [tilespmem:s4+$0x9640]  }
0x19b: {  	s2 =	sadd.s32 $0x200, s2;
	v7 =	vadd.f32 v11, v7;
	v4 =	vld [tilespmem:s4+$0x9610];
	v8 =	vadd.f32 v13, v8  }
0x19c: {  	v9 =	vld [tilespmem:s4+$0x9650]  }
0x19d: {  	v10 =	vld [tilespmem:s4+$0x9630]  }
0x19e: {  	v11 =	vld [tilespmem:s4+$0x9670];
	_ =	sdelay $0x1  }
0x19f: {  	v2 =	vadd.f32 v2, v5;
	v3 =	vadd.f32 v3, v6  }
0x1a0: {  	v4 =	vadd.f32 v4, v7;
	v5 =	vadd.f32 v9, v8  }
0x1a1: {  	v1 =	vadd.f32 v1, v2;
	v0 =	vadd.f32 v0, v3  }
0x1a2: {  	v2 =	vadd.f32 v10, v4;
	v3 =	vadd.f32 v11, v5  }
0x1a3: {  	v0 =	vadd.f32 v0, v1  }
0x1a4: {  	v1 =	vadd.f32 v3, v2  }
0x1a5: {  	[tilespmem:$0x13B40] =	vst v0  }
0x1a6: {  	s4 =	simm.s32 $0x0;
	[tilespmem:$0x13B50] =	vst v1  }
0x1a7: {  	v1 =	vld [tilespmem:s4+$0xAF20]  }
0x1a8: {  	v0 =	vld [tilespmem:s4+$0xAF60]  }
0x1a9: {  	v2 =	vld [tilespmem:s4+$0xAF00]  }
0x1aa: {  	v6 =	vimm.f32 $0.0e+00;
	v3 =	vld [tilespmem:s4+$0xAF40]  }
0x1ab: {  	s2 =	simm.s32 $0x200;
	v7 =	vimm.f32 $0.0e+00;
	v8 =	vimm.f32 $0.0e+00;
	v5 =	vimm.f32 $0.0e+00;
	v4 =	vld [tilespmem:s4+$0xAF10]  }
.LBB2_26:
0x1ac: {  	p0 =	sne.s32 s2, $0x6200;
	v9 =	vld [tilespmem:s4+$0xAF50];
	v10 =	vmov v1  }
0x1ad: {  	v11 =	vld [tilespmem:s4+$0xAF30];
	v12 =	vmov v0  }
0x1ae: {  	v13 =	vld [tilespmem:s4+$0xAF70];
	s4 =	sshra.s32 s2, $0x2  }
.Ltmp12:
0x1af: {  	v1 =	vld [tilespmem:s4+$0xAF20];
	(pc) =	sbr.rel @p0 .LBB2_26-.Ltmp12, $4  }
0x1b0: {  	v5 =	vadd.f32 v2, v5;
	v6 =	vadd.f32 v3, v6;
	v0 =	vld [tilespmem:s4+$0xAF60]  }
0x1b1: {  	v7 =	vadd.f32 v4, v7;
	v2 =	vld [tilespmem:s4+$0xAF00];
	v8 =	vadd.f32 v9, v8  }
0x1b2: {  	v5 =	vadd.f32 v10, v5;
	v6 =	vadd.f32 v12, v6;
	v3 =	vld [tilespmem:s4+$0xAF40]  }
0x1b3: {  	s2 =	sadd.s32 $0x200, s2;
	v7 =	vadd.f32 v11, v7;
	v4 =	vld [tilespmem:s4+$0xAF10];
	v8 =	vadd.f32 v13, v8  }
0x1b4: {  	v9 =	vld [tilespmem:s4+$0xAF50]  }
0x1b5: {  	v10 =	vld [tilespmem:s4+$0xAF30]  }
0x1b6: {  	v11 =	vld [tilespmem:s4+$0xAF70];
	_ =	sdelay $0x1  }
0x1b7: {  	v2 =	vadd.f32 v2, v5;
	v3 =	vadd.f32 v3, v6  }
0x1b8: {  	v4 =	vadd.f32 v4, v7;
	v5 =	vadd.f32 v9, v8  }
0x1b9: {  	v1 =	vadd.f32 v1, v2;
	v0 =	vadd.f32 v0, v3  }
0x1ba: {  	v2 =	vadd.f32 v10, v4;
	v3 =	vadd.f32 v11, v5  }
0x1bb: {  	v0 =	vadd.f32 v0, v1  }
0x1bc: {  	v1 =	vadd.f32 v3, v2  }
0x1bd: {  	[tilespmem:$0x13B60] =	vst v0  }
0x1be: {  	[tilespmem:$0x13B70] =	vst v1  }
0x1bf: {  	_ =	swait.ge [sflag:s12], $0x1000  }
0x1c0: {  	[sflag:s12] =	ssyncset.done $0x0  }
0x1c1: {  	[sflag:s12] =	ssyncadd.s32 $0xFFFFF000  }
0x1c2: {  	_ =	swait.ge [sflag:s12], $0x900  }
0x1c3: {  	[sflag:s12] =	ssyncset.done $0x0  }
0x1c4: {  	[sflag:s12] =	ssyncadd.s32 $0xFFFFF700  }
0x1c5: {  	_ =	swait.ge [sflag:s12], $0x1000  }
0x1c6: {  	[sflag:s12] =	ssyncset.done $0x0  }
0x1c7: {  	[sflag:s12] =	ssyncadd.s32 $0xFFFFF000  }
0x1c8: {  	_ =	swait.ge [sflag:s12], $0x900  }
0x1c9: {  	[sflag:s12] =	ssyncset.done $0x0  }
0x1ca: {  	[sflag:s12] =	ssyncadd.s32 $0xFFFFF700  }
0x1cb: {  	_ =	swait.ge [sflag:s12], $0x1000  }
0x1cc: {  	[sflag:s12] =	ssyncset.done $0x0  }
0x1cd: {  	[sflag:s12] =	ssyncadd.s32 $0xFFFFF000  }
0x1ce: {  	_ =	swait.ge [sflag:s12], $0x900  }
0x1cf: {  	[sflag:s12] =	ssyncset.done $0x0  }
0x1d0: {  	[sflag:s12] =	ssyncadd.s32 $0xFFFFF700  }
0x1d1: {  	_ =	swait.ge [sflag:s12], $0x1000  }
0x1d2: {  	[sflag:s12] =	ssyncset.done $0x0  }
0x1d3: {  	[sflag:s12] =	ssyncadd.s32 $0xFFFFF000  }
0x1d4: {  	_ =	swait.ge [sflag:s12], $0x900  }
0x1d5: {  	[sflag:s12] =	ssyncset.done $0x0  }
0x1d6: {  	s4 =	simm.s32 $0x0;
	[sflag:s12] =	ssyncadd.s32 $0xFFFFF700  }
0x1d7: {  	v1 =	vld [tilespmem:s4+$0xC820]  }
0x1d8: {  	v0 =	vld [tilespmem:s4+$0xC860]  }
0x1d9: {  	v2 =	vld [tilespmem:s4+$0xC800]  }
0x1da: {  	v6 =	vimm.f32 $0.0e+00;
	v3 =	vld [tilespmem:s4+$0xC840]  }
0x1db: {  	s2 =	simm.s32 $0x200;
	v7 =	vimm.f32 $0.0e+00;
	v8 =	vimm.f32 $0.0e+00;
	v5 =	vimm.f32 $0.0e+00;
	v4 =	vld [tilespmem:s4+$0xC810]  }
.LBB2_28:
0x1dc: {  	p0 =	sne.s32 s2, $0x6200;
	v9 =	vld [tilespmem:s4+$0xC850];
	v10 =	vmov v1  }
0x1dd: {  	v11 =	vld [tilespmem:s4+$0xC830];
	v12 =	vmov v0  }
0x1de: {  	v13 =	vld [tilespmem:s4+$0xC870];
	s4 =	sshra.s32 s2, $0x2  }
.Ltmp13:
0x1df: {  	v1 =	vld [tilespmem:s4+$0xC820];
	(pc) =	sbr.rel @p0 .LBB2_28-.Ltmp13, $4  }
0x1e0: {  	v5 =	vadd.f32 v2, v5;
	v6 =	vadd.f32 v3, v6;
	v0 =	vld [tilespmem:s4+$0xC860]  }
0x1e1: {  	v7 =	vadd.f32 v4, v7;
	v2 =	vld [tilespmem:s4+$0xC800];
	v8 =	vadd.f32 v9, v8  }
0x1e2: {  	v5 =	vadd.f32 v10, v5;
	v6 =	vadd.f32 v12, v6;
	v3 =	vld [tilespmem:s4+$0xC840]  }
0x1e3: {  	s2 =	sadd.s32 $0x200, s2;
	v7 =	vadd.f32 v11, v7;
	v4 =	vld [tilespmem:s4+$0xC810];
	v8 =	vadd.f32 v13, v8  }
0x1e4: {  	v9 =	vld [tilespmem:s4+$0xC850]  }
0x1e5: {  	v10 =	vld [tilespmem:s4+$0xC830]  }
0x1e6: {  	v11 =	vld [tilespmem:s4+$0xC870];
	_ =	sdelay $0x1  }
0x1e7: {  	v2 =	vadd.f32 v2, v5;
	v3 =	vadd.f32 v3, v6  }
0x1e8: {  	v4 =	vadd.f32 v4, v7;
	v5 =	vadd.f32 v9, v8  }
0x1e9: {  	v1 =	vadd.f32 v1, v2;
	v0 =	vadd.f32 v0, v3  }
0x1ea: {  	v2 =	vadd.f32 v10, v4;
	v3 =	vadd.f32 v11, v5  }
0x1eb: {  	v0 =	vadd.f32 v0, v1  }
0x1ec: {  	v1 =	vadd.f32 v3, v2  }
0x1ed: {  	[tilespmem:$0x13B80] =	vst v0  }
0x1ee: {  	s4 =	simm.s32 $0x0;
	[tilespmem:$0x13B90] =	vst v1  }
0x1ef: {  	v1 =	vld [tilespmem:s4+$0xE120]  }
0x1f0: {  	v0 =	vld [tilespmem:s4+$0xE160]  }
0x1f1: {  	v2 =	vld [tilespmem:s4+$0xE100]  }
0x1f2: {  	v6 =	vimm.f32 $0.0e+00;
	v3 =	vld [tilespmem:s4+$0xE140]  }
0x1f3: {  	s2 =	simm.s32 $0x200;
	v7 =	vimm.f32 $0.0e+00;
	v8 =	vimm.f32 $0.0e+00;
	v5 =	vimm.f32 $0.0e+00;
	v4 =	vld [tilespmem:s4+$0xE110]  }
.LBB2_30:
0x1f4: {  	p0 =	sne.s32 s2, $0x6200;
	v9 =	vld [tilespmem:s4+$0xE150];
	v10 =	vmov v1  }
0x1f5: {  	v11 =	vld [tilespmem:s4+$0xE130];
	v12 =	vmov v0  }
0x1f6: {  	v13 =	vld [tilespmem:s4+$0xE170];
	s4 =	sshra.s32 s2, $0x2  }
.Ltmp14:
0x1f7: {  	v1 =	vld [tilespmem:s4+$0xE120];
	(pc) =	sbr.rel @p0 .LBB2_30-.Ltmp14, $4  }
0x1f8: {  	v5 =	vadd.f32 v2, v5;
	v6 =	vadd.f32 v3, v6;
	v0 =	vld [tilespmem:s4+$0xE160]  }
0x1f9: {  	v7 =	vadd.f32 v4, v7;
	v2 =	vld [tilespmem:s4+$0xE100];
	v8 =	vadd.f32 v9, v8  }
0x1fa: {  	v5 =	vadd.f32 v10, v5;
	v6 =	vadd.f32 v12, v6;
	v3 =	vld [tilespmem:s4+$0xE140]  }
0x1fb: {  	s2 =	sadd.s32 $0x200, s2;
	v7 =	vadd.f32 v11, v7;
	v4 =	vld [tilespmem:s4+$0xE110];
	v8 =	vadd.f32 v13, v8  }
0x1fc: {  	v9 =	vld [tilespmem:s4+$0xE150]  }
0x1fd: {  	v10 =	vld [tilespmem:s4+$0xE130]  }
0x1fe: {  	v11 =	vld [tilespmem:s4+$0xE170];
	_ =	sdelay $0x1  }
0x1ff: {  	v2 =	vadd.f32 v2, v5;
	v3 =	vadd.f32 v3, v6  }
0x200: {  	v4 =	vadd.f32 v4, v7;
	v5 =	vadd.f32 v9, v8  }
0x201: {  	v1 =	vadd.f32 v1, v2;
	v0 =	vadd.f32 v0, v3  }
0x202: {  	v2 =	vadd.f32 v10, v4;
	v3 =	vadd.f32 v11, v5  }
0x203: {  	v0 =	vadd.f32 v0, v1  }
0x204: {  	v1 =	vadd.f32 v3, v2  }
0x205: {  	[tilespmem:$0x13BA0] =	vst v0  }
0x206: {  	s4 =	simm.s32 $0x0;
	[tilespmem:$0x13BB0] =	vst v1  }
0x207: {  	v1 =	vld [tilespmem:s4+$0xFA20]  }
0x208: {  	v0 =	vld [tilespmem:s4+$0xFA60]  }
0x209: {  	v2 =	vld [tilespmem:s4+$0xFA00]  }
0x20a: {  	v6 =	vimm.f32 $0.0e+00;
	v3 =	vld [tilespmem:s4+$0xFA40]  }
0x20b: {  	s2 =	simm.s32 $0x200;
	v7 =	vimm.f32 $0.0e+00;
	v8 =	vimm.f32 $0.0e+00;
	v5 =	vimm.f32 $0.0e+00;
	v4 =	vld [tilespmem:s4+$0xFA10]  }
.LBB2_32:
0x20c: {  	p0 =	sne.s32 s2, $0x6200;
	v9 =	vld [tilespmem:s4+$0xFA50];
	v10 =	vmov v1  }
0x20d: {  	v11 =	vld [tilespmem:s4+$0xFA30];
	v12 =	vmov v0  }
0x20e: {  	v13 =	vld [tilespmem:s4+$0xFA70];
	s4 =	sshra.s32 s2, $0x2  }
.Ltmp15:
0x20f: {  	v1 =	vld [tilespmem:s4+$0xFA20];
	(pc) =	sbr.rel @p0 .LBB2_32-.Ltmp15, $4  }
0x210: {  	v5 =	vadd.f32 v2, v5;
	v6 =	vadd.f32 v3, v6;
	v0 =	vld [tilespmem:s4+$0xFA60]  }
0x211: {  	v7 =	vadd.f32 v4, v7;
	v2 =	vld [tilespmem:s4+$0xFA00];
	v8 =	vadd.f32 v9, v8  }
0x212: {  	v5 =	vadd.f32 v10, v5;
	v6 =	vadd.f32 v12, v6;
	v3 =	vld [tilespmem:s4+$0xFA40]  }
0x213: {  	s2 =	sadd.s32 $0x200, s2;
	v7 =	vadd.f32 v11, v7;
	v4 =	vld [tilespmem:s4+$0xFA10];
	v8 =	vadd.f32 v13, v8  }
0x214: {  	v9 =	vld [tilespmem:s4+$0xFA50]  }
0x215: {  	v10 =	vld [tilespmem:s4+$0xFA30]  }
0x216: {  	v11 =	vld [tilespmem:s4+$0xFA70];
	_ =	sdelay $0x1  }
0x217: {  	v2 =	vadd.f32 v2, v5;
	v3 =	vadd.f32 v3, v6  }
0x218: {  	v4 =	vadd.f32 v4, v7;
	v5 =	vadd.f32 v9, v8  }
0x219: {  	v1 =	vadd.f32 v1, v2;
	v0 =	vadd.f32 v0, v3  }
0x21a: {  	v2 =	vadd.f32 v10, v4;
	v3 =	vadd.f32 v11, v5  }
0x21b: {  	v0 =	vadd.f32 v0, v1  }
0x21c: {  	v1 =	vadd.f32 v3, v2  }
0x21d: {  	[tilespmem:$0x13BC0] =	vst v0  }
0x21e: {  	s4 =	simm.s32 $0x0;
	[tilespmem:$0x13BD0] =	vst v1  }
0x21f: {  	v1 =	vld [tilespmem:s4+$0x11320]  }
0x220: {  	v0 =	vld [tilespmem:s4+$0x11360]  }
0x221: {  	v2 =	vld [tilespmem:s4+$0x11300]  }
0x222: {  	v6 =	vimm.f32 $0.0e+00;
	v3 =	vld [tilespmem:s4+$0x11340]  }
0x223: {  	s2 =	simm.s32 $0x200;
	v7 =	vimm.f32 $0.0e+00;
	v8 =	vimm.f32 $0.0e+00;
	v5 =	vimm.f32 $0.0e+00;
	v4 =	vld [tilespmem:s4+$0x11310]  }
.LBB2_34:
0x224: {  	p0 =	sne.s32 s2, $0x6200;
	v9 =	vld [tilespmem:s4+$0x11350];
	v10 =	vmov v1  }
0x225: {  	v11 =	vld [tilespmem:s4+$0x11330];
	v12 =	vmov v0  }
0x226: {  	v13 =	vld [tilespmem:s4+$0x11370];
	s4 =	sshra.s32 s2, $0x2  }
.Ltmp16:
0x227: {  	v1 =	vld [tilespmem:s4+$0x11320];
	(pc) =	sbr.rel @p0 .LBB2_34-.Ltmp16, $4  }
0x228: {  	v5 =	vadd.f32 v2, v5;
	v6 =	vadd.f32 v3, v6;
	v0 =	vld [tilespmem:s4+$0x11360]  }
0x229: {  	v7 =	vadd.f32 v4, v7;
	v2 =	vld [tilespmem:s4+$0x11300];
	v8 =	vadd.f32 v9, v8  }
0x22a: {  	v5 =	vadd.f32 v10, v5;
	v6 =	vadd.f32 v12, v6;
	v3 =	vld [tilespmem:s4+$0x11340]  }
0x22b: {  	s2 =	sadd.s32 $0x200, s2;
	v7 =	vadd.f32 v11, v7;
	v4 =	vld [tilespmem:s4+$0x11310];
	v8 =	vadd.f32 v13, v8  }
0x22c: {  	v9 =	vld [tilespmem:s4+$0x11350]  }
0x22d: {  	v10 =	vld [tilespmem:s4+$0x11330]  }
0x22e: {  	v11 =	vld [tilespmem:s4+$0x11370];
	_ =	sdelay $0x1  }
0x22f: {  	v2 =	vadd.f32 v2, v5;
	v3 =	vadd.f32 v3, v6  }
0x230: {  	v4 =	vadd.f32 v4, v7;
	v60 =	vadd.f32 v9, v8  }
0x231: {  	v1 =	vadd.f32 v1, v2;
	v0 =	vadd.f32 v0, v3  }
0x232: {  	v61 =	vadd.f32 v10, v4;
	v62 =	vadd.f32 v11, v60  }
0x233: {  	v0 =	vadd.f32 v0, v1  }
0x234: {  	v63 =	vadd.f32 v62, v61  }
0x235: {  	[tilespmem:$0x13BE0] =	vst v0  }
0x236: {  	s2 =	rddreg [dreg:$0x3];
	s18 =	simm.s32 $0x12C00;
	[tilespmem:$0x13BF0] =	vst v63  }
0x237: {  	[hbm4b:s2+s6] =	stream.linear.scatter [tilespmem:s18], [sflag:$0x3], $0x1000, $0x38;
	[tilespmem:$0x13C00] =	vst v63  }
0x238: {  	_ =	swait.ge [sflag:s7], $0x1000  }
0x239: {  	s22 =	sadd.s32 $0x1, s22;
	s20 =	rddreg [dreg:$0x4]  }
0x23a: {  	p0 =	sne.s32 s22, s20  }
.Ltmp17:
0x23b: {  	_ = 	snop;
	(pc) =	sbr.rel @p0 .LBB2_1-.Ltmp17, $3  }
0x23c: {  	_ =	sdelay $0x1  }
0x23d: {  	[sflag:s7] =	ssyncset.done $0x0  }
0x23e: {  	[sflag:s7] =	ssyncadd.s32 $0xFFFFF000  }
0x23f: {  	_ =	sfence.sel $0x180000  }
0x240: {  	[bflag:$0x0] =	sbarrier.arrive $0xFFFF  }
0x241: {  	_ =	strace $0x90000047  }
0x242: {  	s0 =	stileid.u32;
	[bflag:$0x2] =	sbarrier.arrive $0xFFFF  }
0x243: {  	p0 =	sne.s32 s0, $0x0;
	s0 =	rddreg [dreg:$0x1]  }
0x244: {  	s0 =	sadd.s32 @!p0 $0x100000, s0  }
0x245: {  	[sflag:s0] =	ssyncadd.tile.s32 @!p0 $0x1;
	_ =	shalt  }
.Lfunc_end2:
_tile_overlayer_lowered:
.L_overlay_start_2:
0x246: {  	(tag) =	ssettag $0x2  }
0x247: {  	s0 =	rddreg [dreg:$0x0];
	s2 =	stileid.u32  }
0x248: {  	s1 =	rddreg [dreg:$0x1];
	p0 =	sne.s32 s2, $0x0  }
0x249: {  	s3 =	rddreg [dreg:$0x2];
	[bflag:$0x3] =	sbarrier.arrive $0xFFFF;
	s2 =	simm.s32 @!p0 $0x1C03  }
0x24a: {  	[timem:s3], [sflag:s2] =	dma.local @!p0 [hbm:s0], s1  }
0x24b: {  	s0 =	simm.s32 @!p0 $0x3  }
0x24c: {  	_ =	swait.ge @!p0 [sflag:s0], s1  }
0x24d: {  	s1 =	ssub.s32 @!p0 $0x0, s1;
	[sflag:s0] =	ssyncset.done @!p0 $0x0  }
0x24e: {  	[sflag:s0] =	ssyncadd.s32 @!p0 s1  }
0x24f: {  	[bflag:$0x3] =	sbarrier.arrive $0xFFFF  }
0x250: {  	_ =	shalt  }

</sc_bundles>
